<compile_context>
chip_gen: v7x
topology: tpu7x:2x2x1
jax: 0.10.2.dev20260603
libtpu: 0.0.44.dev20260713+nightly
codegen_flags: <defaults>
</compile_context>

<pallas_src>
import functools

import jax
import jax.numpy as jnp
from jax import lax
from jax.experimental import pallas as pl
from jax.experimental.pallas import tpu as pltpu
from jax.experimental.pallas import tpu_sc as plsc

NC, NS, L = 2, 16, 16
NW = NC * NS

SW = 128
DW = 128
AW = 128
ACW = 72
DSW = 16


def _edge_kernel(N, EPW, H, B):
    NBLK = EPW // B
    assert NBLK * B == EPW and NBLK % 2 == 1 and NBLK >= 3
    assert B % 8 == 0 and EPW % 8 == 0
    NPAIR = (NBLK - 1) // 2
    NA = N + 8
    NPT = ((N // NS) + 7) // 8 * 8
    NPT_LAST = N - (NS - 1) * NPT
    mesh = plsc.VectorSubcoreMesh(
        core_axis_name="c", subcore_axis_name="s",
        num_cores=NC, num_subcores=NS)

    @functools.partial(
        pl.kernel,
        out_type=jax.ShapeDtypeStruct((NC, NA, AW), jnp.float32),
        mesh=mesh,
        compiler_params=pltpu.CompilerParams(
            needs_layout_passes=False, use_tc_tiling_on_sc=False),
        scratch_types=[
            pltpu.VMEM_SHARED((NA, ACW), jnp.float32),
            pltpu.VMEM_SHARED((NA, DSW), jnp.float32),
            pltpu.VMEM((EPW,), jnp.int32),
            pltpu.VMEM((EPW,), jnp.int32),
            pltpu.VMEM((B,), jnp.int32),
            pltpu.VMEM((B,), jnp.int32),
            pltpu.VMEM((B, SW), jnp.float32),
            pltpu.VMEM((B, SW), jnp.float32),
            pltpu.VMEM((B, DSW), jnp.float32),
            pltpu.VMEM((B, DSW), jnp.float32),
            pltpu.VMEM((B, ACW), jnp.float32),
            pltpu.VMEM((B, ACW), jnp.float32),
            pltpu.VMEM((1, L), jnp.float32),
            pltpu.SemaphoreType.DMA,
            pltpu.SemaphoreType.DMA,
            pltpu.SemaphoreType.DMA,
            pltpu.SemaphoreType.DMA,
            pltpu.SemaphoreType.DMA,
            pltpu.SemaphoreType.DMA,
        ],
    )
    def k(src_tab, adst_tab, esrc, edst, agx, zrows, out,
          acc, dtab, sidx_all, didx_all, dS0, dS1,
          sr0, sr1, dr0, dr1, or0, or1, ag,
          sems0, sems1, semd0, semd1, semo0, semo1):
        cid = lax.axis_index("c")
        sid = lax.axis_index("s")
        wid = cid * NS + sid
        ebase = wid * EPW

        @pl.when(sid < NS - 1)
        def _():
            pltpu.sync_copy(zrows.at[pl.ds(0, NPT), pl.ds(0, ACW)],
                            acc.at[pl.ds(sid * NPT, NPT)])
            pltpu.sync_copy(adst_tab.at[pl.ds(sid * NPT, NPT), pl.ds(0, DSW)],
                            dtab.at[pl.ds(sid * NPT, NPT)])

        @pl.when(sid == NS - 1)
        def _():
            pltpu.sync_copy(zrows.at[pl.ds(0, NPT_LAST), pl.ds(0, ACW)],
                            acc.at[pl.ds((NS - 1) * NPT, NPT_LAST)])
            pltpu.sync_copy(
                adst_tab.at[pl.ds((NS - 1) * NPT, NPT_LAST), pl.ds(0, DSW)],
                dtab.at[pl.ds((NS - 1) * NPT, NPT_LAST)])
        pltpu.sync_copy(esrc.at[pl.ds(ebase, EPW)], sidx_all)
        pltpu.sync_copy(edst.at[pl.ds(ebase, EPW)], didx_all)
        pltpu.sync_copy(agx, ag)
        plsc.subcore_barrier()

        agv = ag[0, :]

        sets = [
            (dS0, sr0, dr0, or0, sems0, semd0, semo0),
            (dS1, sr1, dr1, or1, sems1, semd1, semo1),
        ]

        def idx_slices(b):
            off = pl.multiple_of(b * B, 8)
            return sidx_all.at[pl.ds(off, B)], didx_all.at[pl.ds(off, B)]

        def issue_loads(b, st):
            _, srows, drows, _, sems, semd, _ = st
            sidx, didx = idx_slices(b)
            pltpu.async_copy(src_tab.at[sidx], srows, sems)
            pltpu.async_copy(dtab.at[didx], drows, semd)

        def process(b, cur, nxt, prefetch, drain_pred):
            dS, srows, drows, orows, sems, semd, semo = cur
            sidx, didx = idx_slices(b)
            if prefetch:
                issue_loads(b + 1, nxt)
            pltpu.make_async_copy(src_tab.at[sidx], srows, sems).wait()
            pltpu.make_async_copy(dtab.at[didx], drows, semd).wait()

            if drain_pred is None:
                pltpu.make_async_copy(orows, acc.at[dS], semo).wait()
            else:
                @pl.when(drain_pred)
                def _():
                    pltpu.make_async_copy(orows, acc.at[dS], semo).wait()

            def one_edge(e):
                asrc = srows[e, pl.ds(64, 16)]
                adst = drows[e, :]
                s = asrc + adst
                alpha = jnp.where(s >= 0.0, s, 0.2 * s)
                t = agv + adst
                kk = jnp.where(t >= 0.0, t, 0.2 * t)
                ex = jnp.exp(alpha - kk)
                orows[e, pl.ds(56, 16)] = ex
                for q in range(4):
                    orows[e, pl.ds(q * 16, 16)] = (
                        srows[e, pl.ds(q * 16, 16)] * ex)

            def edge_body(i, _):
                one_edge(2 * i)
                one_edge(2 * i + 1)
                return 0
            lax.fori_loop(0, B // 2, edge_body, 0)

            for j in range(max(B // 16, 1)):
                off = pl.multiple_of(b * B + j * 16, 8)
                dS[pl.ds(j * 16, 16)] = didx_all[pl.ds(off, 16)]
            if B % 16:
                off = pl.multiple_of(b * B + B - 16, 8)
                dS[pl.ds(B - 16, 16)] = didx_all[pl.ds(off, 16)]
            pltpu.async_copy(orows, acc.at[dS], semo, add=True)

        issue_loads(0, sets[0])

        def pair_body(i, _):
            process(2 * i, sets[0], sets[1], True, i >= 1)
            process(2 * i + 1, sets[1], sets[0], True, i >= 1)
            return 0
        lax.fori_loop(0, NPAIR, pair_body, 0)
        process(NBLK - 1, sets[0], sets[1], False, None)

        pltpu.make_async_copy(or1, acc.at[dS1], semo1).wait()
        pltpu.make_async_copy(or0, acc.at[dS0], semo0).wait()

        plsc.subcore_barrier()

        @pl.when(sid < NS - 1)
        def _():
            pltpu.sync_copy(acc.at[pl.ds(sid * NPT, NPT)],
                            out.at[cid, pl.ds(sid * NPT, NPT), pl.ds(0, ACW)])

        @pl.when(sid == NS - 1)
        def _():
            pltpu.sync_copy(acc.at[pl.ds((NS - 1) * NPT, NPT_LAST)],
                            out.at[cid, pl.ds((NS - 1) * NPT, NPT_LAST),
                                   pl.ds(0, ACW)])
    return k


def _tc_prep1(x, W1, s_src, s_dst, blk=2000):
    N, D = x.shape
    F = W1.shape[1]

    def body(x_ref, w_ref, ss_ref, sd_ref, st_ref, ad_ref, ag_ref):
        i = pl.program_id(0)
        xw = jnp.dot(x_ref[...], w_ref[...], preferred_element_type=jnp.float32,
                      precision=lax.Precision.HIGHEST)
        asrc = jnp.dot(xw, ss_ref[...], preferred_element_type=jnp.float32,
                      precision=lax.Precision.HIGHEST)
        adst = jnp.dot(xw, sd_ref[...], preferred_element_type=jnp.float32,
                      precision=lax.Precision.HIGHEST)
        st_ref[...] = jnp.concatenate(
            [xw, asrc, asrc,
             jnp.zeros((xw.shape[0], SW - F - 16), jnp.float32)], axis=1)
        ad_ref[...] = jnp.concatenate(
            [adst, adst, jnp.zeros((adst.shape[0], DW - 16), jnp.float32)],
            axis=1)
        am = jnp.max(asrc, axis=0, keepdims=True)

        @pl.when(i == 0)
        def _():
            ag_ref[...] = am

        @pl.when(i > 0)
        def _():
            ag_ref[...] = jnp.maximum(ag_ref[...], am)

    return pl.pallas_call(
        body,
        grid=(N // blk,),
        in_specs=[
            pl.BlockSpec((blk, D), lambda i: (i, 0)),
            pl.BlockSpec((D, F), lambda i: (0, 0)),
            pl.BlockSpec((F, 8), lambda i: (0, 0)),
            pl.BlockSpec((F, 8), lambda i: (0, 0)),
        ],
        out_specs=[
            pl.BlockSpec((blk, SW), lambda i: (i, 0)),
            pl.BlockSpec((blk, DW), lambda i: (i, 0)),
            pl.BlockSpec((1, 8), lambda i: (0, 0)),
        ],
        out_shape=[
            jax.ShapeDtypeStruct((N, SW), jnp.float32),
            jax.ShapeDtypeStruct((N, DW), jnp.float32),
            jax.ShapeDtypeStruct((1, 8), jnp.float32),
        ],
    )(x, W1, s_src, s_dst)


def _tc_mid(acc1, st1, ad1, ag1, b1, W2, as2, ad2v, P, blk=2000):
    N = st1.shape[0]

    def body(acc_ref, st_ref, ad_ref, ag_ref, b1_ref, w2_ref, as2_ref,
             ad2_ref, p_ref, st2_ref, ad2o_ref, ag2_ref):
        i = pl.program_id(0)
        a = acc_ref[0] + acc_ref[1]
        num = a[:, 0:64]
        den8 = a[:, 64:72]
        st = st_ref[...]
        xw1 = st[:, 0:64]
        asrc1 = st[:, 64:72]
        adst1 = ad_ref[...][:, 0:8]
        t = ag_ref[...] + adst1
        kk = jnp.where(t >= 0.0, t, 0.2 * t)
        s = asrc1 + adst1
        alpha = jnp.where(s >= 0.0, s, 0.2 * s)
        exl = jnp.exp(alpha - kk)
        P64 = p_ref[...]
        num = num + xw1 * jnp.dot(exl, P64, preferred_element_type=jnp.float32,
                      precision=lax.Precision.HIGHEST)
        den = jnp.dot(den8 + exl, P64, preferred_element_type=jnp.float32,
                      precision=lax.Precision.HIGHEST)
        h = num / den + b1_ref[...]
        h = jnp.where(h > 0.0, h, jnp.exp(jnp.minimum(h, 0.0)) - 1.0)
        xw2 = jnp.dot(h, w2_ref[...], preferred_element_type=jnp.float32,
                      precision=lax.Precision.HIGHEST)
        asrc2 = jnp.dot(xw2, as2_ref[...], preferred_element_type=jnp.float32,
                      precision=lax.Precision.HIGHEST)
        adst2 = jnp.dot(xw2, ad2_ref[...], preferred_element_type=jnp.float32,
                      precision=lax.Precision.HIGHEST)
        st2_ref[...] = jnp.concatenate(
            [xw2, jnp.tile(asrc2, (1, 16)),
             jnp.zeros((xw2.shape[0], SW - 80), jnp.float32)], axis=1)
        ad2o_ref[...] = jnp.concatenate(
            [jnp.tile(adst2, (1, 16)),
             jnp.zeros((xw2.shape[0], DW - 16), jnp.float32)], axis=1)
        am = jnp.max(asrc2)

        @pl.when(i == 0)
        def _():
            ag2_ref[...] = jnp.full((1, 8), am, jnp.float32)

        @pl.when(i > 0)
        def _():
            ag2_ref[...] = jnp.maximum(ag2_ref[...], am)

    return pl.pallas_call(
        body,
        grid=(N // blk,),
        in_specs=[
            pl.BlockSpec((NC, blk, AW), lambda i: (0, i, 0)),
            pl.BlockSpec((blk, SW), lambda i: (i, 0)),
            pl.BlockSpec((blk, DW), lambda i: (i, 0)),
            pl.BlockSpec((1, 8), lambda i: (0, 0)),
            pl.BlockSpec((1, 64), lambda i: (0, 0)),
            pl.BlockSpec((64, 64), lambda i: (0, 0)),
            pl.BlockSpec((64, 1), lambda i: (0, 0)),
            pl.BlockSpec((64, 1), lambda i: (0, 0)),
            pl.BlockSpec((8, 64), lambda i: (0, 0)),
        ],
        out_specs=[
            pl.BlockSpec((blk, SW), lambda i: (i, 0)),
            pl.BlockSpec((blk, DW), lambda i: (i, 0)),
            pl.BlockSpec((1, 8), lambda i: (0, 0)),
        ],
        out_shape=[
            jax.ShapeDtypeStruct((N, SW), jnp.float32),
            jax.ShapeDtypeStruct((N, DW), jnp.float32),
            jax.ShapeDtypeStruct((1, 8), jnp.float32),
        ],
    )(acc1, st1, ad1, ag1, b1, W2, as2, ad2v, P)


def _tc_fin(acc2, st2, ad2, ag2, b2, blk=2000):
    N = st2.shape[0]

    def body(acc_ref, st_ref, ad_ref, ag_ref, b2_ref, out_ref):
        a = acc_ref[0] + acc_ref[1]
        num = a[:, 0:64]
        den = a[:, 64:65]
        st = st_ref[...]
        xw2 = st[:, 0:64]
        asrc2 = st[:, 64:65]
        adst2 = ad_ref[...][:, 0:1]
        t = ag_ref[0, 0] + adst2
        kk = jnp.where(t >= 0.0, t, 0.2 * t)
        s = asrc2 + adst2
        alpha = jnp.where(s >= 0.0, s, 0.2 * s)
        exl = jnp.exp(alpha - kk)
        num = num + xw2 * exl
        out_ref[...] = num / (den + exl) + b2_ref[...]

    return pl.pallas_call(
        body,
        grid=(N // blk,),
        in_specs=[
            pl.BlockSpec((NC, blk, AW), lambda i: (0, i, 0)),
            pl.BlockSpec((blk, SW), lambda i: (i, 0)),
            pl.BlockSpec((blk, DW), lambda i: (i, 0)),
            pl.BlockSpec((1, 8), lambda i: (0, 0)),
            pl.BlockSpec((1, 64), lambda i: (0, 0)),
        ],
        out_specs=pl.BlockSpec((blk, 64), lambda i: (i, 0)),
        out_shape=jax.ShapeDtypeStruct((N, 64), jnp.float32),
    )(acc2, st2, ad2, ag2, b2)


@jax.jit
def kernel(x, edge_index, W1, att_src1, att_dst1, b1, W2, att_src2,
           att_dst2, b2):
    N = x.shape[0]
    E = edge_index.shape[1]
    H1, C1 = att_src1.shape

    perm = jnp.array([(p % H1) * C1 + p // H1 for p in range(H1 * C1)],
                     dtype=jnp.int32)
    eye = jnp.eye(H1, dtype=jnp.float32)
    s_src = (att_src1[:, :, None] * eye[:, None, :]).reshape(H1 * C1, H1)
    s_dst = (att_dst1[:, :, None] * eye[:, None, :]).reshape(H1 * C1, H1)
    W1cm = W1[:, perm]
    s_src_cm = s_src[perm, :]
    s_dst_cm = s_dst[perm, :]
    b1cm = b1[perm]
    W2cm = W2[perm, :]
    P = jnp.kron(jnp.ones((1, H1), jnp.float32), eye)
    zrows = jnp.zeros(((N // NS + 7) // 8 * 8, 128), jnp.float32)

    B = 48
    EPW = E // NW
    EPWP = (EPW + B - 1) // B * B
    esrc = jnp.pad(edge_index[0].reshape(NW, EPW),
                   ((0, 0), (0, EPWP - EPW))).reshape(NW * EPWP)
    edst = jnp.pad(edge_index[1].reshape(NW, EPW),
                   ((0, 0), (0, EPWP - EPW)),
                   constant_values=N).reshape(NW * EPWP)

    st1, ad1, ag1 = _tc_prep1(x, W1cm, s_src_cm, s_dst_cm)
    agx1 = jnp.concatenate([ag1, ag1], axis=1)
    acc1 = _edge_kernel(N, EPWP, H1, B)(st1, ad1, esrc, edst, agx1, zrows)

    st2, ad2, ag2 = _tc_mid(acc1, st1, ad1, ag1, b1cm.reshape(1, 64), W2cm,
                            att_src2.reshape(64, 1), att_dst2.reshape(64, 1), P)
    agx2 = jnp.broadcast_to(ag2[:, :1], (1, L))
    acc2 = _edge_kernel(N, EPWP, 1, B)(st2, ad2, esrc, edst, agx2, zrows)

    return _tc_fin(acc2, st2, ad2, ag2, b2.reshape(1, 64))

# --- scband reference (transcript-rebuilt; emitter-appended) ---
"""Pipeline reference for scband-gat-87076166959944 (READ-ONLY COPY).

The authoritative reference and input builder live on the scoring server;
editing this copy changes nothing except your own understanding.
"""

import jax, jax.numpy as jnp
import numpy as np


def _gat_conv(x, edge_index, W, att_src, att_dst, bias, heads, out_ch):
    # Faithful PyG-style GATConv (eval mode: dropout disabled), add_self_loops=True
    N = x.shape[0]
    src = edge_index[0]
    dst = edge_index[1]
    loop = jnp.arange(N, dtype=src.dtype)
    src = jnp.concatenate([src, loop])
    dst = jnp.concatenate([dst, loop])
    xw = (x @ W).reshape(N, heads, out_ch)
    a_src = jnp.sum(xw * att_src[None, :, :], axis=-1)  # [N, heads]
    a_dst = jnp.sum(xw * att_dst[None, :, :], axis=-1)  # [N, heads]
    alpha = a_src[src] + a_dst[dst]                     # [E', heads]
    alpha = jax.nn.leaky_relu(alpha, negative_slope=0.2)
    # softmax over incoming edges of each dst node
    amax = jax.ops.segment_max(alpha, dst, num_segments=N)
    ex = jnp.exp(alpha - amax[dst])
    denom = jax.ops.segment_sum(ex, dst, num_segments=N)
    coef = ex / (denom[dst] + 1e-16)                    # [E', heads]
    msg = xw[src] * coef[:, :, None]                    # [E', heads, out_ch]
    out = jax.ops.segment_sum(msg, dst, num_segments=N) # [N, heads, out_ch]
    return out.reshape(N, heads * out_ch) + bias


def setup_inputs(seed: int = 0) -> dict:
    key = jax.random.key(seed)
    ks = jax.random.split(key, 10)
    N, E, d_in = 10000, 160000, 256
    heads1, c1 = 8, 8
    out_channels = 64
    x = jax.random.normal(ks[0], (N, d_in), dtype=jnp.float32)
    edge_index = jax.random.randint(ks[1], (2, E), 0, N, dtype=jnp.int32)
    s = 0.1
    W1 = jax.random.normal(ks[2], (d_in, heads1 * c1), dtype=jnp.float32) * s
    att_src1 = jax.random.normal(ks[3], (heads1, c1), dtype=jnp.float32) * s
    att_dst1 = jax.random.normal(ks[4], (heads1, c1), dtype=jnp.float32) * s
    b1 = jnp.zeros((heads1 * c1,), dtype=jnp.float32)
    W2 = jax.random.normal(ks[5], (heads1 * c1, out_channels), dtype=jnp.float32) * s
    att_src2 = jax.random.normal(ks[6], (1, out_channels), dtype=jnp.float32) * s
    att_dst2 = jax.random.normal(ks[7], (1, out_channels), dtype=jnp.float32) * s
    b2 = jnp.zeros((out_channels,), dtype=jnp.float32)
    return {"x": x, "edge_index": edge_index, "W1": W1, "att_src1": att_src1,
            "att_dst1": att_dst1, "b1": b1, "W2": W2, "att_src2": att_src2,
            "att_dst2": att_dst2, "b2": b2}


def reference(x, edge_index, W1, att_src1, att_dst1, b1, W2, att_src2, att_dst2, b2):
    # GAT.full in eval mode: dropout is identity
    h = jax.nn.elu(_gat_conv(x, edge_index, W1, att_src1, att_dst1, b1, 8, 8))
    out = _gat_conv(h, edge_index, W2, att_src2, att_dst2, b2, 1, 64)
    return out

if __name__ == "__main__":
    import jax
    _d = setup_inputs()
    print(jax.jit(kernel)(*tuple(_d.values())))

</pallas_src>

<mosaic_0001>
#map = affine_map<(d0, d1) -> (0, 0)>
#map1 = affine_map<(d0, d1) -> (0)>
#map2 = affine_map<(d0, d1) -> (0, 0, 0)>
module attributes {stable_mosaic.version = 14 : i64} {
  func.func @k(%arg0: i32, %arg1: i32, %arg2: memref<10000x128xf32, #tpu.memory_space<hbm>>, %arg3: memref<10000x128xf32, #tpu.memory_space<hbm>>, %arg4: memref<161280xi32, #tpu.memory_space<hbm>>, %arg5: memref<161280xi32, #tpu.memory_space<hbm>>, %arg6: memref<1x16xf32, #tpu.memory_space<hbm>>, %arg7: memref<632x128xf32, #tpu.memory_space<hbm>>, %arg8: memref<2x10008x128xf32, #tpu.memory_space<hbm>>, %arg9: memref<10008x72xf32, #tpu.memory_space<vmem_shared>>, %arg10: memref<10008x16xf32, #tpu.memory_space<vmem_shared>>, %arg11: memref<5040xi32, #tpu.memory_space<vmem>>, %arg12: memref<5040xi32, #tpu.memory_space<vmem>>, %arg13: memref<48xi32, #tpu.memory_space<vmem>>, %arg14: memref<48xi32, #tpu.memory_space<vmem>>, %arg15: memref<48x128xf32, #tpu.memory_space<vmem>>, %arg16: memref<48x128xf32, #tpu.memory_space<vmem>>, %arg17: memref<48x16xf32, #tpu.memory_space<vmem>>, %arg18: memref<48x16xf32, #tpu.memory_space<vmem>>, %arg19: memref<48x72xf32, #tpu.memory_space<vmem>>, %arg20: memref<48x72xf32, #tpu.memory_space<vmem>>, %arg21: memref<1x16xf32, #tpu.memory_space<vmem>>, %arg22: memref<!tpu.dma_semaphore, #tpu.memory_space<semaphore_mem>>, %arg23: memref<!tpu.dma_semaphore, #tpu.memory_space<semaphore_mem>>, %arg24: memref<!tpu.dma_semaphore, #tpu.memory_space<semaphore_mem>>, %arg25: memref<!tpu.dma_semaphore, #tpu.memory_space<semaphore_mem>>, %arg26: memref<!tpu.dma_semaphore, #tpu.memory_space<semaphore_mem>>, %arg27: memref<!tpu.dma_semaphore, #tpu.memory_space<semaphore_mem>>) attributes {dimension_semantics = [#tpu.dimension_semantics<core_parallel>, #tpu.dimension_semantics<subcore_parallel>], iteration_bounds = array<i64: 2, 16>, scalar_prefetch = 0 : i64, scratch_operands = 19 : i64, tpu.core_type = #tpu.core_type<sc_vector_subcore>, window_params = [{transform_indices = #map}, {transform_indices = #map}, {transform_indices = #map1}, {transform_indices = #map1}, {transform_indices = #map}, {transform_indices = #map}, {transform_indices = #map2}]} {
    %mul3A = arith.constant 16 : i32
    %mul3A_0 = arith.muli %arg0, %mul3A : i32
    %add3A = arith.addi %mul3A_0, %arg1 : i32
    %mul3A_1 = arith.constant 5040 : i32
    %mul3A_2 = arith.muli %add3A, %mul3A_1 : i32
    %lt3A = arith.constant 15 : i32
    %lt3A_3 = arith.cmpi slt, %arg1, %lt3A : i32
    %convert_element_type3A = arith.extui %lt3A_3 : i1 to i32
    %cond3A = arith.constant 0 : i32
    %cond3A_4 = arith.cmpi ne, %convert_element_type3A, %cond3A : i32
    scf.if %cond3A_4 {
      %mul3A_82 = arith.constant 632 : i32
      %mul3A_83 = arith.muli %arg1, %mul3A_82 : i32
      "tpu.region"() ({
        %run_scoped3A = tpu.sem_alloc : memref<!tpu.dma_semaphore, #tpu.memory_space<semaphore_mem>>
        %dma_start3A_88 = arith.constant 0 : i32
        %dma_start3A_89 = tpu.memref_slice %arg9[%mul3A_83, %dma_start3A_88] : memref<10008x72xf32, #tpu.memory_space<vmem_shared>> -> memref<632x72xf32, #tpu.memory_space<vmem_shared>>
        %dma_start3A_90 = arith.constant 0 : i32
        %dma_start3A_91 = arith.constant 0 : i32
        %dma_start3A_92 = tpu.memref_slice %arg7[%dma_start3A_90, %dma_start3A_91] : memref<632x128xf32, #tpu.memory_space<hbm>> -> memref<632x72xf32, #tpu.memory_space<hbm>>
        tpu.enqueue_dma source(%dma_start3A_92 : memref<632x72xf32, #tpu.memory_space<hbm>>) target(%dma_start3A_89 : memref<632x72xf32, #tpu.memory_space<vmem_shared>>) target_semaphore(%run_scoped3A : memref<!tpu.dma_semaphore, #tpu.memory_space<semaphore_mem>>)
        %dma_wait3A_93 = arith.constant 0 : i32
        %dma_wait3A_94 = tpu.memref_slice %arg9[%mul3A_83, %dma_wait3A_93] : memref<10008x72xf32, #tpu.memory_space<vmem_shared>> -> memref<632x72xf32, #tpu.memory_space<vmem_shared>>
        %dma_wait3A_95 = arith.constant 0 : i32
        %dma_wait3A_96 = arith.constant 0 : i32
        %dma_wait3A_97 = tpu.memref_slice %arg7[%dma_wait3A_95, %dma_wait3A_96] : memref<632x128xf32, #tpu.memory_space<hbm>> -> memref<632x72xf32, #tpu.memory_space<hbm>>
        tpu.wait_dma2 semaphore(%run_scoped3A : memref<!tpu.dma_semaphore, #tpu.memory_space<semaphore_mem>>) src(%dma_wait3A_97 : memref<632x72xf32, #tpu.memory_space<hbm>>) dst(%dma_wait3A_94 : memref<632x72xf32, #tpu.memory_space<vmem_shared>>)
        tpu.yield
      }) : () -> ()
      %mul3A_84 = arith.constant 632 : i32
      %mul3A_85 = arith.muli %arg1, %mul3A_84 : i32
      %mul3A_86 = arith.constant 632 : i32
      %mul3A_87 = arith.muli %arg1, %mul3A_86 : i32
      "tpu.region"() ({
        %run_scoped3A = tpu.sem_alloc : memref<!tpu.dma_semaphore, #tpu.memory_space<semaphore_mem>>
        %dma_start3A_88 = arith.constant 0 : i32
        %dma_start3A_89 = tpu.memref_slice %arg10[%mul3A_87, %dma_start3A_88] : memref<10008x16xf32, #tpu.memory_space<vmem_shared>> -> memref<632x16xf32, #tpu.memory_space<vmem_shared>>
        %dma_start3A_90 = arith.constant 0 : i32
        %dma_start3A_91 = tpu.memref_slice %arg3[%mul3A_85, %dma_start3A_90] : memref<10000x128xf32, #tpu.memory_space<hbm>> -> memref<632x16xf32, #tpu.memory_space<hbm>>
        tpu.enqueue_dma source(%dma_start3A_91 : memref<632x16xf32, #tpu.memory_space<hbm>>) target(%dma_start3A_89 : memref<632x16xf32, #tpu.memory_space<vmem_shared>>) target_semaphore(%run_scoped3A : memref<!tpu.dma_semaphore, #tpu.memory_space<semaphore_mem>>)
        %dma_wait3A_92 = arith.constant 0 : i32
        %dma_wait3A_93 = tpu.memref_slice %arg10[%mul3A_87, %dma_wait3A_92] : memref<10008x16xf32, #tpu.memory_space<vmem_shared>> -> memref<632x16xf32, #tpu.memory_space<vmem_shared>>
        %dma_wait3A_94 = arith.constant 0 : i32
        %dma_wait3A_95 = tpu.memref_slice %arg3[%mul3A_85, %dma_wait3A_94] : memref<10000x128xf32, #tpu.memory_space<hbm>> -> memref<632x16xf32, #tpu.memory_space<hbm>>
        tpu.wait_dma2 semaphore(%run_scoped3A : memref<!tpu.dma_semaphore, #tpu.memory_space<semaphore_mem>>) src(%dma_wait3A_95 : memref<632x16xf32, #tpu.memory_space<hbm>>) dst(%dma_wait3A_93 : memref<632x16xf32, #tpu.memory_space<vmem_shared>>)
        tpu.yield
      }) : () -> ()
    } else {
    }
    %eq3A = arith.constant 15 : i32
    %eq3A_5 = arith.cmpi eq, %arg1, %eq3A : i32
    %convert_element_type3A_6 = arith.extui %eq3A_5 : i1 to i32
    %cond3A_7 = arith.constant 0 : i32
    %cond3A_8 = arith.cmpi ne, %convert_element_type3A_6, %cond3A_7 : i32
    scf.if %cond3A_8 {
      "tpu.region"() ({
        %run_scoped3A = tpu.sem_alloc : memref<!tpu.dma_semaphore, #tpu.memory_space<semaphore_mem>>
        %dma_start3A_82 = arith.constant 9480 : i32
        %dma_start3A_83 = arith.constant 0 : i32
        %dma_start3A_84 = tpu.memref_slice %arg9[%dma_start3A_82, %dma_start3A_83] : memref<10008x72xf32, #tpu.memory_space<vmem_shared>> -> memref<520x72xf32, #tpu.memory_space<vmem_shared>>
        %dma_start3A_85 = arith.constant 0 : i32
        %dma_start3A_86 = arith.constant 0 : i32
        %dma_start3A_87 = tpu.memref_slice %arg7[%dma_start3A_85, %dma_start3A_86] : memref<632x128xf32, #tpu.memory_space<hbm>> -> memref<520x72xf32, #tpu.memory_space<hbm>>
        tpu.enqueue_dma source(%dma_start3A_87 : memref<520x72xf32, #tpu.memory_space<hbm>>) target(%dma_start3A_84 : memref<520x72xf32, #tpu.memory_space<vmem_shared>>) target_semaphore(%run_scoped3A : memref<!tpu.dma_semaphore, #tpu.memory_space<semaphore_mem>>)
        %dma_wait3A_88 = arith.constant 9480 : i32
        %dma_wait3A_89 = arith.constant 0 : i32
        %dma_wait3A_90 = tpu.memref_slice %arg9[%dma_wait3A_88, %dma_wait3A_89] : memref<10008x72xf32, #tpu.memory_space<vmem_shared>> -> memref<520x72xf32, #tpu.memory_space<vmem_shared>>
        %dma_wait3A_91 = arith.constant 0 : i32
        %dma_wait3A_92 = arith.constant 0 : i32
        %dma_wait3A_93 = tpu.memref_slice %arg7[%dma_wait3A_91, %dma_wait3A_92] : memref<632x128xf32, #tpu.memory_space<hbm>> -> memref<520x72xf32, #tpu.memory_space<hbm>>
        tpu.wait_dma2 semaphore(%run_scoped3A : memref<!tpu.dma_semaphore, #tpu.memory_space<semaphore_mem>>) src(%dma_wait3A_93 : memref<520x72xf32, #tpu.memory_space<hbm>>) dst(%dma_wait3A_90 : memref<520x72xf32, #tpu.memory_space<vmem_shared>>)
        tpu.yield
      }) : () -> ()
      "tpu.region"() ({
        %run_scoped3A = tpu.sem_alloc : memref<!tpu.dma_semaphore, #tpu.memory_space<semaphore_mem>>
        %dma_start3A_82 = arith.constant 9480 : i32
        %dma_start3A_83 = arith.constant 0 : i32
        %dma_start3A_84 = tpu.memref_slice %arg10[%dma_start3A_82, %dma_start3A_83] : memref<10008x16xf32, #tpu.memory_space<vmem_shared>> -> memref<520x16xf32, #tpu.memory_space<vmem_shared>>
        %dma_start3A_85 = arith.constant 9480 : i32
        %dma_start3A_86 = arith.constant 0 : i32
        %dma_start3A_87 = tpu.memref_slice %arg3[%dma_start3A_85, %dma_start3A_86] : memref<10000x128xf32, #tpu.memory_space<hbm>> -> memref<520x16xf32, #tpu.memory_space<hbm>>
        tpu.enqueue_dma source(%dma_start3A_87 : memref<520x16xf32, #tpu.memory_space<hbm>>) target(%dma_start3A_84 : memref<520x16xf32, #tpu.memory_space<vmem_shared>>) target_semaphore(%run_scoped3A : memref<!tpu.dma_semaphore, #tpu.memory_space<semaphore_mem>>)
        %dma_wait3A_88 = arith.constant 9480 : i32
        %dma_wait3A_89 = arith.constant 0 : i32
        %dma_wait3A_90 = tpu.memref_slice %arg10[%dma_wait3A_88, %dma_wait3A_89] : memref<10008x16xf32, #tpu.memory_space<vmem_shared>> -> memref<520x16xf32, #tpu.memory_space<vmem_shared>>
        %dma_wait3A_91 = arith.constant 9480 : i32
        %dma_wait3A_92 = arith.constant 0 : i32
        %dma_wait3A_93 = tpu.memref_slice %arg3[%dma_wait3A_91, %dma_wait3A_92] : memref<10000x128xf32, #tpu.memory_space<hbm>> -> memref<520x16xf32, #tpu.memory_space<hbm>>
        tpu.wait_dma2 semaphore(%run_scoped3A : memref<!tpu.dma_semaphore, #tpu.memory_space<semaphore_mem>>) src(%dma_wait3A_93 : memref<520x16xf32, #tpu.memory_space<hbm>>) dst(%dma_wait3A_90 : memref<520x16xf32, #tpu.memory_space<vmem_shared>>)
        tpu.yield
      }) : () -> ()
    } else {
    }
    "tpu.region"() ({
      %run_scoped3A = tpu.sem_alloc : memref<!tpu.dma_semaphore, #tpu.memory_space<semaphore_mem>>
      %dma_start3A_82 = tpu.memref_slice %arg4[%mul3A_2] : memref<161280xi32, #tpu.memory_space<hbm>> -> memref<5040xi32, #tpu.memory_space<hbm>>
      %dma_start3A_83 = tpu.memref_slice %arg4[%mul3A_2] : memref<161280xi32, #tpu.memory_space<hbm>> -> memref<5040xi32, #tpu.memory_space<hbm>>
      tpu.enqueue_dma source(%dma_start3A_83 : memref<5040xi32, #tpu.memory_space<hbm>>) target(%arg11 : memref<5040xi32, #tpu.memory_space<vmem>>) target_semaphore(%run_scoped3A : memref<!tpu.dma_semaphore, #tpu.memory_space<semaphore_mem>>)
      %dma_wait3A_84 = tpu.memref_slice %arg4[%mul3A_2] : memref<161280xi32, #tpu.memory_space<hbm>> -> memref<5040xi32, #tpu.memory_space<hbm>>
      %dma_wait3A_85 = tpu.memref_slice %arg4[%mul3A_2] : memref<161280xi32, #tpu.memory_space<hbm>> -> memref<5040xi32, #tpu.memory_space<hbm>>
      tpu.wait_dma2 semaphore(%run_scoped3A : memref<!tpu.dma_semaphore, #tpu.memory_space<semaphore_mem>>) src(%dma_wait3A_85 : memref<5040xi32, #tpu.memory_space<hbm>>) dst(%arg11 : memref<5040xi32, #tpu.memory_space<vmem>>)
      tpu.yield
    }) : () -> ()
    "tpu.region"() ({
      %run_scoped3A = tpu.sem_alloc : memref<!tpu.dma_semaphore, #tpu.memory_space<semaphore_mem>>
      %dma_start3A_82 = tpu.memref_slice %arg5[%mul3A_2] : memref<161280xi32, #tpu.memory_space<hbm>> -> memref<5040xi32, #tpu.memory_space<hbm>>
      %dma_start3A_83 = tpu.memref_slice %arg5[%mul3A_2] : memref<161280xi32, #tpu.memory_space<hbm>> -> memref<5040xi32, #tpu.memory_space<hbm>>
      tpu.enqueue_dma source(%dma_start3A_83 : memref<5040xi32, #tpu.memory_space<hbm>>) target(%arg12 : memref<5040xi32, #tpu.memory_space<vmem>>) target_semaphore(%run_scoped3A : memref<!tpu.dma_semaphore, #tpu.memory_space<semaphore_mem>>)
      %dma_wait3A_84 = tpu.memref_slice %arg5[%mul3A_2] : memref<161280xi32, #tpu.memory_space<hbm>> -> memref<5040xi32, #tpu.memory_space<hbm>>
      %dma_wait3A_85 = tpu.memref_slice %arg5[%mul3A_2] : memref<161280xi32, #tpu.memory_space<hbm>> -> memref<5040xi32, #tpu.memory_space<hbm>>
      tpu.wait_dma2 semaphore(%run_scoped3A : memref<!tpu.dma_semaphore, #tpu.memory_space<semaphore_mem>>) src(%dma_wait3A_85 : memref<5040xi32, #tpu.memory_space<hbm>>) dst(%arg12 : memref<5040xi32, #tpu.memory_space<vmem>>)
      tpu.yield
    }) : () -> ()
    "tpu.region"() ({
      %run_scoped3A = tpu.sem_alloc : memref<!tpu.dma_semaphore, #tpu.memory_space<semaphore_mem>>
      tpu.enqueue_dma source(%arg6 : memref<1x16xf32, #tpu.memory_space<hbm>>) target(%arg21 : memref<1x16xf32, #tpu.memory_space<vmem>>) target_semaphore(%run_scoped3A : memref<!tpu.dma_semaphore, #tpu.memory_space<semaphore_mem>>)
      tpu.wait_dma2 semaphore(%run_scoped3A : memref<!tpu.dma_semaphore, #tpu.memory_space<semaphore_mem>>) src(%arg6 : memref<1x16xf32, #tpu.memory_space<hbm>>) dst(%arg21 : memref<1x16xf32, #tpu.memory_space<vmem>>)
      tpu.yield
    }) : () -> ()
    %barrier3A = arith.constant 0 : index
    tpu.barrier barrier_id(%barrier3A)
    %get3A = arith.constant 0 : i32
    %get3A_9 = arith.index_cast %get3A : i32 to index
    %get3A_10 = arith.constant 0 : index
    %get3A_11 = tpu.vector_load %arg21[%get3A_9, %get3A_10] {strides = array<i32>} : memref<1x16xf32, #tpu.memory_space<vmem>>, vector<16xf32>,
    %multiple_of3A = arith.constant 0 : i32
    %multiple_of3A_12 = tpu.assume_multiple %multiple_of3A, 8 : i32
    %dma_start3A = tpu.memref_slice %arg11[%multiple_of3A_12] : memref<5040xi32, #tpu.memory_space<vmem>> -> memref<48xi32, #tpu.memory_space<vmem>>
    %dma_start3A_13 = arith.constant 0 : i32
    %dma_start3A_14 = arith.constant 0 : i32
    %dma_start3A_15 = tpu.memref_slice %arg2[%dma_start3A_13, %dma_start3A_14] : memref<10000x128xf32, #tpu.memory_space<hbm>> -> memref<10000x128xf32, #tpu.memory_space<hbm>>
    tpu.enqueue_indirect_dma source(%dma_start3A_15 : memref<10000x128xf32, #tpu.memory_space<hbm>>) target(%arg15 : memref<48x128xf32, #tpu.memory_space<vmem>>) offsets(%dma_start3A : memref<48xi32, #tpu.memory_space<vmem>>) semaphore(%arg22 : memref<!tpu.dma_semaphore, #tpu.memory_space<semaphore_mem>>)
    %dma_start3A_16 = tpu.memref_slice %arg12[%multiple_of3A_12] : memref<5040xi32, #tpu.memory_space<vmem>> -> memref<48xi32, #tpu.memory_space<vmem>>
    %dma_start3A_17 = arith.constant 0 : i32
    %dma_start3A_18 = arith.constant 0 : i32
    %dma_start3A_19 = tpu.memref_slice %arg10[%dma_start3A_17, %dma_start3A_18] : memref<10008x16xf32, #tpu.memory_space<vmem_shared>> -> memref<10008x16xf32, #tpu.memory_space<vmem_shared>>
    tpu.enqueue_indirect_dma source(%dma_start3A_19 : memref<10008x16xf32, #tpu.memory_space<vmem_shared>>) target(%arg17 : memref<48x16xf32, #tpu.memory_space<vmem>>) offsets(%dma_start3A_16 : memref<48xi32, #tpu.memory_space<vmem>>) semaphore(%arg24 : memref<!tpu.dma_semaphore, #tpu.memory_space<semaphore_mem>>)
    %scan3A = arith.constant 0 : i32
    %scan3A_20 = arith.constant 0 : i32
    %scan3A_21 = arith.constant 52 : i32
    %scan3A_22 = arith.addi %scan3A_20, %scan3A_21 : i32
    %scan3A_23 = arith.constant 1 : i32
    %scan3A_24 = scf.for %scan3A_82 = %scan3A_20 to %scan3A_22 step %scan3A_23 iter_args(%scan3A_83 = %scan3A) -> (i32)  : i32 {
      %mul3A_84 = arith.constant 2 : i32
      %mul3A_85 = arith.muli %mul3A_84, %scan3A_82 : i32
      %ge3A = arith.constant 1 : i32
      %ge3A_86 = arith.cmpi sge, %scan3A_82, %ge3A : i32
      %mul3A_87 = arith.constant 48 : i32
      %mul3A_88 = arith.muli %mul3A_85, %mul3A_87 : i32
      %multiple_of3A_89 = tpu.assume_multiple %mul3A_88, 8 : i32
      %add3A_90 = arith.constant 1 : i32
      %add3A_91 = arith.addi %mul3A_85, %add3A_90 : i32
      %mul3A_92 = arith.constant 48 : i32
      %mul3A_93 = arith.muli %add3A_91, %mul3A_92 : i32
      %multiple_of3A_94 = tpu.assume_multiple %mul3A_93, 8 : i32
      %dma_start3A_95 = tpu.memref_slice %arg11[%multiple_of3A_94] : memref<5040xi32, #tpu.memory_space<vmem>> -> memref<48xi32, #tpu.memory_space<vmem>>
      %dma_start3A_96 = arith.constant 0 : i32
      %dma_start3A_97 = arith.constant 0 : i32
      %dma_start3A_98 = tpu.memref_slice %arg2[%dma_start3A_96, %dma_start3A_97] : memref<10000x128xf32, #tpu.memory_space<hbm>> -> memref<10000x128xf32, #tpu.memory_space<hbm>>
      tpu.enqueue_indirect_dma source(%dma_start3A_98 : memref<10000x128xf32, #tpu.memory_space<hbm>>) target(%arg16 : memref<48x128xf32, #tpu.memory_space<vmem>>) offsets(%dma_start3A_95 : memref<48xi32, #tpu.memory_space<vmem>>) semaphore(%arg23 : memref<!tpu.dma_semaphore, #tpu.memory_space<semaphore_mem>>)
      %dma_start3A_99 = tpu.memref_slice %arg12[%multiple_of3A_94] : memref<5040xi32, #tpu.memory_space<vmem>> -> memref<48xi32, #tpu.memory_space<vmem>>
      %dma_start3A_100 = arith.constant 0 : i32
      %dma_start3A_101 = arith.constant 0 : i32
      %dma_start3A_102 = tpu.memref_slice %arg10[%dma_start3A_100, %dma_start3A_101] : memref<10008x16xf32, #tpu.memory_space<vmem_shared>> -> memref<10008x16xf32, #tpu.memory_space<vmem_shared>>
      tpu.enqueue_indirect_dma source(%dma_start3A_102 : memref<10008x16xf32, #tpu.memory_space<vmem_shared>>) target(%arg18 : memref<48x16xf32, #tpu.memory_space<vmem>>) offsets(%dma_start3A_99 : memref<48xi32, #tpu.memory_space<vmem>>) semaphore(%arg25 : memref<!tpu.dma_semaphore, #tpu.memory_space<semaphore_mem>>)
      %dma_wait3A_103 = tpu.memref_slice %arg11[%multiple_of3A_89] : memref<5040xi32, #tpu.memory_space<vmem>> -> memref<48xi32, #tpu.memory_space<vmem>>
      %dma_wait3A_104 = arith.constant 0 : i32
      %dma_wait3A_105 = arith.constant 0 : i32
      %dma_wait3A_106 = tpu.memref_slice %arg2[%dma_wait3A_104, %dma_wait3A_105] : memref<10000x128xf32, #tpu.memory_space<hbm>> -> memref<10000x128xf32, #tpu.memory_space<hbm>>
      tpu.wait_indirect_dma semaphore(%arg22 : memref<!tpu.dma_semaphore, #tpu.memory_space<semaphore_mem>>) src(%dma_wait3A_106 : memref<10000x128xf32, #tpu.memory_space<hbm>>) dst(%arg15 : memref<48x128xf32, #tpu.memory_space<vmem>>)
      %dma_wait3A_107 = tpu.memref_slice %arg12[%multiple_of3A_89] : memref<5040xi32, #tpu.memory_space<vmem>> -> memref<48xi32, #tpu.memory_space<vmem>>
      %dma_wait3A_108 = arith.constant 0 : i32
      %dma_wait3A_109 = arith.constant 0 : i32
      %dma_wait3A_110 = tpu.memref_slice %arg10[%dma_wait3A_108, %dma_wait3A_109] : memref<10008x16xf32, #tpu.memory_space<vmem_shared>> -> memref<10008x16xf32, #tpu.memory_space<vmem_shared>>
      tpu.wait_indirect_dma semaphore(%arg24 : memref<!tpu.dma_semaphore, #tpu.memory_space<semaphore_mem>>) src(%dma_wait3A_110 : memref<10008x16xf32, #tpu.memory_space<vmem_shared>>) dst(%arg17 : memref<48x16xf32, #tpu.memory_space<vmem>>)
      %convert_element_type3A_111 = arith.extui %ge3A_86 : i1 to i32
      %cond3A_112 = arith.constant 0 : i32
      %cond3A_113 = arith.cmpi ne, %convert_element_type3A_111, %cond3A_112 : i32
      scf.if %cond3A_113 {
        %dma_wait3A_222 = arith.constant 0 : i32
        %dma_wait3A_223 = arith.constant 0 : i32
        %dma_wait3A_224 = tpu.memref_slice %arg9[%dma_wait3A_222, %dma_wait3A_223] : memref<10008x72xf32, #tpu.memory_space<vmem_shared>> -> memref<10008x72xf32, #tpu.memory_space<vmem_shared>>
        tpu.wait_indirect_dma semaphore(%arg26 : memref<!tpu.dma_semaphore, #tpu.memory_space<semaphore_mem>>) src(%arg19 : memref<48x72xf32, #tpu.memory_space<vmem>>) dst(%dma_wait3A_224 : memref<10008x72xf32, #tpu.memory_space<vmem_shared>>)
      } else {
      }
      %scan3A_114 = arith.constant 0 : i32
      %scan3A_115 = arith.constant 0 : i32
      %scan3A_116 = arith.constant 24 : i32
      %scan3A_117 = arith.addi %scan3A_115, %scan3A_116 : i32
      %scan3A_118 = arith.constant 1 : i32
      %scan3A_119 = scf.for %scan3A_222 = %scan3A_115 to %scan3A_117 step %scan3A_118 iter_args(%scan3A_223 = %scan3A_114) -> (i32)  : i32 {
        %mul3A_224 = arith.constant 2 : i32
        %mul3A_225 = arith.muli %mul3A_224, %scan3A_222 : i32
        %get3A_226 = arith.index_cast %mul3A_225 : i32 to index
        %get3A_227 = arith.constant 64 : index
        %get3A_228 = tpu.vector_load %arg15[%get3A_226, %get3A_227] {strides = array<i32>} : memref<48x128xf32, #tpu.memory_space<vmem>>, vector<16xf32>,
        %get3A_229 = arith.index_cast %mul3A_225 : i32 to index
        %get3A_230 = arith.constant 0 : index
        %get3A_231 = tpu.vector_load %arg17[%get3A_229, %get3A_230] {strides = array<i32>} : memref<48x16xf32, #tpu.memory_space<vmem>>, vector<16xf32>,
        %add3A_232 = arith.addf %get3A_228, %get3A_231 : vector<16xf32>
        %ge3A_233 = arith.constant 0.000000e+00 : f32
        %ge3A_234 = vector.broadcast %ge3A_233 : f32 to vector<16xf32>
        %ge3A_235 = arith.cmpf oge, %add3A_232, %ge3A_234 : vector<16xf32>
        %mul3A_236 = arith.constant 2.000000e-01 : f32
        %mul3A_237 = vector.broadcast %mul3A_236 : f32 to vector<16xf32>
        %mul3A_238 = arith.mulf %mul3A_237, %add3A_232 : vector<16xf32>
        %select_n3A = arith.select %ge3A_235, %add3A_232, %mul3A_238 : vector<16xi1>, vector<16xf32>
        %add3A_239 = arith.addf %get3A_11, %get3A_231 : vector<16xf32>
        %ge3A_240 = arith.constant 0.000000e+00 : f32
        %ge3A_241 = vector.broadcast %ge3A_240 : f32 to vector<16xf32>
        %ge3A_242 = arith.cmpf oge, %add3A_239, %ge3A_241 : vector<16xf32>
        %mul3A_243 = arith.constant 2.000000e-01 : f32
        %mul3A_244 = vector.broadcast %mul3A_243 : f32 to vector<16xf32>
        %mul3A_245 = arith.mulf %mul3A_244, %add3A_239 : vector<16xf32>
        %select_n3A_246 = arith.select %ge3A_242, %add3A_239, %mul3A_245 : vector<16xi1>, vector<16xf32>
        %sub3A = arith.subf %select_n3A, %select_n3A_246 : vector<16xf32>
        %exp3A = math.exp %sub3A : vector<16xf32>
        %swap3A_247 = arith.index_cast %mul3A_225 : i32 to index
        %swap3A_248 = arith.constant 56 : index
        %swap3A_249 = tpu.vector_load %arg19[%swap3A_247, %swap3A_248] {strides = array<i32>} : memref<48x72xf32, #tpu.memory_space<vmem>>, vector<16xf32>,
        tpu.vector_store %arg19[%swap3A_247, %swap3A_248], %exp3A {strides = array<i32>} : memref<48x72xf32, #tpu.memory_space<vmem>>, vector<16xf32>,
        %get3A_250 = arith.index_cast %mul3A_225 : i32 to index
        %get3A_251 = arith.constant 0 : index
        %get3A_252 = tpu.vector_load %arg15[%get3A_250, %get3A_251] {strides = array<i32>} : memref<48x128xf32, #tpu.memory_space<vmem>>, vector<16xf32>,
        %mul3A_253 = arith.mulf %get3A_252, %exp3A : vector<16xf32>
        %swap3A_254 = arith.index_cast %mul3A_225 : i32 to index
        %swap3A_255 = arith.constant 0 : index
        %swap3A_256 = tpu.vector_load %arg19[%swap3A_254, %swap3A_255] {strides = array<i32>} : memref<48x72xf32, #tpu.memory_space<vmem>>, vector<16xf32>,
        tpu.vector_store %arg19[%swap3A_254, %swap3A_255], %mul3A_253 {strides = array<i32>} : memref<48x72xf32, #tpu.memory_space<vmem>>, vector<16xf32>,
        %get3A_257 = arith.index_cast %mul3A_225 : i32 to index
        %get3A_258 = arith.constant 16 : index
        %get3A_259 = tpu.vector_load %arg15[%get3A_257, %get3A_258] {strides = array<i32>} : memref<48x128xf32, #tpu.memory_space<vmem>>, vector<16xf32>,
        %mul3A_260 = arith.mulf %get3A_259, %exp3A : vector<16xf32>
        %swap3A_261 = arith.index_cast %mul3A_225 : i32 to index
        %swap3A_262 = arith.constant 16 : index
        %swap3A_263 = tpu.vector_load %arg19[%swap3A_261, %swap3A_262] {strides = array<i32>} : memref<48x72xf32, #tpu.memory_space<vmem>>, vector<16xf32>,
        tpu.vector_store %arg19[%swap3A_261, %swap3A_262], %mul3A_260 {strides = array<i32>} : memref<48x72xf32, #tpu.memory_space<vmem>>, vector<16xf32>,
        %get3A_264 = arith.index_cast %mul3A_225 : i32 to index
        %get3A_265 = arith.constant 32 : index
        %get3A_266 = tpu.vector_load %arg15[%get3A_264, %get3A_265] {strides = array<i32>} : memref<48x128xf32, #tpu.memory_space<vmem>>, vector<16xf32>,
        %mul3A_267 = arith.mulf %get3A_266, %exp3A : vector<16xf32>
        %swap3A_268 = arith.index_cast %mul3A_225 : i32 to index
        %swap3A_269 = arith.constant 32 : index
        %swap3A_270 = tpu.vector_load %arg19[%swap3A_268, %swap3A_269] {strides = array<i32>} : memref<48x72xf32, #tpu.memory_space<vmem>>, vector<16xf32>,
        tpu.vector_store %arg19[%swap3A_268, %swap3A_269], %mul3A_267 {strides = array<i32>} : memref<48x72xf32, #tpu.memory_space<vmem>>, vector<16xf32>,
        %get3A_271 = arith.index_cast %mul3A_225 : i32 to index
        %get3A_272 = arith.constant 48 : index
        %get3A_273 = tpu.vector_load %arg15[%get3A_271, %get3A_272] {strides = array<i32>} : memref<48x128xf32, #tpu.memory_space<vmem>>, vector<16xf32>,
        %mul3A_274 = arith.mulf %get3A_273, %exp3A : vector<16xf32>
        %swap3A_275 = arith.index_cast %mul3A_225 : i32 to index
        %swap3A_276 = arith.constant 48 : index
        %swap3A_277 = tpu.vector_load %arg19[%swap3A_275, %swap3A_276] {strides = array<i32>} : memref<48x72xf32, #tpu.memory_space<vmem>>, vector<16xf32>,
        tpu.vector_store %arg19[%swap3A_275, %swap3A_276], %mul3A_274 {strides = array<i32>} : memref<48x72xf32, #tpu.memory_space<vmem>>, vector<16xf32>,
        %mul3A_278 = arith.constant 2 : i32
        %mul3A_279 = arith.muli %mul3A_278, %scan3A_222 : i32
        %add3A_280 = arith.constant 1 : i32
        %add3A_281 = arith.addi %mul3A_279, %add3A_280 : i32
        %get3A_282 = arith.index_cast %add3A_281 : i32 to index
        %get3A_283 = arith.constant 64 : index
        %get3A_284 = tpu.vector_load %arg15[%get3A_282, %get3A_283] {strides = array<i32>} : memref<48x128xf32, #tpu.memory_space<vmem>>, vector<16xf32>,
        %get3A_285 = arith.index_cast %add3A_281 : i32 to index
        %get3A_286 = arith.constant 0 : index
        %get3A_287 = tpu.vector_load %arg17[%get3A_285, %get3A_286] {strides = array<i32>} : memref<48x16xf32, #tpu.memory_space<vmem>>, vector<16xf32>,
        %add3A_288 = arith.addf %get3A_284, %get3A_287 : vector<16xf32>
        %ge3A_289 = arith.constant 0.000000e+00 : f32
        %ge3A_290 = vector.broadcast %ge3A_289 : f32 to vector<16xf32>
        %ge3A_291 = arith.cmpf oge, %add3A_288, %ge3A_290 : vector<16xf32>
        %mul3A_292 = arith.constant 2.000000e-01 : f32
        %mul3A_293 = vector.broadcast %mul3A_292 : f32 to vector<16xf32>
        %mul3A_294 = arith.mulf %mul3A_293, %add3A_288 : vector<16xf32>
        %select_n3A_295 = arith.select %ge3A_291, %add3A_288, %mul3A_294 : vector<16xi1>, vector<16xf32>
        %add3A_296 = arith.addf %get3A_11, %get3A_287 : vector<16xf32>
        %ge3A_297 = arith.constant 0.000000e+00 : f32
        %ge3A_298 = vector.broadcast %ge3A_297 : f32 to vector<16xf32>
        %ge3A_299 = arith.cmpf oge, %add3A_296, %ge3A_298 : vector<16xf32>
        %mul3A_300 = arith.constant 2.000000e-01 : f32
        %mul3A_301 = vector.broadcast %mul3A_300 : f32 to vector<16xf32>
        %mul3A_302 = arith.mulf %mul3A_301, %add3A_296 : vector<16xf32>
        %select_n3A_303 = arith.select %ge3A_299, %add3A_296, %mul3A_302 : vector<16xi1>, vector<16xf32>
        %sub3A_304 = arith.subf %select_n3A_295, %select_n3A_303 : vector<16xf32>
        %exp3A_305 = math.exp %sub3A_304 : vector<16xf32>
        %swap3A_306 = arith.index_cast %add3A_281 : i32 to index
        %swap3A_307 = arith.constant 56 : index
        %swap3A_308 = tpu.vector_load %arg19[%swap3A_306, %swap3A_307] {strides = array<i32>} : memref<48x72xf32, #tpu.memory_space<vmem>>, vector<16xf32>,
        tpu.vector_store %arg19[%swap3A_306, %swap3A_307], %exp3A_305 {strides = array<i32>} : memref<48x72xf32, #tpu.memory_space<vmem>>, vector<16xf32>,
        %get3A_309 = arith.index_cast %add3A_281 : i32 to index
        %get3A_310 = arith.constant 0 : index
        %get3A_311 = tpu.vector_load %arg15[%get3A_309, %get3A_310] {strides = array<i32>} : memref<48x128xf32, #tpu.memory_space<vmem>>, vector<16xf32>,
        %mul3A_312 = arith.mulf %get3A_311, %exp3A_305 : vector<16xf32>
        %swap3A_313 = arith.index_cast %add3A_281 : i32 to index
        %swap3A_314 = arith.constant 0 : index
        %swap3A_315 = tpu.vector_load %arg19[%swap3A_313, %swap3A_314] {strides = array<i32>} : memref<48x72xf32, #tpu.memory_space<vmem>>, vector<16xf32>,
        tpu.vector_store %arg19[%swap3A_313, %swap3A_314], %mul3A_312 {strides = array<i32>} : memref<48x72xf32, #tpu.memory_space<vmem>>, vector<16xf32>,
        %get3A_316 = arith.index_cast %add3A_281 : i32 to index
        %get3A_317 = arith.constant 16 : index
        %get3A_318 = tpu.vector_load %arg15[%get3A_316, %get3A_317] {strides = array<i32>} : memref<48x128xf32, #tpu.memory_space<vmem>>, vector<16xf32>,
        %mul3A_319 = arith.mulf %get3A_318, %exp3A_305 : vector<16xf32>
        %swap3A_320 = arith.index_cast %add3A_281 : i32 to index
        %swap3A_321 = arith.constant 16 : index
        %swap3A_322 = tpu.vector_load %arg19[%swap3A_320, %swap3A_321] {strides = array<i32>} : memref<48x72xf32, #tpu.memory_space<vmem>>, vector<16xf32>,
        tpu.vector_store %arg19[%swap3A_320, %swap3A_321], %mul3A_319 {strides = array<i32>} : memref<48x72xf32, #tpu.memory_space<vmem>>, vector<16xf32>,
        %get3A_323 = arith.index_cast %add3A_281 : i32 to index
        %get3A_324 = arith.constant 32 : index
        %get3A_325 = tpu.vector_load %arg15[%get3A_323, %get3A_324] {strides = array<i32>} : memref<48x128xf32, #tpu.memory_space<vmem>>, vector<16xf32>,
        %mul3A_326 = arith.mulf %get3A_325, %exp3A_305 : vector<16xf32>
        %swap3A_327 = arith.index_cast %add3A_281 : i32 to index
        %swap3A_328 = arith.constant 32 : index
        %swap3A_329 = tpu.vector_load %arg19[%swap3A_327, %swap3A_328] {strides = array<i32>} : memref<48x72xf32, #tpu.memory_space<vmem>>, vector<16xf32>,
        tpu.vector_store %arg19[%swap3A_327, %swap3A_328], %mul3A_326 {strides = array<i32>} : memref<48x72xf32, #tpu.memory_space<vmem>>, vector<16xf32>,
        %get3A_330 = arith.index_cast %add3A_281 : i32 to index
        %get3A_331 = arith.constant 48 : index
        %get3A_332 = tpu.vector_load %arg15[%get3A_330, %get3A_331] {strides = array<i32>} : memref<48x128xf32, #tpu.memory_space<vmem>>, vector<16xf32>,
        %mul3A_333 = arith.mulf %get3A_332, %exp3A_305 : vector<16xf32>
        %swap3A_334 = arith.index_cast %add3A_281 : i32 to index
        %swap3A_335 = arith.constant 48 : index
        %swap3A_336 = tpu.vector_load %arg19[%swap3A_334, %swap3A_335] {strides = array<i32>} : memref<48x72xf32, #tpu.memory_space<vmem>>, vector<16xf32>,
        tpu.vector_store %arg19[%swap3A_334, %swap3A_335], %mul3A_333 {strides = array<i32>} : memref<48x72xf32, #tpu.memory_space<vmem>>, vector<16xf32>,
        %scan3A_337 = arith.constant 0 : i32
        scf.yield %scan3A_337 : i32
      }
      %scan3A_120 = arith.constant 24 : i32
      %mul3A_121 = arith.constant 48 : i32
      %mul3A_122 = arith.muli %mul3A_85, %mul3A_121 : i32
      %add3A_123 = arith.constant 0 : i32
      %add3A_124 = arith.addi %mul3A_122, %add3A_123 : i32
      %multiple_of3A_125 = tpu.assume_multiple %add3A_124, 8 : i32
      %get3A_126 = arith.index_cast %multiple_of3A_125 : i32 to index
      %get3A_127 = tpu.vector_load %arg12[%get3A_126] {strides = array<i32>} : memref<5040xi32, #tpu.memory_space<vmem>>, vector<16xi32>,
      %swap3A_128 = arith.constant 0 : index
      %swap3A_129 = tpu.vector_load %arg13[%swap3A_128] {strides = array<i32>} : memref<48xi32, #tpu.memory_space<vmem>>, vector<16xi32>,
      tpu.vector_store %arg13[%swap3A_128], %get3A_127 {strides = array<i32>} : memref<48xi32, #tpu.memory_space<vmem>>, vector<16xi32>,
      %mul3A_130 = arith.constant 48 : i32
      %mul3A_131 = arith.muli %mul3A_85, %mul3A_130 : i32
      %add3A_132 = arith.constant 16 : i32
      %add3A_133 = arith.addi %mul3A_131, %add3A_132 : i32
      %multiple_of3A_134 = tpu.assume_multiple %add3A_133, 8 : i32
      %get3A_135 = arith.index_cast %multiple_of3A_134 : i32 to index
      %get3A_136 = tpu.vector_load %arg12[%get3A_135] {strides = array<i32>} : memref<5040xi32, #tpu.memory_space<vmem>>, vector<16xi32>,
      %swap3A_137 = arith.constant 16 : index
      %swap3A_138 = tpu.vector_load %arg13[%swap3A_137] {strides = array<i32>} : memref<48xi32, #tpu.memory_space<vmem>>, vector<16xi32>,
      tpu.vector_store %arg13[%swap3A_137], %get3A_136 {strides = array<i32>} : memref<48xi32, #tpu.memory_space<vmem>>, vector<16xi32>,
      %mul3A_139 = arith.constant 48 : i32
      %mul3A_140 = arith.muli %mul3A_85, %mul3A_139 : i32
      %add3A_141 = arith.constant 32 : i32
      %add3A_142 = arith.addi %mul3A_140, %add3A_141 : i32
      %multiple_of3A_143 = tpu.assume_multiple %add3A_142, 8 : i32
      %get3A_144 = arith.index_cast %multiple_of3A_143 : i32 to index
      %get3A_145 = tpu.vector_load %arg12[%get3A_144] {strides = array<i32>} : memref<5040xi32, #tpu.memory_space<vmem>>, vector<16xi32>,
      %swap3A_146 = arith.constant 32 : index
      %swap3A_147 = tpu.vector_load %arg13[%swap3A_146] {strides = array<i32>} : memref<48xi32, #tpu.memory_space<vmem>>, vector<16xi32>,
      tpu.vector_store %arg13[%swap3A_146], %get3A_145 {strides = array<i32>} : memref<48xi32, #tpu.memory_space<vmem>>, vector<16xi32>,
      %dma_start3A_148 = arith.constant 0 : i32
      %dma_start3A_149 = arith.constant 0 : i32
      %dma_start3A_150 = tpu.memref_slice %arg9[%dma_start3A_148, %dma_start3A_149] : memref<10008x72xf32, #tpu.memory_space<vmem_shared>> -> memref<10008x72xf32, #tpu.memory_space<vmem_shared>>
      tpu.enqueue_indirect_dma source(%arg19 : memref<48x72xf32, #tpu.memory_space<vmem>>) target(%dma_start3A_150 : memref<10008x72xf32, #tpu.memory_space<vmem_shared>>) offsets(%arg13 : memref<48xi32, #tpu.memory_space<vmem>>) semaphore(%arg26 : memref<!tpu.dma_semaphore, #tpu.memory_space<semaphore_mem>>) {add = true}
      %mul3A_151 = arith.constant 2 : i32
      %mul3A_152 = arith.muli %mul3A_151, %scan3A_82 : i32
      %add3A_153 = arith.constant 1 : i32
      %add3A_154 = arith.addi %mul3A_152, %add3A_153 : i32
      %ge3A_155 = arith.constant 1 : i32
      %ge3A_156 = arith.cmpi sge, %scan3A_82, %ge3A_155 : i32
      %mul3A_157 = arith.constant 48 : i32
      %mul3A_158 = arith.muli %add3A_154, %mul3A_157 : i32
      %multiple_of3A_159 = tpu.assume_multiple %mul3A_158, 8 : i32
      %add3A_160 = arith.constant 1 : i32
      %add3A_161 = arith.addi %add3A_154, %add3A_160 : i32
      %mul3A_162 = arith.constant 48 : i32
      %mul3A_163 = arith.muli %add3A_161, %mul3A_162 : i32
      %multiple_of3A_164 = tpu.assume_multiple %mul3A_163, 8 : i32
      %dma_start3A_165 = tpu.memref_slice %arg11[%multiple_of3A_164] : memref<5040xi32, #tpu.memory_space<vmem>> -> memref<48xi32, #tpu.memory_space<vmem>>
      %dma_start3A_166 = arith.constant 0 : i32
      %dma_start3A_167 = arith.constant 0 : i32
      %dma_start3A_168 = tpu.memref_slice %arg2[%dma_start3A_166, %dma_start3A_167] : memref<10000x128xf32, #tpu.memory_space<hbm>> -> memref<10000x128xf32, #tpu.memory_space<hbm>>
      tpu.enqueue_indirect_dma source(%dma_start3A_168 : memref<10000x128xf32, #tpu.memory_space<hbm>>) target(%arg15 : memref<48x128xf32, #tpu.memory_space<vmem>>) offsets(%dma_start3A_165 : memref<48xi32, #tpu.memory_space<vmem>>) semaphore(%arg22 : memref<!tpu.dma_semaphore, #tpu.memory_space<semaphore_mem>>)
      %dma_start3A_169 = tpu.memref_slice %arg12[%multiple_of3A_164] : memref<5040xi32, #tpu.memory_space<vmem>> -> memref<48xi32, #tpu.memory_space<vmem>>
      %dma_start3A_170 = arith.constant 0 : i32
      %dma_start3A_171 = arith.constant 0 : i32
      %dma_start3A_172 = tpu.memref_slice %arg10[%dma_start3A_170, %dma_start3A_171] : memref<10008x16xf32, #tpu.memory_space<vmem_shared>> -> memref<10008x16xf32, #tpu.memory_space<vmem_shared>>
      tpu.enqueue_indirect_dma source(%dma_start3A_172 : memref<10008x16xf32, #tpu.memory_space<vmem_shared>>) target(%arg17 : memref<48x16xf32, #tpu.memory_space<vmem>>) offsets(%dma_start3A_169 : memref<48xi32, #tpu.memory_space<vmem>>) semaphore(%arg24 : memref<!tpu.dma_semaphore, #tpu.memory_space<semaphore_mem>>)
      %dma_wait3A_173 = tpu.memref_slice %arg11[%multiple_of3A_159] : memref<5040xi32, #tpu.memory_space<vmem>> -> memref<48xi32, #tpu.memory_space<vmem>>
      %dma_wait3A_174 = arith.constant 0 : i32
      %dma_wait3A_175 = arith.constant 0 : i32
      %dma_wait3A_176 = tpu.memref_slice %arg2[%dma_wait3A_174, %dma_wait3A_175] : memref<10000x128xf32, #tpu.memory_space<hbm>> -> memref<10000x128xf32, #tpu.memory_space<hbm>>
      tpu.wait_indirect_dma semaphore(%arg23 : memref<!tpu.dma_semaphore, #tpu.memory_space<semaphore_mem>>) src(%dma_wait3A_176 : memref<10000x128xf32, #tpu.memory_space<hbm>>) dst(%arg16 : memref<48x128xf32, #tpu.memory_space<vmem>>)
      %dma_wait3A_177 = tpu.memref_slice %arg12[%multiple_of3A_159] : memref<5040xi32, #tpu.memory_space<vmem>> -> memref<48xi32, #tpu.memory_space<vmem>>
      %dma_wait3A_178 = arith.constant 0 : i32
      %dma_wait3A_179 = arith.constant 0 : i32
      %dma_wait3A_180 = tpu.memref_slice %arg10[%dma_wait3A_178, %dma_wait3A_179] : memref<10008x16xf32, #tpu.memory_space<vmem_shared>> -> memref<10008x16xf32, #tpu.memory_space<vmem_shared>>
      tpu.wait_indirect_dma semaphore(%arg25 : memref<!tpu.dma_semaphore, #tpu.memory_space<semaphore_mem>>) src(%dma_wait3A_180 : memref<10008x16xf32, #tpu.memory_space<vmem_shared>>) dst(%arg18 : memref<48x16xf32, #tpu.memory_space<vmem>>)
      %convert_element_type3A_181 = arith.extui %ge3A_156 : i1 to i32
      %cond3A_182 = arith.constant 0 : i32
      %cond3A_183 = arith.cmpi ne, %convert_element_type3A_181, %cond3A_182 : i32
      scf.if %cond3A_183 {
        %dma_wait3A_222 = arith.constant 0 : i32
        %dma_wait3A_223 = arith.constant 0 : i32
        %dma_wait3A_224 = tpu.memref_slice %arg9[%dma_wait3A_222, %dma_wait3A_223] : memref<10008x72xf32, #tpu.memory_space<vmem_shared>> -> memref<10008x72xf32, #tpu.memory_space<vmem_shared>>
        tpu.wait_indirect_dma semaphore(%arg27 : memref<!tpu.dma_semaphore, #tpu.memory_space<semaphore_mem>>) src(%arg20 : memref<48x72xf32, #tpu.memory_space<vmem>>) dst(%dma_wait3A_224 : memref<10008x72xf32, #tpu.memory_space<vmem_shared>>)
      } else {
      }
      %scan3A_184 = arith.constant 0 : i32
      %scan3A_185 = arith.constant 0 : i32
      %scan3A_186 = arith.constant 24 : i32
      %scan3A_187 = arith.addi %scan3A_185, %scan3A_186 : i32
      %scan3A_188 = arith.constant 1 : i32
      %scan3A_189 = scf.for %scan3A_222 = %scan3A_185 to %scan3A_187 step %scan3A_188 iter_args(%scan3A_223 = %scan3A_184) -> (i32)  : i32 {
        %mul3A_224 = arith.constant 2 : i32
        %mul3A_225 = arith.muli %mul3A_224, %scan3A_222 : i32
        %get3A_226 = arith.index_cast %mul3A_225 : i32 to index
        %get3A_227 = arith.constant 64 : index
        %get3A_228 = tpu.vector_load %arg16[%get3A_226, %get3A_227] {strides = array<i32>} : memref<48x128xf32, #tpu.memory_space<vmem>>, vector<16xf32>,
        %get3A_229 = arith.index_cast %mul3A_225 : i32 to index
        %get3A_230 = arith.constant 0 : index
        %get3A_231 = tpu.vector_load %arg18[%get3A_229, %get3A_230] {strides = array<i32>} : memref<48x16xf32, #tpu.memory_space<vmem>>, vector<16xf32>,
        %add3A_232 = arith.addf %get3A_228, %get3A_231 : vector<16xf32>
        %ge3A_233 = arith.constant 0.000000e+00 : f32
        %ge3A_234 = vector.broadcast %ge3A_233 : f32 to vector<16xf32>
        %ge3A_235 = arith.cmpf oge, %add3A_232, %ge3A_234 : vector<16xf32>
        %mul3A_236 = arith.constant 2.000000e-01 : f32
        %mul3A_237 = vector.broadcast %mul3A_236 : f32 to vector<16xf32>
        %mul3A_238 = arith.mulf %mul3A_237, %add3A_232 : vector<16xf32>
        %select_n3A = arith.select %ge3A_235, %add3A_232, %mul3A_238 : vector<16xi1>, vector<16xf32>
        %add3A_239 = arith.addf %get3A_11, %get3A_231 : vector<16xf32>
        %ge3A_240 = arith.constant 0.000000e+00 : f32
        %ge3A_241 = vector.broadcast %ge3A_240 : f32 to vector<16xf32>
        %ge3A_242 = arith.cmpf oge, %add3A_239, %ge3A_241 : vector<16xf32>
        %mul3A_243 = arith.constant 2.000000e-01 : f32
        %mul3A_244 = vector.broadcast %mul3A_243 : f32 to vector<16xf32>
        %mul3A_245 = arith.mulf %mul3A_244, %add3A_239 : vector<16xf32>
        %select_n3A_246 = arith.select %ge3A_242, %add3A_239, %mul3A_245 : vector<16xi1>, vector<16xf32>
        %sub3A = arith.subf %select_n3A, %select_n3A_246 : vector<16xf32>
        %exp3A = math.exp %sub3A : vector<16xf32>
        %swap3A_247 = arith.index_cast %mul3A_225 : i32 to index
        %swap3A_248 = arith.constant 56 : index
        %swap3A_249 = tpu.vector_load %arg20[%swap3A_247, %swap3A_248] {strides = array<i32>} : memref<48x72xf32, #tpu.memory_space<vmem>>, vector<16xf32>,
        tpu.vector_store %arg20[%swap3A_247, %swap3A_248], %exp3A {strides = array<i32>} : memref<48x72xf32, #tpu.memory_space<vmem>>, vector<16xf32>,
        %get3A_250 = arith.index_cast %mul3A_225 : i32 to index
        %get3A_251 = arith.constant 0 : index
        %get3A_252 = tpu.vector_load %arg16[%get3A_250, %get3A_251] {strides = array<i32>} : memref<48x128xf32, #tpu.memory_space<vmem>>, vector<16xf32>,
        %mul3A_253 = arith.mulf %get3A_252, %exp3A : vector<16xf32>
        %swap3A_254 = arith.index_cast %mul3A_225 : i32 to index
        %swap3A_255 = arith.constant 0 : index
        %swap3A_256 = tpu.vector_load %arg20[%swap3A_254, %swap3A_255] {strides = array<i32>} : memref<48x72xf32, #tpu.memory_space<vmem>>, vector<16xf32>,
        tpu.vector_store %arg20[%swap3A_254, %swap3A_255], %mul3A_253 {strides = array<i32>} : memref<48x72xf32, #tpu.memory_space<vmem>>, vector<16xf32>,
        %get3A_257 = arith.index_cast %mul3A_225 : i32 to index
        %get3A_258 = arith.constant 16 : index
        %get3A_259 = tpu.vector_load %arg16[%get3A_257, %get3A_258] {strides = array<i32>} : memref<48x128xf32, #tpu.memory_space<vmem>>, vector<16xf32>,
        %mul3A_260 = arith.mulf %get3A_259, %exp3A : vector<16xf32>
        %swap3A_261 = arith.index_cast %mul3A_225 : i32 to index
        %swap3A_262 = arith.constant 16 : index
        %swap3A_263 = tpu.vector_load %arg20[%swap3A_261, %swap3A_262] {strides = array<i32>} : memref<48x72xf32, #tpu.memory_space<vmem>>, vector<16xf32>,
        tpu.vector_store %arg20[%swap3A_261, %swap3A_262], %mul3A_260 {strides = array<i32>} : memref<48x72xf32, #tpu.memory_space<vmem>>, vector<16xf32>,
        %get3A_264 = arith.index_cast %mul3A_225 : i32 to index
        %get3A_265 = arith.constant 32 : index
        %get3A_266 = tpu.vector_load %arg16[%get3A_264, %get3A_265] {strides = array<i32>} : memref<48x128xf32, #tpu.memory_space<vmem>>, vector<16xf32>,
        %mul3A_267 = arith.mulf %get3A_266, %exp3A : vector<16xf32>
        %swap3A_268 = arith.index_cast %mul3A_225 : i32 to index
        %swap3A_269 = arith.constant 32 : index
        %swap3A_270 = tpu.vector_load %arg20[%swap3A_268, %swap3A_269] {strides = array<i32>} : memref<48x72xf32, #tpu.memory_space<vmem>>, vector<16xf32>,
        tpu.vector_store %arg20[%swap3A_268, %swap3A_269], %mul3A_267 {strides = array<i32>} : memref<48x72xf32, #tpu.memory_space<vmem>>, vector<16xf32>,
        %get3A_271 = arith.index_cast %mul3A_225 : i32 to index
        %get3A_272 = arith.constant 48 : index
        %get3A_273 = tpu.vector_load %arg16[%get3A_271, %get3A_272] {strides = array<i32>} : memref<48x128xf32, #tpu.memory_space<vmem>>, vector<16xf32>,
        %mul3A_274 = arith.mulf %get3A_273, %exp3A : vector<16xf32>
        %swap3A_275 = arith.index_cast %mul3A_225 : i32 to index
        %swap3A_276 = arith.constant 48 : index
        %swap3A_277 = tpu.vector_load %arg20[%swap3A_275, %swap3A_276] {strides = array<i32>} : memref<48x72xf32, #tpu.memory_space<vmem>>, vector<16xf32>,
        tpu.vector_store %arg20[%swap3A_275, %swap3A_276], %mul3A_274 {strides = array<i32>} : memref<48x72xf32, #tpu.memory_space<vmem>>, vector<16xf32>,
        %mul3A_278 = arith.constant 2 : i32
        %mul3A_279 = arith.muli %mul3A_278, %scan3A_222 : i32
        %add3A_280 = arith.constant 1 : i32
        %add3A_281 = arith.addi %mul3A_279, %add3A_280 : i32
        %get3A_282 = arith.index_cast %add3A_281 : i32 to index
        %get3A_283 = arith.constant 64 : index
        %get3A_284 = tpu.vector_load %arg16[%get3A_282, %get3A_283] {strides = array<i32>} : memref<48x128xf32, #tpu.memory_space<vmem>>, vector<16xf32>,
        %get3A_285 = arith.index_cast %add3A_281 : i32 to index
        %get3A_286 = arith.constant 0 : index
        %get3A_287 = tpu.vector_load %arg18[%get3A_285, %get3A_286] {strides = array<i32>} : memref<48x16xf32, #tpu.memory_space<vmem>>, vector<16xf32>,
        %add3A_288 = arith.addf %get3A_284, %get3A_287 : vector<16xf32>
        %ge3A_289 = arith.constant 0.000000e+00 : f32
        %ge3A_290 = vector.broadcast %ge3A_289 : f32 to vector<16xf32>
        %ge3A_291 = arith.cmpf oge, %add3A_288, %ge3A_290 : vector<16xf32>
        %mul3A_292 = arith.constant 2.000000e-01 : f32
        %mul3A_293 = vector.broadcast %mul3A_292 : f32 to vector<16xf32>
        %mul3A_294 = arith.mulf %mul3A_293, %add3A_288 : vector<16xf32>
        %select_n3A_295 = arith.select %ge3A_291, %add3A_288, %mul3A_294 : vector<16xi1>, vector<16xf32>
        %add3A_296 = arith.addf %get3A_11, %get3A_287 : vector<16xf32>
        %ge3A_297 = arith.constant 0.000000e+00 : f32
        %ge3A_298 = vector.broadcast %ge3A_297 : f32 to vector<16xf32>
        %ge3A_299 = arith.cmpf oge, %add3A_296, %ge3A_298 : vector<16xf32>
        %mul3A_300 = arith.constant 2.000000e-01 : f32
        %mul3A_301 = vector.broadcast %mul3A_300 : f32 to vector<16xf32>
        %mul3A_302 = arith.mulf %mul3A_301, %add3A_296 : vector<16xf32>
        %select_n3A_303 = arith.select %ge3A_299, %add3A_296, %mul3A_302 : vector<16xi1>, vector<16xf32>
        %sub3A_304 = arith.subf %select_n3A_295, %select_n3A_303 : vector<16xf32>
        %exp3A_305 = math.exp %sub3A_304 : vector<16xf32>
        %swap3A_306 = arith.index_cast %add3A_281 : i32 to index
        %swap3A_307 = arith.constant 56 : index
        %swap3A_308 = tpu.vector_load %arg20[%swap3A_306, %swap3A_307] {strides = array<i32>} : memref<48x72xf32, #tpu.memory_space<vmem>>, vector<16xf32>,
        tpu.vector_store %arg20[%swap3A_306, %swap3A_307], %exp3A_305 {strides = array<i32>} : memref<48x72xf32, #tpu.memory_space<vmem>>, vector<16xf32>,
        %get3A_309 = arith.index_cast %add3A_281 : i32 to index
        %get3A_310 = arith.constant 0 : index
        %get3A_311 = tpu.vector_load %arg16[%get3A_309, %get3A_310] {strides = array<i32>} : memref<48x128xf32, #tpu.memory_space<vmem>>, vector<16xf32>,
        %mul3A_312 = arith.mulf %get3A_311, %exp3A_305 : vector<16xf32>
        %swap3A_313 = arith.index_cast %add3A_281 : i32 to index
        %swap3A_314 = arith.constant 0 : index
        %swap3A_315 = tpu.vector_load %arg20[%swap3A_313, %swap3A_314] {strides = array<i32>} : memref<48x72xf32, #tpu.memory_space<vmem>>, vector<16xf32>,
        tpu.vector_store %arg20[%swap3A_313, %swap3A_314], %mul3A_312 {strides = array<i32>} : memref<48x72xf32, #tpu.memory_space<vmem>>, vector<16xf32>,
        %get3A_316 = arith.index_cast %add3A_281 : i32 to index
        %get3A_317 = arith.constant 16 : index
        %get3A_318 = tpu.vector_load %arg16[%get3A_316, %get3A_317] {strides = array<i32>} : memref<48x128xf32, #tpu.memory_space<vmem>>, vector<16xf32>,
        %mul3A_319 = arith.mulf %get3A_318, %exp3A_305 : vector<16xf32>
        %swap3A_320 = arith.index_cast %add3A_281 : i32 to index
        %swap3A_321 = arith.constant 16 : index
        %swap3A_322 = tpu.vector_load %arg20[%swap3A_320, %swap3A_321] {strides = array<i32>} : memref<48x72xf32, #tpu.memory_space<vmem>>, vector<16xf32>,
        tpu.vector_store %arg20[%swap3A_320, %swap3A_321], %mul3A_319 {strides = array<i32>} : memref<48x72xf32, #tpu.memory_space<vmem>>, vector<16xf32>,
        %get3A_323 = arith.index_cast %add3A_281 : i32 to index
        %get3A_324 = arith.constant 32 : index
        %get3A_325 = tpu.vector_load %arg16[%get3A_323, %get3A_324] {strides = array<i32>} : memref<48x128xf32, #tpu.memory_space<vmem>>, vector<16xf32>,
        %mul3A_326 = arith.mulf %get3A_325, %exp3A_305 : vector<16xf32>
        %swap3A_327 = arith.index_cast %add3A_281 : i32 to index
        %swap3A_328 = arith.constant 32 : index
        %swap3A_329 = tpu.vector_load %arg20[%swap3A_327, %swap3A_328] {strides = array<i32>} : memref<48x72xf32, #tpu.memory_space<vmem>>, vector<16xf32>,
        tpu.vector_store %arg20[%swap3A_327, %swap3A_328], %mul3A_326 {strides = array<i32>} : memref<48x72xf32, #tpu.memory_space<vmem>>, vector<16xf32>,
        %get3A_330 = arith.index_cast %add3A_281 : i32 to index
        %get3A_331 = arith.constant 48 : index
        %get3A_332 = tpu.vector_load %arg16[%get3A_330, %get3A_331] {strides = array<i32>} : memref<48x128xf32, #tpu.memory_space<vmem>>, vector<16xf32>,
        %mul3A_333 = arith.mulf %get3A_332, %exp3A_305 : vector<16xf32>
        %swap3A_334 = arith.index_cast %add3A_281 : i32 to index
        %swap3A_335 = arith.constant 48 : index
        %swap3A_336 = tpu.vector_load %arg20[%swap3A_334, %swap3A_335] {strides = array<i32>} : memref<48x72xf32, #tpu.memory_space<vmem>>, vector<16xf32>,
        tpu.vector_store %arg20[%swap3A_334, %swap3A_335], %mul3A_333 {strides = array<i32>} : memref<48x72xf32, #tpu.memory_space<vmem>>, vector<16xf32>,
        %scan3A_337 = arith.constant 0 : i32
        scf.yield %scan3A_337 : i32
      }
      %scan3A_190 = arith.constant 24 : i32
      %mul3A_191 = arith.constant 48 : i32
      %mul3A_192 = arith.muli %add3A_154, %mul3A_191 : i32
      %add3A_193 = arith.constant 0 : i32
      %add3A_194 = arith.addi %mul3A_192, %add3A_193 : i32
      %multiple_of3A_195 = tpu.assume_multiple %add3A_194, 8 : i32
      %get3A_196 = arith.index_cast %multiple_of3A_195 : i32 to index
      %get3A_197 = tpu.vector_load %arg12[%get3A_196] {strides = array<i32>} : memref<5040xi32, #tpu.memory_space<vmem>>, vector<16xi32>,
      %swap3A_198 = arith.constant 0 : index
      %swap3A_199 = tpu.vector_load %arg14[%swap3A_198] {strides = array<i32>} : memref<48xi32, #tpu.memory_space<vmem>>, vector<16xi32>,
      tpu.vector_store %arg14[%swap3A_198], %get3A_197 {strides = array<i32>} : memref<48xi32, #tpu.memory_space<vmem>>, vector<16xi32>,
      %mul3A_200 = arith.constant 48 : i32
      %mul3A_201 = arith.muli %add3A_154, %mul3A_200 : i32
      %add3A_202 = arith.constant 16 : i32
      %add3A_203 = arith.addi %mul3A_201, %add3A_202 : i32
      %multiple_of3A_204 = tpu.assume_multiple %add3A_203, 8 : i32
      %get3A_205 = arith.index_cast %multiple_of3A_204 : i32 to index
      %get3A_206 = tpu.vector_load %arg12[%get3A_205] {strides = array<i32>} : memref<5040xi32, #tpu.memory_space<vmem>>, vector<16xi32>,
      %swap3A_207 = arith.constant 16 : index
      %swap3A_208 = tpu.vector_load %arg14[%swap3A_207] {strides = array<i32>} : memref<48xi32, #tpu.memory_space<vmem>>, vector<16xi32>,
      tpu.vector_store %arg14[%swap3A_207], %get3A_206 {strides = array<i32>} : memref<48xi32, #tpu.memory_space<vmem>>, vector<16xi32>,
      %mul3A_209 = arith.constant 48 : i32
      %mul3A_210 = arith.muli %add3A_154, %mul3A_209 : i32
      %add3A_211 = arith.constant 32 : i32
      %add3A_212 = arith.addi %mul3A_210, %add3A_211 : i32
      %multiple_of3A_213 = tpu.assume_multiple %add3A_212, 8 : i32
      %get3A_214 = arith.index_cast %multiple_of3A_213 : i32 to index
      %get3A_215 = tpu.vector_load %arg12[%get3A_214] {strides = array<i32>} : memref<5040xi32, #tpu.memory_space<vmem>>, vector<16xi32>,
      %swap3A_216 = arith.constant 32 : index
      %swap3A_217 = tpu.vector_load %arg14[%swap3A_216] {strides = array<i32>} : memref<48xi32, #tpu.memory_space<vmem>>, vector<16xi32>,
      tpu.vector_store %arg14[%swap3A_216], %get3A_215 {strides = array<i32>} : memref<48xi32, #tpu.memory_space<vmem>>, vector<16xi32>,
      %dma_start3A_218 = arith.constant 0 : i32
      %dma_start3A_219 = arith.constant 0 : i32
      %dma_start3A_220 = tpu.memref_slice %arg9[%dma_start3A_218, %dma_start3A_219] : memref<10008x72xf32, #tpu.memory_space<vmem_shared>> -> memref<10008x72xf32, #tpu.memory_space<vmem_shared>>
      tpu.enqueue_indirect_dma source(%arg20 : memref<48x72xf32, #tpu.memory_space<vmem>>) target(%dma_start3A_220 : memref<10008x72xf32, #tpu.memory_space<vmem_shared>>) offsets(%arg14 : memref<48xi32, #tpu.memory_space<vmem>>) semaphore(%arg27 : memref<!tpu.dma_semaphore, #tpu.memory_space<semaphore_mem>>) {add = true}
      %scan3A_221 = arith.constant 0 : i32
      scf.yield %scan3A_221 : i32
    }
    %scan3A_25 = arith.constant 52 : i32
    %multiple_of3A_26 = arith.constant 4992 : i32
    %multiple_of3A_27 = tpu.assume_multiple %multiple_of3A_26, 8 : i32
    %dma_wait3A = tpu.memref_slice %arg11[%multiple_of3A_27] : memref<5040xi32, #tpu.memory_space<vmem>> -> memref<48xi32, #tpu.memory_space<vmem>>
    %dma_wait3A_28 = arith.constant 0 : i32
    %dma_wait3A_29 = arith.constant 0 : i32
    %dma_wait3A_30 = tpu.memref_slice %arg2[%dma_wait3A_28, %dma_wait3A_29] : memref<10000x128xf32, #tpu.memory_space<hbm>> -> memref<10000x128xf32, #tpu.memory_space<hbm>>
    tpu.wait_indirect_dma semaphore(%arg22 : memref<!tpu.dma_semaphore, #tpu.memory_space<semaphore_mem>>) src(%dma_wait3A_30 : memref<10000x128xf32, #tpu.memory_space<hbm>>) dst(%arg15 : memref<48x128xf32, #tpu.memory_space<vmem>>)
    %dma_wait3A_31 = tpu.memref_slice %arg12[%multiple_of3A_27] : memref<5040xi32, #tpu.memory_space<vmem>> -> memref<48xi32, #tpu.memory_space<vmem>>
    %dma_wait3A_32 = arith.constant 0 : i32
    %dma_wait3A_33 = arith.constant 0 : i32
    %dma_wait3A_34 = tpu.memref_slice %arg10[%dma_wait3A_32, %dma_wait3A_33] : memref<10008x16xf32, #tpu.memory_space<vmem_shared>> -> memref<10008x16xf32, #tpu.memory_space<vmem_shared>>
    tpu.wait_indirect_dma semaphore(%arg24 : memref<!tpu.dma_semaphore, #tpu.memory_space<semaphore_mem>>) src(%dma_wait3A_34 : memref<10008x16xf32, #tpu.memory_space<vmem_shared>>) dst(%arg17 : memref<48x16xf32, #tpu.memory_space<vmem>>)
    %dma_wait3A_35 = arith.constant 0 : i32
    %dma_wait3A_36 = arith.constant 0 : i32
    %dma_wait3A_37 = tpu.memref_slice %arg9[%dma_wait3A_35, %dma_wait3A_36] : memref<10008x72xf32, #tpu.memory_space<vmem_shared>> -> memref<10008x72xf32, #tpu.memory_space<vmem_shared>>
    tpu.wait_indirect_dma semaphore(%arg26 : memref<!tpu.dma_semaphore, #tpu.memory_space<semaphore_mem>>) src(%arg19 : memref<48x72xf32, #tpu.memory_space<vmem>>) dst(%dma_wait3A_37 : memref<10008x72xf32, #tpu.memory_space<vmem_shared>>)
    %scan3A_38 = arith.constant 0 : i32
    %scan3A_39 = arith.constant 0 : i32
    %scan3A_40 = arith.constant 24 : i32
    %scan3A_41 = arith.addi %scan3A_39, %scan3A_40 : i32
    %scan3A_42 = arith.constant 1 : i32
    %scan3A_43 = scf.for %scan3A_82 = %scan3A_39 to %scan3A_41 step %scan3A_42 iter_args(%scan3A_83 = %scan3A_38) -> (i32)  : i32 {
      %mul3A_84 = arith.constant 2 : i32
      %mul3A_85 = arith.muli %mul3A_84, %scan3A_82 : i32
      %get3A_86 = arith.index_cast %mul3A_85 : i32 to index
      %get3A_87 = arith.constant 64 : index
      %get3A_88 = tpu.vector_load %arg15[%get3A_86, %get3A_87] {strides = array<i32>} : memref<48x128xf32, #tpu.memory_space<vmem>>, vector<16xf32>,
      %get3A_89 = arith.index_cast %mul3A_85 : i32 to index
      %get3A_90 = arith.constant 0 : index
      %get3A_91 = tpu.vector_load %arg17[%get3A_89, %get3A_90] {strides = array<i32>} : memref<48x16xf32, #tpu.memory_space<vmem>>, vector<16xf32>,
      %add3A_92 = arith.addf %get3A_88, %get3A_91 : vector<16xf32>
      %ge3A = arith.constant 0.000000e+00 : f32
      %ge3A_93 = vector.broadcast %ge3A : f32 to vector<16xf32>
      %ge3A_94 = arith.cmpf oge, %add3A_92, %ge3A_93 : vector<16xf32>
      %mul3A_95 = arith.constant 2.000000e-01 : f32
      %mul3A_96 = vector.broadcast %mul3A_95 : f32 to vector<16xf32>
      %mul3A_97 = arith.mulf %mul3A_96, %add3A_92 : vector<16xf32>
      %select_n3A = arith.select %ge3A_94, %add3A_92, %mul3A_97 : vector<16xi1>, vector<16xf32>
      %add3A_98 = arith.addf %get3A_11, %get3A_91 : vector<16xf32>
      %ge3A_99 = arith.constant 0.000000e+00 : f32
      %ge3A_100 = vector.broadcast %ge3A_99 : f32 to vector<16xf32>
      %ge3A_101 = arith.cmpf oge, %add3A_98, %ge3A_100 : vector<16xf32>
      %mul3A_102 = arith.constant 2.000000e-01 : f32
      %mul3A_103 = vector.broadcast %mul3A_102 : f32 to vector<16xf32>
      %mul3A_104 = arith.mulf %mul3A_103, %add3A_98 : vector<16xf32>
      %select_n3A_105 = arith.select %ge3A_101, %add3A_98, %mul3A_104 : vector<16xi1>, vector<16xf32>
      %sub3A = arith.subf %select_n3A, %select_n3A_105 : vector<16xf32>
      %exp3A = math.exp %sub3A : vector<16xf32>
      %swap3A_106 = arith.index_cast %mul3A_85 : i32 to index
      %swap3A_107 = arith.constant 56 : index
      %swap3A_108 = tpu.vector_load %arg19[%swap3A_106, %swap3A_107] {strides = array<i32>} : memref<48x72xf32, #tpu.memory_space<vmem>>, vector<16xf32>,
      tpu.vector_store %arg19[%swap3A_106, %swap3A_107], %exp3A {strides = array<i32>} : memref<48x72xf32, #tpu.memory_space<vmem>>, vector<16xf32>,
      %get3A_109 = arith.index_cast %mul3A_85 : i32 to index
      %get3A_110 = arith.constant 0 : index
      %get3A_111 = tpu.vector_load %arg15[%get3A_109, %get3A_110] {strides = array<i32>} : memref<48x128xf32, #tpu.memory_space<vmem>>, vector<16xf32>,
      %mul3A_112 = arith.mulf %get3A_111, %exp3A : vector<16xf32>
      %swap3A_113 = arith.index_cast %mul3A_85 : i32 to index
      %swap3A_114 = arith.constant 0 : index
      %swap3A_115 = tpu.vector_load %arg19[%swap3A_113, %swap3A_114] {strides = array<i32>} : memref<48x72xf32, #tpu.memory_space<vmem>>, vector<16xf32>,
      tpu.vector_store %arg19[%swap3A_113, %swap3A_114], %mul3A_112 {strides = array<i32>} : memref<48x72xf32, #tpu.memory_space<vmem>>, vector<16xf32>,
      %get3A_116 = arith.index_cast %mul3A_85 : i32 to index
      %get3A_117 = arith.constant 16 : index
      %get3A_118 = tpu.vector_load %arg15[%get3A_116, %get3A_117] {strides = array<i32>} : memref<48x128xf32, #tpu.memory_space<vmem>>, vector<16xf32>,
      %mul3A_119 = arith.mulf %get3A_118, %exp3A : vector<16xf32>
      %swap3A_120 = arith.index_cast %mul3A_85 : i32 to index
      %swap3A_121 = arith.constant 16 : index
      %swap3A_122 = tpu.vector_load %arg19[%swap3A_120, %swap3A_121] {strides = array<i32>} : memref<48x72xf32, #tpu.memory_space<vmem>>, vector<16xf32>,
      tpu.vector_store %arg19[%swap3A_120, %swap3A_121], %mul3A_119 {strides = array<i32>} : memref<48x72xf32, #tpu.memory_space<vmem>>, vector<16xf32>,
      %get3A_123 = arith.index_cast %mul3A_85 : i32 to index
      %get3A_124 = arith.constant 32 : index
      %get3A_125 = tpu.vector_load %arg15[%get3A_123, %get3A_124] {strides = array<i32>} : memref<48x128xf32, #tpu.memory_space<vmem>>, vector<16xf32>,
      %mul3A_126 = arith.mulf %get3A_125, %exp3A : vector<16xf32>
      %swap3A_127 = arith.index_cast %mul3A_85 : i32 to index
      %swap3A_128 = arith.constant 32 : index
      %swap3A_129 = tpu.vector_load %arg19[%swap3A_127, %swap3A_128] {strides = array<i32>} : memref<48x72xf32, #tpu.memory_space<vmem>>, vector<16xf32>,
      tpu.vector_store %arg19[%swap3A_127, %swap3A_128], %mul3A_126 {strides = array<i32>} : memref<48x72xf32, #tpu.memory_space<vmem>>, vector<16xf32>,
      %get3A_130 = arith.index_cast %mul3A_85 : i32 to index
      %get3A_131 = arith.constant 48 : index
      %get3A_132 = tpu.vector_load %arg15[%get3A_130, %get3A_131] {strides = array<i32>} : memref<48x128xf32, #tpu.memory_space<vmem>>, vector<16xf32>,
      %mul3A_133 = arith.mulf %get3A_132, %exp3A : vector<16xf32>
      %swap3A_134 = arith.index_cast %mul3A_85 : i32 to index
      %swap3A_135 = arith.constant 48 : index
      %swap3A_136 = tpu.vector_load %arg19[%swap3A_134, %swap3A_135] {strides = array<i32>} : memref<48x72xf32, #tpu.memory_space<vmem>>, vector<16xf32>,
      tpu.vector_store %arg19[%swap3A_134, %swap3A_135], %mul3A_133 {strides = array<i32>} : memref<48x72xf32, #tpu.memory_space<vmem>>, vector<16xf32>,
      %mul3A_137 = arith.constant 2 : i32
      %mul3A_138 = arith.muli %mul3A_137, %scan3A_82 : i32
      %add3A_139 = arith.constant 1 : i32
      %add3A_140 = arith.addi %mul3A_138, %add3A_139 : i32
      %get3A_141 = arith.index_cast %add3A_140 : i32 to index
      %get3A_142 = arith.constant 64 : index
      %get3A_143 = tpu.vector_load %arg15[%get3A_141, %get3A_142] {strides = array<i32>} : memref<48x128xf32, #tpu.memory_space<vmem>>, vector<16xf32>,
      %get3A_144 = arith.index_cast %add3A_140 : i32 to index
      %get3A_145 = arith.constant 0 : index
      %get3A_146 = tpu.vector_load %arg17[%get3A_144, %get3A_145] {strides = array<i32>} : memref<48x16xf32, #tpu.memory_space<vmem>>, vector<16xf32>,
      %add3A_147 = arith.addf %get3A_143, %get3A_146 : vector<16xf32>
      %ge3A_148 = arith.constant 0.000000e+00 : f32
      %ge3A_149 = vector.broadcast %ge3A_148 : f32 to vector<16xf32>
      %ge3A_150 = arith.cmpf oge, %add3A_147, %ge3A_149 : vector<16xf32>
      %mul3A_151 = arith.constant 2.000000e-01 : f32
      %mul3A_152 = vector.broadcast %mul3A_151 : f32 to vector<16xf32>
      %mul3A_153 = arith.mulf %mul3A_152, %add3A_147 : vector<16xf32>
      %select_n3A_154 = arith.select %ge3A_150, %add3A_147, %mul3A_153 : vector<16xi1>, vector<16xf32>
      %add3A_155 = arith.addf %get3A_11, %get3A_146 : vector<16xf32>
      %ge3A_156 = arith.constant 0.000000e+00 : f32
      %ge3A_157 = vector.broadcast %ge3A_156 : f32 to vector<16xf32>
      %ge3A_158 = arith.cmpf oge, %add3A_155, %ge3A_157 : vector<16xf32>
      %mul3A_159 = arith.constant 2.000000e-01 : f32
      %mul3A_160 = vector.broadcast %mul3A_159 : f32 to vector<16xf32>
      %mul3A_161 = arith.mulf %mul3A_160, %add3A_155 : vector<16xf32>
      %select_n3A_162 = arith.select %ge3A_158, %add3A_155, %mul3A_161 : vector<16xi1>, vector<16xf32>
      %sub3A_163 = arith.subf %select_n3A_154, %select_n3A_162 : vector<16xf32>
      %exp3A_164 = math.exp %sub3A_163 : vector<16xf32>
      %swap3A_165 = arith.index_cast %add3A_140 : i32 to index
      %swap3A_166 = arith.constant 56 : index
      %swap3A_167 = tpu.vector_load %arg19[%swap3A_165, %swap3A_166] {strides = array<i32>} : memref<48x72xf32, #tpu.memory_space<vmem>>, vector<16xf32>,
      tpu.vector_store %arg19[%swap3A_165, %swap3A_166], %exp3A_164 {strides = array<i32>} : memref<48x72xf32, #tpu.memory_space<vmem>>, vector<16xf32>,
      %get3A_168 = arith.index_cast %add3A_140 : i32 to index
      %get3A_169 = arith.constant 0 : index
      %get3A_170 = tpu.vector_load %arg15[%get3A_168, %get3A_169] {strides = array<i32>} : memref<48x128xf32, #tpu.memory_space<vmem>>, vector<16xf32>,
      %mul3A_171 = arith.mulf %get3A_170, %exp3A_164 : vector<16xf32>
      %swap3A_172 = arith.index_cast %add3A_140 : i32 to index
      %swap3A_173 = arith.constant 0 : index
      %swap3A_174 = tpu.vector_load %arg19[%swap3A_172, %swap3A_173] {strides = array<i32>} : memref<48x72xf32, #tpu.memory_space<vmem>>, vector<16xf32>,
      tpu.vector_store %arg19[%swap3A_172, %swap3A_173], %mul3A_171 {strides = array<i32>} : memref<48x72xf32, #tpu.memory_space<vmem>>, vector<16xf32>,
      %get3A_175 = arith.index_cast %add3A_140 : i32 to index
      %get3A_176 = arith.constant 16 : index
      %get3A_177 = tpu.vector_load %arg15[%get3A_175, %get3A_176] {strides = array<i32>} : memref<48x128xf32, #tpu.memory_space<vmem>>, vector<16xf32>,
      %mul3A_178 = arith.mulf %get3A_177, %exp3A_164 : vector<16xf32>
      %swap3A_179 = arith.index_cast %add3A_140 : i32 to index
      %swap3A_180 = arith.constant 16 : index
      %swap3A_181 = tpu.vector_load %arg19[%swap3A_179, %swap3A_180] {strides = array<i32>} : memref<48x72xf32, #tpu.memory_space<vmem>>, vector<16xf32>,
      tpu.vector_store %arg19[%swap3A_179, %swap3A_180], %mul3A_178 {strides = array<i32>} : memref<48x72xf32, #tpu.memory_space<vmem>>, vector<16xf32>,
      %get3A_182 = arith.index_cast %add3A_140 : i32 to index
      %get3A_183 = arith.constant 32 : index
      %get3A_184 = tpu.vector_load %arg15[%get3A_182, %get3A_183] {strides = array<i32>} : memref<48x128xf32, #tpu.memory_space<vmem>>, vector<16xf32>,
      %mul3A_185 = arith.mulf %get3A_184, %exp3A_164 : vector<16xf32>
      %swap3A_186 = arith.index_cast %add3A_140 : i32 to index
      %swap3A_187 = arith.constant 32 : index
      %swap3A_188 = tpu.vector_load %arg19[%swap3A_186, %swap3A_187] {strides = array<i32>} : memref<48x72xf32, #tpu.memory_space<vmem>>, vector<16xf32>,
      tpu.vector_store %arg19[%swap3A_186, %swap3A_187], %mul3A_185 {strides = array<i32>} : memref<48x72xf32, #tpu.memory_space<vmem>>, vector<16xf32>,
      %get3A_189 = arith.index_cast %add3A_140 : i32 to index
      %get3A_190 = arith.constant 48 : index
      %get3A_191 = tpu.vector_load %arg15[%get3A_189, %get3A_190] {strides = array<i32>} : memref<48x128xf32, #tpu.memory_space<vmem>>, vector<16xf32>,
      %mul3A_192 = arith.mulf %get3A_191, %exp3A_164 : vector<16xf32>
      %swap3A_193 = arith.index_cast %add3A_140 : i32 to index
      %swap3A_194 = arith.constant 48 : index
      %swap3A_195 = tpu.vector_load %arg19[%swap3A_193, %swap3A_194] {strides = array<i32>} : memref<48x72xf32, #tpu.memory_space<vmem>>, vector<16xf32>,
      tpu.vector_store %arg19[%swap3A_193, %swap3A_194], %mul3A_192 {strides = array<i32>} : memref<48x72xf32, #tpu.memory_space<vmem>>, vector<16xf32>,
      %scan3A_196 = arith.constant 0 : i32
      scf.yield %scan3A_196 : i32
    }
    %scan3A_44 = arith.constant 24 : i32
    %multiple_of3A_45 = arith.constant 4992 : i32
    %multiple_of3A_46 = tpu.assume_multiple %multiple_of3A_45, 8 : i32
    %get3A_47 = arith.index_cast %multiple_of3A_46 : i32 to index
    %get3A_48 = tpu.vector_load %arg12[%get3A_47] {strides = array<i32>} : memref<5040xi32, #tpu.memory_space<vmem>>, vector<16xi32>,
    %swap3A = arith.constant 0 : index
    %swap3A_49 = tpu.vector_load %arg13[%swap3A] {strides = array<i32>} : memref<48xi32, #tpu.memory_space<vmem>>, vector<16xi32>,
    tpu.vector_store %arg13[%swap3A], %get3A_48 {strides = array<i32>} : memref<48xi32, #tpu.memory_space<vmem>>, vector<16xi32>,
    %multiple_of3A_50 = arith.constant 5008 : i32
    %multiple_of3A_51 = tpu.assume_multiple %multiple_of3A_50, 8 : i32
    %get3A_52 = arith.index_cast %multiple_of3A_51 : i32 to index
    %get3A_53 = tpu.vector_load %arg12[%get3A_52] {strides = array<i32>} : memref<5040xi32, #tpu.memory_space<vmem>>, vector<16xi32>,
    %swap3A_54 = arith.constant 16 : index
    %swap3A_55 = tpu.vector_load %arg13[%swap3A_54] {strides = array<i32>} : memref<48xi32, #tpu.memory_space<vmem>>, vector<16xi32>,
    tpu.vector_store %arg13[%swap3A_54], %get3A_53 {strides = array<i32>} : memref<48xi32, #tpu.memory_space<vmem>>, vector<16xi32>,
    %multiple_of3A_56 = arith.constant 5024 : i32
    %multiple_of3A_57 = tpu.assume_multiple %multiple_of3A_56, 8 : i32
    %get3A_58 = arith.index_cast %multiple_of3A_57 : i32 to index
    %get3A_59 = tpu.vector_load %arg12[%get3A_58] {strides = array<i32>} : memref<5040xi32, #tpu.memory_space<vmem>>, vector<16xi32>,
    %swap3A_60 = arith.constant 32 : index
    %swap3A_61 = tpu.vector_load %arg13[%swap3A_60] {strides = array<i32>} : memref<48xi32, #tpu.memory_space<vmem>>, vector<16xi32>,
    tpu.vector_store %arg13[%swap3A_60], %get3A_59 {strides = array<i32>} : memref<48xi32, #tpu.memory_space<vmem>>, vector<16xi32>,
    %dma_start3A_62 = arith.constant 0 : i32
    %dma_start3A_63 = arith.constant 0 : i32
    %dma_start3A_64 = tpu.memref_slice %arg9[%dma_start3A_62, %dma_start3A_63] : memref<10008x72xf32, #tpu.memory_space<vmem_shared>> -> memref<10008x72xf32, #tpu.memory_space<vmem_shared>>
    tpu.enqueue_indirect_dma source(%arg19 : memref<48x72xf32, #tpu.memory_space<vmem>>) target(%dma_start3A_64 : memref<10008x72xf32, #tpu.memory_space<vmem_shared>>) offsets(%arg13 : memref<48xi32, #tpu.memory_space<vmem>>) semaphore(%arg26 : memref<!tpu.dma_semaphore, #tpu.memory_space<semaphore_mem>>) {add = true}
    %dma_wait3A_65 = arith.constant 0 : i32
    %dma_wait3A_66 = arith.constant 0 : i32
    %dma_wait3A_67 = tpu.memref_slice %arg9[%dma_wait3A_65, %dma_wait3A_66] : memref<10008x72xf32, #tpu.memory_space<vmem_shared>> -> memref<10008x72xf32, #tpu.memory_space<vmem_shared>>
    tpu.wait_indirect_dma semaphore(%arg27 : memref<!tpu.dma_semaphore, #tpu.memory_space<semaphore_mem>>) src(%arg20 : memref<48x72xf32, #tpu.memory_space<vmem>>) dst(%dma_wait3A_67 : memref<10008x72xf32, #tpu.memory_space<vmem_shared>>)
    %dma_wait3A_68 = arith.constant 0 : i32
    %dma_wait3A_69 = arith.constant 0 : i32
    %dma_wait3A_70 = tpu.memref_slice %arg9[%dma_wait3A_68, %dma_wait3A_69] : memref<10008x72xf32, #tpu.memory_space<vmem_shared>> -> memref<10008x72xf32, #tpu.memory_space<vmem_shared>>
    tpu.wait_indirect_dma semaphore(%arg26 : memref<!tpu.dma_semaphore, #tpu.memory_space<semaphore_mem>>) src(%arg19 : memref<48x72xf32, #tpu.memory_space<vmem>>) dst(%dma_wait3A_70 : memref<10008x72xf32, #tpu.memory_space<vmem_shared>>)
    %barrier3A_71 = arith.constant 0 : index
    tpu.barrier barrier_id(%barrier3A_71)
    %lt3A_72 = arith.constant 15 : i32
    %lt3A_73 = arith.cmpi slt, %arg1, %lt3A_72 : i32
    %convert_element_type3A_74 = arith.extui %lt3A_73 : i1 to i32
    %cond3A_75 = arith.constant 0 : i32
    %cond3A_76 = arith.cmpi ne, %convert_element_type3A_74, %cond3A_75 : i32
    scf.if %cond3A_76 {
      %mul3A_82 = arith.constant 632 : i32
      %mul3A_83 = arith.muli %arg1, %mul3A_82 : i32
      %mul3A_84 = arith.constant 632 : i32
      %mul3A_85 = arith.muli %arg1, %mul3A_84 : i32
      "tpu.region"() ({
        %run_scoped3A = tpu.sem_alloc : memref<!tpu.dma_semaphore, #tpu.memory_space<semaphore_mem>>
        %dma_start3A_86 = arith.constant 0 : i32
        %dma_start3A_87 = tpu.memref_slice %arg8[%arg0, %mul3A_85, %dma_start3A_86] : memref<2x10008x128xf32, #tpu.memory_space<hbm>> -> memref<1x632x72xf32, #tpu.memory_space<hbm>>
        %dma_start3A_88 = tpu.memref_squeeze %dma_start3A_87 : memref<1x632x72xf32, #tpu.memory_space<hbm>> -> memref<632x72xf32, #tpu.memory_space<hbm>>
        %dma_start3A_89 = arith.constant 0 : i32
        %dma_start3A_90 = tpu.memref_slice %arg9[%mul3A_83, %dma_start3A_89] : memref<10008x72xf32, #tpu.memory_space<vmem_shared>> -> memref<632x72xf32, #tpu.memory_space<vmem_shared>>
        tpu.enqueue_dma source(%dma_start3A_90 : memref<632x72xf32, #tpu.memory_space<vmem_shared>>) target(%dma_start3A_88 : memref<632x72xf32, #tpu.memory_space<hbm>>) target_semaphore(%run_scoped3A : memref<!tpu.dma_semaphore, #tpu.memory_space<semaphore_mem>>)
        %dma_wait3A_91 = arith.constant 0 : i32
        %dma_wait3A_92 = tpu.memref_slice %arg8[%arg0, %mul3A_85, %dma_wait3A_91] : memref<2x10008x128xf32, #tpu.memory_space<hbm>> -> memref<1x632x72xf32, #tpu.memory_space<hbm>>
        %dma_wait3A_93 = tpu.memref_squeeze %dma_wait3A_92 : memref<1x632x72xf32, #tpu.memory_space<hbm>> -> memref<632x72xf32, #tpu.memory_space<hbm>>
        %dma_wait3A_94 = arith.constant 0 : i32
        %dma_wait3A_95 = tpu.memref_slice %arg9[%mul3A_83, %dma_wait3A_94] : memref<10008x72xf32, #tpu.memory_space<vmem_shared>> -> memref<632x72xf32, #tpu.memory_space<vmem_shared>>
        tpu.wait_dma2 semaphore(%run_scoped3A : memref<!tpu.dma_semaphore, #tpu.memory_space<semaphore_mem>>) src(%dma_wait3A_95 : memref<632x72xf32, #tpu.memory_space<vmem_shared>>) dst(%dma_wait3A_93 : memref<632x72xf32, #tpu.memory_space<hbm>>)
        tpu.yield
      }) : () -> ()
    } else {
    }
    %eq3A_77 = arith.constant 15 : i32
    %eq3A_78 = arith.cmpi eq, %arg1, %eq3A_77 : i32
    %convert_element_type3A_79 = arith.extui %eq3A_78 : i1 to i32
    %cond3A_80 = arith.constant 0 : i32
    %cond3A_81 = arith.cmpi ne, %convert_element_type3A_79, %cond3A_80 : i32
    scf.if %cond3A_81 {
      "tpu.region"() ({
        %run_scoped3A = tpu.sem_alloc : memref<!tpu.dma_semaphore, #tpu.memory_space<semaphore_mem>>
        %dma_start3A_82 = arith.constant 9480 : i32
        %dma_start3A_83 = arith.constant 0 : i32
        %dma_start3A_84 = tpu.memref_slice %arg8[%arg0, %dma_start3A_82, %dma_start3A_83] : memref<2x10008x128xf32, #tpu.memory_space<hbm>> -> memref<1x520x72xf32, #tpu.memory_space<hbm>>
        %dma_start3A_85 = tpu.memref_squeeze %dma_start3A_84 : memref<1x520x72xf32, #tpu.memory_space<hbm>> -> memref<520x72xf32, #tpu.memory_space<hbm>>
        %dma_start3A_86 = arith.constant 9480 : i32
        %dma_start3A_87 = arith.constant 0 : i32
        %dma_start3A_88 = tpu.memref_slice %arg9[%dma_start3A_86, %dma_start3A_87] : memref<10008x72xf32, #tpu.memory_space<vmem_shared>> -> memref<520x72xf32, #tpu.memory_space<vmem_shared>>
        tpu.enqueue_dma source(%dma_start3A_88 : memref<520x72xf32, #tpu.memory_space<vmem_shared>>) target(%dma_start3A_85 : memref<520x72xf32, #tpu.memory_space<hbm>>) target_semaphore(%run_scoped3A : memref<!tpu.dma_semaphore, #tpu.memory_space<semaphore_mem>>)
        %dma_wait3A_89 = arith.constant 9480 : i32
        %dma_wait3A_90 = arith.constant 0 : i32
        %dma_wait3A_91 = tpu.memref_slice %arg8[%arg0, %dma_wait3A_89, %dma_wait3A_90] : memref<2x10008x128xf32, #tpu.memory_space<hbm>> -> memref<1x520x72xf32, #tpu.memory_space<hbm>>
        %dma_wait3A_92 = tpu.memref_squeeze %dma_wait3A_91 : memref<1x520x72xf32, #tpu.memory_space<hbm>> -> memref<520x72xf32, #tpu.memory_space<hbm>>
        %dma_wait3A_93 = arith.constant 9480 : i32
        %dma_wait3A_94 = arith.constant 0 : i32
        %dma_wait3A_95 = tpu.memref_slice %arg9[%dma_wait3A_93, %dma_wait3A_94] : memref<10008x72xf32, #tpu.memory_space<vmem_shared>> -> memref<520x72xf32, #tpu.memory_space<vmem_shared>>
        tpu.wait_dma2 semaphore(%run_scoped3A : memref<!tpu.dma_semaphore, #tpu.memory_space<semaphore_mem>>) src(%dma_wait3A_95 : memref<520x72xf32, #tpu.memory_space<vmem_shared>>) dst(%dma_wait3A_92 : memref<520x72xf32, #tpu.memory_space<hbm>>)
        tpu.yield
      }) : () -> ()
    } else {
    }
    return
  }
}

#map = affine_map<(d0, d1) -> (0, 0)>
#map1 = affine_map<(d0, d1) -> (0)>
#map2 = affine_map<(d0, d1) -> (0, 0, 0)>
module attributes {stable_mosaic.version = 14 : i64} {
  func.func @k(%arg0: i32, %arg1: i32, %arg2: memref<10000x128xf32, #tpu.memory_space<hbm>>, %arg3: memref<10000x128xf32, #tpu.memory_space<hbm>>, %arg4: memref<161280xi32, #tpu.memory_space<hbm>>, %arg5: memref<161280xi32, #tpu.memory_space<hbm>>, %arg6: memref<1x16xf32, #tpu.memory_space<hbm>>, %arg7: memref<632x128xf32, #tpu.memory_space<hbm>>, %arg8: memref<2x10008x128xf32, #tpu.memory_space<hbm>>, %arg9: memref<10008x72xf32, #tpu.memory_space<vmem_shared>>, %arg10: memref<10008x16xf32, #tpu.memory_space<vmem_shared>>, %arg11: memref<5040xi32, #tpu.memory_space<vmem>>, %arg12: memref<5040xi32, #tpu.memory_space<vmem>>, %arg13: memref<48xi32, #tpu.memory_space<vmem>>, %arg14: memref<48xi32, #tpu.memory_space<vmem>>, %arg15: memref<48x128xf32, #tpu.memory_space<vmem>>, %arg16: memref<48x128xf32, #tpu.memory_space<vmem>>, %arg17: memref<48x16xf32, #tpu.memory_space<vmem>>, %arg18: memref<48x16xf32, #tpu.memory_space<vmem>>, %arg19: memref<48x72xf32, #tpu.memory_space<vmem>>, %arg20: memref<48x72xf32, #tpu.memory_space<vmem>>, %arg21: memref<1x16xf32, #tpu.memory_space<vmem>>, %arg22: memref<!tpu.dma_semaphore, #tpu.memory_space<semaphore_mem>>, %arg23: memref<!tpu.dma_semaphore, #tpu.memory_space<semaphore_mem>>, %arg24: memref<!tpu.dma_semaphore, #tpu.memory_space<semaphore_mem>>, %arg25: memref<!tpu.dma_semaphore, #tpu.memory_space<semaphore_mem>>, %arg26: memref<!tpu.dma_semaphore, #tpu.memory_space<semaphore_mem>>, %arg27: memref<!tpu.dma_semaphore, #tpu.memory_space<semaphore_mem>>) attributes {dimension_semantics = [#tpu.dimension_semantics<core_parallel>, #tpu.dimension_semantics<subcore_parallel>], iteration_bounds = array<i64: 2, 16>, scalar_prefetch = 0 : i64, scratch_operands = 19 : i64, tpu.core_type = #tpu.core_type<sc_vector_subcore>, window_params = [{transform_indices = #map}, {transform_indices = #map}, {transform_indices = #map1}, {transform_indices = #map1}, {transform_indices = #map}, {transform_indices = #map}, {transform_indices = #map2}]} {
    %mul3A = arith.constant 16 : i32
    %mul3A_0 = arith.muli %arg0, %mul3A : i32
    %add3A = arith.addi %mul3A_0, %arg1 : i32
    %mul3A_1 = arith.constant 5040 : i32
    %mul3A_2 = arith.muli %add3A, %mul3A_1 : i32
    %lt3A = arith.constant 15 : i32
    %lt3A_3 = arith.cmpi slt, %arg1, %lt3A : i32
    %convert_element_type3A = arith.extui %lt3A_3 : i1 to i32
    %cond3A = arith.constant 0 : i32
    %cond3A_4 = arith.cmpi ne, %convert_element_type3A, %cond3A : i32
    scf.if %cond3A_4 {
      %mul3A_82 = arith.constant 632 : i32
      %mul3A_83 = arith.muli %arg1, %mul3A_82 : i32
      "tpu.region"() ({
        %run_scoped3A = tpu.sem_alloc : memref<!tpu.dma_semaphore, #tpu.memory_space<semaphore_mem>>
        %dma_start3A_88 = arith.constant 0 : i32
        %dma_start3A_89 = tpu.memref_slice %arg9[%mul3A_83, %dma_start3A_88] : memref<10008x72xf32, #tpu.memory_space<vmem_shared>> -> memref<632x72xf32, #tpu.memory_space<vmem_shared>>
        %dma_start3A_90 = arith.constant 0 : i32
        %dma_start3A_91 = arith.constant 0 : i32
        %dma_start3A_92 = tpu.memref_slice %arg7[%dma_start3A_90, %dma_start3A_91] : memref<632x128xf32, #tpu.memory_space<hbm>> -> memref<632x72xf32, #tpu.memory_space<hbm>>
        tpu.enqueue_dma source(%dma_start3A_92 : memref<632x72xf32, #tpu.memory_space<hbm>>) target(%dma_start3A_89 : memref<632x72xf32, #tpu.memory_space<vmem_shared>>) target_semaphore(%run_scoped3A : memref<!tpu.dma_semaphore, #tpu.memory_space<semaphore_mem>>)
        %dma_wait3A_93 = arith.constant 0 : i32
        %dma_wait3A_94 = tpu.memref_slice %arg9[%mul3A_83, %dma_wait3A_93] : memref<10008x72xf32, #tpu.memory_space<vmem_shared>> -> memref<632x72xf32, #tpu.memory_space<vmem_shared>>
        %dma_wait3A_95 = arith.constant 0 : i32
        %dma_wait3A_96 = arith.constant 0 : i32
        %dma_wait3A_97 = tpu.memref_slice %arg7[%dma_wait3A_95, %dma_wait3A_96] : memref<632x128xf32, #tpu.memory_space<hbm>> -> memref<632x72xf32, #tpu.memory_space<hbm>>
        tpu.wait_dma2 semaphore(%run_scoped3A : memref<!tpu.dma_semaphore, #tpu.memory_space<semaphore_mem>>) src(%dma_wait3A_97 : memref<632x72xf32, #tpu.memory_space<hbm>>) dst(%dma_wait3A_94 : memref<632x72xf32, #tpu.memory_space<vmem_shared>>)
        tpu.yield
      }) : () -> ()
      %mul3A_84 = arith.constant 632 : i32
      %mul3A_85 = arith.muli %arg1, %mul3A_84 : i32
      %mul3A_86 = arith.constant 632 : i32
      %mul3A_87 = arith.muli %arg1, %mul3A_86 : i32
      "tpu.region"() ({
        %run_scoped3A = tpu.sem_alloc : memref<!tpu.dma_semaphore, #tpu.memory_space<semaphore_mem>>
        %dma_start3A_88 = arith.constant 0 : i32
        %dma_start3A_89 = tpu.memref_slice %arg10[%mul3A_87, %dma_start3A_88] : memref<10008x16xf32, #tpu.memory_space<vmem_shared>> -> memref<632x16xf32, #tpu.memory_space<vmem_shared>>
        %dma_start3A_90 = arith.constant 0 : i32
        %dma_start3A_91 = tpu.memref_slice %arg3[%mul3A_85, %dma_start3A_90] : memref<10000x128xf32, #tpu.memory_space<hbm>> -> memref<632x16xf32, #tpu.memory_space<hbm>>
        tpu.enqueue_dma source(%dma_start3A_91 : memref<632x16xf32, #tpu.memory_space<hbm>>) target(%dma_start3A_89 : memref<632x16xf32, #tpu.memory_space<vmem_shared>>) target_semaphore(%run_scoped3A : memref<!tpu.dma_semaphore, #tpu.memory_space<semaphore_mem>>)
        %dma_wait3A_92 = arith.constant 0 : i32
        %dma_wait3A_93 = tpu.memref_slice %arg10[%mul3A_87, %dma_wait3A_92] : memref<10008x16xf32, #tpu.memory_space<vmem_shared>> -> memref<632x16xf32, #tpu.memory_space<vmem_shared>>
        %dma_wait3A_94 = arith.constant 0 : i32
        %dma_wait3A_95 = tpu.memref_slice %arg3[%mul3A_85, %dma_wait3A_94] : memref<10000x128xf32, #tpu.memory_space<hbm>> -> memref<632x16xf32, #tpu.memory_space<hbm>>
        tpu.wait_dma2 semaphore(%run_scoped3A : memref<!tpu.dma_semaphore, #tpu.memory_space<semaphore_mem>>) src(%dma_wait3A_95 : memref<632x16xf32, #tpu.memory_space<hbm>>) dst(%dma_wait3A_93 : memref<632x16xf32, #tpu.memory_space<vmem_shared>>)
        tpu.yield
      }) : () -> ()
    } else {
    }
    %eq3A = arith.constant 15 : i32
    %eq3A_5 = arith.cmpi eq, %arg1, %eq3A : i32
    %convert_element_type3A_6 = arith.extui %eq3A_5 : i1 to i32
    %cond3A_7 = arith.constant 0 : i32
    %cond3A_8 = arith.cmpi ne, %convert_element_type3A_6, %cond3A_7 : i32
    scf.if %cond3A_8 {
      "tpu.region"() ({
        %run_scoped3A = tpu.sem_alloc : memref<!tpu.dma_semaphore, #tpu.memory_space<semaphore_mem>>
        %dma_start3A_82 = arith.constant 9480 : i32
        %dma_start3A_83 = arith.constant 0 : i32
        %dma_start3A_84 = tpu.memref_slice %arg9[%dma_start3A_82, %dma_start3A_83] : memref<10008x72xf32, #tpu.memory_space<vmem_shared>> -> memref<520x72xf32, #tpu.memory_space<vmem_shared>>
        %dma_start3A_85 = arith.constant 0 : i32
        %dma_start3A_86 = arith.constant 0 : i32
        %dma_start3A_87 = tpu.memref_slice %arg7[%dma_start3A_85, %dma_start3A_86] : memref<632x128xf32, #tpu.memory_space<hbm>> -> memref<520x72xf32, #tpu.memory_space<hbm>>
        tpu.enqueue_dma source(%dma_start3A_87 : memref<520x72xf32, #tpu.memory_space<hbm>>) target(%dma_start3A_84 : memref<520x72xf32, #tpu.memory_space<vmem_shared>>) target_semaphore(%run_scoped3A : memref<!tpu.dma_semaphore, #tpu.memory_space<semaphore_mem>>)
        %dma_wait3A_88 = arith.constant 9480 : i32
        %dma_wait3A_89 = arith.constant 0 : i32
        %dma_wait3A_90 = tpu.memref_slice %arg9[%dma_wait3A_88, %dma_wait3A_89] : memref<10008x72xf32, #tpu.memory_space<vmem_shared>> -> memref<520x72xf32, #tpu.memory_space<vmem_shared>>
        %dma_wait3A_91 = arith.constant 0 : i32
        %dma_wait3A_92 = arith.constant 0 : i32
        %dma_wait3A_93 = tpu.memref_slice %arg7[%dma_wait3A_91, %dma_wait3A_92] : memref<632x128xf32, #tpu.memory_space<hbm>> -> memref<520x72xf32, #tpu.memory_space<hbm>>
        tpu.wait_dma2 semaphore(%run_scoped3A : memref<!tpu.dma_semaphore, #tpu.memory_space<semaphore_mem>>) src(%dma_wait3A_93 : memref<520x72xf32, #tpu.memory_space<hbm>>) dst(%dma_wait3A_90 : memref<520x72xf32, #tpu.memory_space<vmem_shared>>)
        tpu.yield
      }) : () -> ()
      "tpu.region"() ({
        %run_scoped3A = tpu.sem_alloc : memref<!tpu.dma_semaphore, #tpu.memory_space<semaphore_mem>>
        %dma_start3A_82 = arith.constant 9480 : i32
        %dma_start3A_83 = arith.constant 0 : i32
        %dma_start3A_84 = tpu.memref_slice %arg10[%dma_start3A_82, %dma_start3A_83] : memref<10008x16xf32, #tpu.memory_space<vmem_shared>> -> memref<520x16xf32, #tpu.memory_space<vmem_shared>>
        %dma_start3A_85 = arith.constant 9480 : i32
        %dma_start3A_86 = arith.constant 0 : i32
        %dma_start3A_87 = tpu.memref_slice %arg3[%dma_start3A_85, %dma_start3A_86] : memref<10000x128xf32, #tpu.memory_space<hbm>> -> memref<520x16xf32, #tpu.memory_space<hbm>>
        tpu.enqueue_dma source(%dma_start3A_87 : memref<520x16xf32, #tpu.memory_space<hbm>>) target(%dma_start3A_84 : memref<520x16xf32, #tpu.memory_space<vmem_shared>>) target_semaphore(%run_scoped3A : memref<!tpu.dma_semaphore, #tpu.memory_space<semaphore_mem>>)
        %dma_wait3A_88 = arith.constant 9480 : i32
        %dma_wait3A_89 = arith.constant 0 : i32
        %dma_wait3A_90 = tpu.memref_slice %arg10[%dma_wait3A_88, %dma_wait3A_89] : memref<10008x16xf32, #tpu.memory_space<vmem_shared>> -> memref<520x16xf32, #tpu.memory_space<vmem_shared>>
        %dma_wait3A_91 = arith.constant 9480 : i32
        %dma_wait3A_92 = arith.constant 0 : i32
        %dma_wait3A_93 = tpu.memref_slice %arg3[%dma_wait3A_91, %dma_wait3A_92] : memref<10000x128xf32, #tpu.memory_space<hbm>> -> memref<520x16xf32, #tpu.memory_space<hbm>>
        tpu.wait_dma2 semaphore(%run_scoped3A : memref<!tpu.dma_semaphore, #tpu.memory_space<semaphore_mem>>) src(%dma_wait3A_93 : memref<520x16xf32, #tpu.memory_space<hbm>>) dst(%dma_wait3A_90 : memref<520x16xf32, #tpu.memory_space<vmem_shared>>)
        tpu.yield
      }) : () -> ()
    } else {
    }
    "tpu.region"() ({
      %run_scoped3A = tpu.sem_alloc : memref<!tpu.dma_semaphore, #tpu.memory_space<semaphore_mem>>
      %dma_start3A_82 = tpu.memref_slice %arg4[%mul3A_2] : memref<161280xi32, #tpu.memory_space<hbm>> -> memref<5040xi32, #tpu.memory_space<hbm>>
      %dma_start3A_83 = tpu.memref_slice %arg4[%mul3A_2] : memref<161280xi32, #tpu.memory_space<hbm>> -> memref<5040xi32, #tpu.memory_space<hbm>>
      tpu.enqueue_dma source(%dma_start3A_83 : memref<5040xi32, #tpu.memory_space<hbm>>) target(%arg11 : memref<5040xi32, #tpu.memory_space<vmem>>) target_semaphore(%run_scoped3A : memref<!tpu.dma_semaphore, #tpu.memory_space<semaphore_mem>>)
      %dma_wait3A_84 = tpu.memref_slice %arg4[%mul3A_2] : memref<161280xi32, #tpu.memory_space<hbm>> -> memref<5040xi32, #tpu.memory_space<hbm>>
      %dma_wait3A_85 = tpu.memref_slice %arg4[%mul3A_2] : memref<161280xi32, #tpu.memory_space<hbm>> -> memref<5040xi32, #tpu.memory_space<hbm>>
      tpu.wait_dma2 semaphore(%run_scoped3A : memref<!tpu.dma_semaphore, #tpu.memory_space<semaphore_mem>>) src(%dma_wait3A_85 : memref<5040xi32, #tpu.memory_space<hbm>>) dst(%arg11 : memref<5040xi32, #tpu.memory_space<vmem>>)
      tpu.yield
    }) : () -> ()
    "tpu.region"() ({
      %run_scoped3A = tpu.sem_alloc : memref<!tpu.dma_semaphore, #tpu.memory_space<semaphore_mem>>
      %dma_start3A_82 = tpu.memref_slice %arg5[%mul3A_2] : memref<161280xi32, #tpu.memory_space<hbm>> -> memref<5040xi32, #tpu.memory_space<hbm>>
      %dma_start3A_83 = tpu.memref_slice %arg5[%mul3A_2] : memref<161280xi32, #tpu.memory_space<hbm>> -> memref<5040xi32, #tpu.memory_space<hbm>>
      tpu.enqueue_dma source(%dma_start3A_83 : memref<5040xi32, #tpu.memory_space<hbm>>) target(%arg12 : memref<5040xi32, #tpu.memory_space<vmem>>) target_semaphore(%run_scoped3A : memref<!tpu.dma_semaphore, #tpu.memory_space<semaphore_mem>>)
      %dma_wait3A_84 = tpu.memref_slice %arg5[%mul3A_2] : memref<161280xi32, #tpu.memory_space<hbm>> -> memref<5040xi32, #tpu.memory_space<hbm>>
      %dma_wait3A_85 = tpu.memref_slice %arg5[%mul3A_2] : memref<161280xi32, #tpu.memory_space<hbm>> -> memref<5040xi32, #tpu.memory_space<hbm>>
      tpu.wait_dma2 semaphore(%run_scoped3A : memref<!tpu.dma_semaphore, #tpu.memory_space<semaphore_mem>>) src(%dma_wait3A_85 : memref<5040xi32, #tpu.memory_space<hbm>>) dst(%arg12 : memref<5040xi32, #tpu.memory_space<vmem>>)
      tpu.yield
    }) : () -> ()
    "tpu.region"() ({
      %run_scoped3A = tpu.sem_alloc : memref<!tpu.dma_semaphore, #tpu.memory_space<semaphore_mem>>
      tpu.enqueue_dma source(%arg6 : memref<1x16xf32, #tpu.memory_space<hbm>>) target(%arg21 : memref<1x16xf32, #tpu.memory_space<vmem>>) target_semaphore(%run_scoped3A : memref<!tpu.dma_semaphore, #tpu.memory_space<semaphore_mem>>)
      tpu.wait_dma2 semaphore(%run_scoped3A : memref<!tpu.dma_semaphore, #tpu.memory_space<semaphore_mem>>) src(%arg6 : memref<1x16xf32, #tpu.memory_space<hbm>>) dst(%arg21 : memref<1x16xf32, #tpu.memory_space<vmem>>)
      tpu.yield
    }) : () -> ()
    %barrier3A = arith.constant 0 : index
    tpu.barrier barrier_id(%barrier3A)
    %get3A = arith.constant 0 : i32
    %get3A_9 = arith.index_cast %get3A : i32 to index
    %get3A_10 = arith.constant 0 : index
    %get3A_11 = tpu.vector_load %arg21[%get3A_9, %get3A_10] {strides = array<i32>} : memref<1x16xf32, #tpu.memory_space<vmem>>, vector<16xf32>,
    %multiple_of3A = arith.constant 0 : i32
    %multiple_of3A_12 = tpu.assume_multiple %multiple_of3A, 8 : i32
    %dma_start3A = tpu.memref_slice %arg11[%multiple_of3A_12] : memref<5040xi32, #tpu.memory_space<vmem>> -> memref<48xi32, #tpu.memory_space<vmem>>
    %dma_start3A_13 = arith.constant 0 : i32
    %dma_start3A_14 = arith.constant 0 : i32
    %dma_start3A_15 = tpu.memref_slice %arg2[%dma_start3A_13, %dma_start3A_14] : memref<10000x128xf32, #tpu.memory_space<hbm>> -> memref<10000x128xf32, #tpu.memory_space<hbm>>
    tpu.enqueue_indirect_dma source(%dma_start3A_15 : memref<10000x128xf32, #tpu.memory_space<hbm>>) target(%arg15 : memref<48x128xf32, #tpu.memory_space<vmem>>) offsets(%dma_start3A : memref<48xi32, #tpu.memory_space<vmem>>) semaphore(%arg22 : memref<!tpu.dma_semaphore, #tpu.memory_space<semaphore_mem>>)
    %dma_start3A_16 = tpu.memref_slice %arg12[%multiple_of3A_12] : memref<5040xi32, #tpu.memory_space<vmem>> -> memref<48xi32, #tpu.memory_space<vmem>>
    %dma_start3A_17 = arith.constant 0 : i32
    %dma_start3A_18 = arith.constant 0 : i32
    %dma_start3A_19 = tpu.memref_slice %arg10[%dma_start3A_17, %dma_start3A_18] : memref<10008x16xf32, #tpu.memory_space<vmem_shared>> -> memref<10008x16xf32, #tpu.memory_space<vmem_shared>>
    tpu.enqueue_indirect_dma source(%dma_start3A_19 : memref<10008x16xf32, #tpu.memory_space<vmem_shared>>) target(%arg17 : memref<48x16xf32, #tpu.memory_space<vmem>>) offsets(%dma_start3A_16 : memref<48xi32, #tpu.memory_space<vmem>>) semaphore(%arg24 : memref<!tpu.dma_semaphore, #tpu.memory_space<semaphore_mem>>)
    %scan3A = arith.constant 0 : i32
    %scan3A_20 = arith.constant 0 : i32
    %scan3A_21 = arith.constant 52 : i32
    %scan3A_22 = arith.addi %scan3A_20, %scan3A_21 : i32
    %scan3A_23 = arith.constant 1 : i32
    %scan3A_24 = scf.for %scan3A_82 = %scan3A_20 to %scan3A_22 step %scan3A_23 iter_args(%scan3A_83 = %scan3A) -> (i32)  : i32 {
      %mul3A_84 = arith.constant 2 : i32
      %mul3A_85 = arith.muli %mul3A_84, %scan3A_82 : i32
      %ge3A = arith.constant 1 : i32
      %ge3A_86 = arith.cmpi sge, %scan3A_82, %ge3A : i32
      %mul3A_87 = arith.constant 48 : i32
      %mul3A_88 = arith.muli %mul3A_85, %mul3A_87 : i32
      %multiple_of3A_89 = tpu.assume_multiple %mul3A_88, 8 : i32
      %add3A_90 = arith.constant 1 : i32
      %add3A_91 = arith.addi %mul3A_85, %add3A_90 : i32
      %mul3A_92 = arith.constant 48 : i32
      %mul3A_93 = arith.muli %add3A_91, %mul3A_92 : i32
      %multiple_of3A_94 = tpu.assume_multiple %mul3A_93, 8 : i32
      %dma_start3A_95 = tpu.memref_slice %arg11[%multiple_of3A_94] : memref<5040xi32, #tpu.memory_space<vmem>> -> memref<48xi32, #tpu.memory_space<vmem>>
      %dma_start3A_96 = arith.constant 0 : i32
      %dma_start3A_97 = arith.constant 0 : i32
      %dma_start3A_98 = tpu.memref_slice %arg2[%dma_start3A_96, %dma_start3A_97] : memref<10000x128xf32, #tpu.memory_space<hbm>> -> memref<10000x128xf32, #tpu.memory_space<hbm>>
      tpu.enqueue_indirect_dma source(%dma_start3A_98 : memref<10000x128xf32, #tpu.memory_space<hbm>>) target(%arg16 : memref<48x128xf32, #tpu.memory_space<vmem>>) offsets(%dma_start3A_95 : memref<48xi32, #tpu.memory_space<vmem>>) semaphore(%arg23 : memref<!tpu.dma_semaphore, #tpu.memory_space<semaphore_mem>>)
      %dma_start3A_99 = tpu.memref_slice %arg12[%multiple_of3A_94] : memref<5040xi32, #tpu.memory_space<vmem>> -> memref<48xi32, #tpu.memory_space<vmem>>
      %dma_start3A_100 = arith.constant 0 : i32
      %dma_start3A_101 = arith.constant 0 : i32
      %dma_start3A_102 = tpu.memref_slice %arg10[%dma_start3A_100, %dma_start3A_101] : memref<10008x16xf32, #tpu.memory_space<vmem_shared>> -> memref<10008x16xf32, #tpu.memory_space<vmem_shared>>
      tpu.enqueue_indirect_dma source(%dma_start3A_102 : memref<10008x16xf32, #tpu.memory_space<vmem_shared>>) target(%arg18 : memref<48x16xf32, #tpu.memory_space<vmem>>) offsets(%dma_start3A_99 : memref<48xi32, #tpu.memory_space<vmem>>) semaphore(%arg25 : memref<!tpu.dma_semaphore, #tpu.memory_space<semaphore_mem>>)
      %dma_wait3A_103 = tpu.memref_slice %arg11[%multiple_of3A_89] : memref<5040xi32, #tpu.memory_space<vmem>> -> memref<48xi32, #tpu.memory_space<vmem>>
      %dma_wait3A_104 = arith.constant 0 : i32
      %dma_wait3A_105 = arith.constant 0 : i32
      %dma_wait3A_106 = tpu.memref_slice %arg2[%dma_wait3A_104, %dma_wait3A_105] : memref<10000x128xf32, #tpu.memory_space<hbm>> -> memref<10000x128xf32, #tpu.memory_space<hbm>>
      tpu.wait_indirect_dma semaphore(%arg22 : memref<!tpu.dma_semaphore, #tpu.memory_space<semaphore_mem>>) src(%dma_wait3A_106 : memref<10000x128xf32, #tpu.memory_space<hbm>>) dst(%arg15 : memref<48x128xf32, #tpu.memory_space<vmem>>)
      %dma_wait3A_107 = tpu.memref_slice %arg12[%multiple_of3A_89] : memref<5040xi32, #tpu.memory_space<vmem>> -> memref<48xi32, #tpu.memory_space<vmem>>
      %dma_wait3A_108 = arith.constant 0 : i32
      %dma_wait3A_109 = arith.constant 0 : i32
      %dma_wait3A_110 = tpu.memref_slice %arg10[%dma_wait3A_108, %dma_wait3A_109] : memref<10008x16xf32, #tpu.memory_space<vmem_shared>> -> memref<10008x16xf32, #tpu.memory_space<vmem_shared>>
      tpu.wait_indirect_dma semaphore(%arg24 : memref<!tpu.dma_semaphore, #tpu.memory_space<semaphore_mem>>) src(%dma_wait3A_110 : memref<10008x16xf32, #tpu.memory_space<vmem_shared>>) dst(%arg17 : memref<48x16xf32, #tpu.memory_space<vmem>>)
      %convert_element_type3A_111 = arith.extui %ge3A_86 : i1 to i32
      %cond3A_112 = arith.constant 0 : i32
      %cond3A_113 = arith.cmpi ne, %convert_element_type3A_111, %cond3A_112 : i32
      scf.if %cond3A_113 {
        %dma_wait3A_222 = arith.constant 0 : i32
        %dma_wait3A_223 = arith.constant 0 : i32
        %dma_wait3A_224 = tpu.memref_slice %arg9[%dma_wait3A_222, %dma_wait3A_223] : memref<10008x72xf32, #tpu.memory_space<vmem_shared>> -> memref<10008x72xf32, #tpu.memory_space<vmem_shared>>
        tpu.wait_indirect_dma semaphore(%arg26 : memref<!tpu.dma_semaphore, #tpu.memory_space<semaphore_mem>>) src(%arg19 : memref<48x72xf32, #tpu.memory_space<vmem>>) dst(%dma_wait3A_224 : memref<10008x72xf32, #tpu.memory_space<vmem_shared>>)
      } else {
      }
      %scan3A_114 = arith.constant 0 : i32
      %scan3A_115 = arith.constant 0 : i32
      %scan3A_116 = arith.constant 24 : i32
      %scan3A_117 = arith.addi %scan3A_115, %scan3A_116 : i32
      %scan3A_118 = arith.constant 1 : i32
      %scan3A_119 = scf.for %scan3A_222 = %scan3A_115 to %scan3A_117 step %scan3A_118 iter_args(%scan3A_223 = %scan3A_114) -> (i32)  : i32 {
        %mul3A_224 = arith.constant 2 : i32
        %mul3A_225 = arith.muli %mul3A_224, %scan3A_222 : i32
        %get3A_226 = arith.index_cast %mul3A_225 : i32 to index
        %get3A_227 = arith.constant 64 : index
        %get3A_228 = tpu.vector_load %arg15[%get3A_226, %get3A_227] {strides = array<i32>} : memref<48x128xf32, #tpu.memory_space<vmem>>, vector<16xf32>,
        %get3A_229 = arith.index_cast %mul3A_225 : i32 to index
        %get3A_230 = arith.constant 0 : index
        %get3A_231 = tpu.vector_load %arg17[%get3A_229, %get3A_230] {strides = array<i32>} : memref<48x16xf32, #tpu.memory_space<vmem>>, vector<16xf32>,
        %add3A_232 = arith.addf %get3A_228, %get3A_231 : vector<16xf32>
        %ge3A_233 = arith.constant 0.000000e+00 : f32
        %ge3A_234 = vector.broadcast %ge3A_233 : f32 to vector<16xf32>
        %ge3A_235 = arith.cmpf oge, %add3A_232, %ge3A_234 : vector<16xf32>
        %mul3A_236 = arith.constant 2.000000e-01 : f32
        %mul3A_237 = vector.broadcast %mul3A_236 : f32 to vector<16xf32>
        %mul3A_238 = arith.mulf %mul3A_237, %add3A_232 : vector<16xf32>
        %select_n3A = arith.select %ge3A_235, %add3A_232, %mul3A_238 : vector<16xi1>, vector<16xf32>
        %add3A_239 = arith.addf %get3A_11, %get3A_231 : vector<16xf32>
        %ge3A_240 = arith.constant 0.000000e+00 : f32
        %ge3A_241 = vector.broadcast %ge3A_240 : f32 to vector<16xf32>
        %ge3A_242 = arith.cmpf oge, %add3A_239, %ge3A_241 : vector<16xf32>
        %mul3A_243 = arith.constant 2.000000e-01 : f32
        %mul3A_244 = vector.broadcast %mul3A_243 : f32 to vector<16xf32>
        %mul3A_245 = arith.mulf %mul3A_244, %add3A_239 : vector<16xf32>
        %select_n3A_246 = arith.select %ge3A_242, %add3A_239, %mul3A_245 : vector<16xi1>, vector<16xf32>
        %sub3A = arith.subf %select_n3A, %select_n3A_246 : vector<16xf32>
        %exp3A = math.exp %sub3A : vector<16xf32>
        %swap3A_247 = arith.index_cast %mul3A_225 : i32 to index
        %swap3A_248 = arith.constant 56 : index
        %swap3A_249 = tpu.vector_load %arg19[%swap3A_247, %swap3A_248] {strides = array<i32>} : memref<48x72xf32, #tpu.memory_space<vmem>>, vector<16xf32>,
        tpu.vector_store %arg19[%swap3A_247, %swap3A_248], %exp3A {strides = array<i32>} : memref<48x72xf32, #tpu.memory_space<vmem>>, vector<16xf32>,
        %get3A_250 = arith.index_cast %mul3A_225 : i32 to index
        %get3A_251 = arith.constant 0 : index
        %get3A_252 = tpu.vector_load %arg15[%get3A_250, %get3A_251] {strides = array<i32>} : memref<48x128xf32, #tpu.memory_space<vmem>>, vector<16xf32>,
        %mul3A_253 = arith.mulf %get3A_252, %exp3A : vector<16xf32>
        %swap3A_254 = arith.index_cast %mul3A_225 : i32 to index
        %swap3A_255 = arith.constant 0 : index
        %swap3A_256 = tpu.vector_load %arg19[%swap3A_254, %swap3A_255] {strides = array<i32>} : memref<48x72xf32, #tpu.memory_space<vmem>>, vector<16xf32>,
        tpu.vector_store %arg19[%swap3A_254, %swap3A_255], %mul3A_253 {strides = array<i32>} : memref<48x72xf32, #tpu.memory_space<vmem>>, vector<16xf32>,
        %get3A_257 = arith.index_cast %mul3A_225 : i32 to index
        %get3A_258 = arith.constant 16 : index
        %get3A_259 = tpu.vector_load %arg15[%get3A_257, %get3A_258] {strides = array<i32>} : memref<48x128xf32, #tpu.memory_space<vmem>>, vector<16xf32>,
        %mul3A_260 = arith.mulf %get3A_259, %exp3A : vector<16xf32>
        %swap3A_261 = arith.index_cast %mul3A_225 : i32 to index
        %swap3A_262 = arith.constant 16 : index
        %swap3A_263 = tpu.vector_load %arg19[%swap3A_261, %swap3A_262] {strides = array<i32>} : memref<48x72xf32, #tpu.memory_space<vmem>>, vector<16xf32>,
        tpu.vector_store %arg19[%swap3A_261, %swap3A_262], %mul3A_260 {strides = array<i32>} : memref<48x72xf32, #tpu.memory_space<vmem>>, vector<16xf32>,
        %get3A_264 = arith.index_cast %mul3A_225 : i32 to index
        %get3A_265 = arith.constant 32 : index
        %get3A_266 = tpu.vector_load %arg15[%get3A_264, %get3A_265] {strides = array<i32>} : memref<48x128xf32, #tpu.memory_space<vmem>>, vector<16xf32>,
        %mul3A_267 = arith.mulf %get3A_266, %exp3A : vector<16xf32>
        %swap3A_268 = arith.index_cast %mul3A_225 : i32 to index
        %swap3A_269 = arith.constant 32 : index
        %swap3A_270 = tpu.vector_load %arg19[%swap3A_268, %swap3A_269] {strides = array<i32>} : memref<48x72xf32, #tpu.memory_space<vmem>>, vector<16xf32>,
        tpu.vector_store %arg19[%swap3A_268, %swap3A_269], %mul3A_267 {strides = array<i32>} : memref<48x72xf32, #tpu.memory_space<vmem>>, vector<16xf32>,
        %get3A_271 = arith.index_cast %mul3A_225 : i32 to index
        %get3A_272 = arith.constant 48 : index
        %get3A_273 = tpu.vector_load %arg15[%get3A_271, %get3A_272] {strides = array<i32>} : memref<48x128xf32, #tpu.memory_space<vmem>>, vector<16xf32>,
        %mul3A_274 = arith.mulf %get3A_273, %exp3A : vector<16xf32>
        %swap3A_275 = arith.index_cast %mul3A_225 : i32 to index
        %swap3A_276 = arith.constant 48 : index
        %swap3A_277 = tpu.vector_load %arg19[%swap3A_275, %swap3A_276] {strides = array<i32>} : memref<48x72xf32, #tpu.memory_space<vmem>>, vector<16xf32>,
        tpu.vector_store %arg19[%swap3A_275, %swap3A_276], %mul3A_274 {strides = array<i32>} : memref<48x72xf32, #tpu.memory_space<vmem>>, vector<16xf32>,
        %mul3A_278 = arith.constant 2 : i32
        %mul3A_279 = arith.muli %mul3A_278, %scan3A_222 : i32
        %add3A_280 = arith.constant 1 : i32
        %add3A_281 = arith.addi %mul3A_279, %add3A_280 : i32
        %get3A_282 = arith.index_cast %add3A_281 : i32 to index
        %get3A_283 = arith.constant 64 : index
        %get3A_284 = tpu.vector_load %arg15[%get3A_282, %get3A_283] {strides = array<i32>} : memref<48x128xf32, #tpu.memory_space<vmem>>, vector<16xf32>,
        %get3A_285 = arith.index_cast %add3A_281 : i32 to index
        %get3A_286 = arith.constant 0 : index
        %get3A_287 = tpu.vector_load %arg17[%get3A_285, %get3A_286] {strides = array<i32>} : memref<48x16xf32, #tpu.memory_space<vmem>>, vector<16xf32>,
        %add3A_288 = arith.addf %get3A_284, %get3A_287 : vector<16xf32>
        %ge3A_289 = arith.constant 0.000000e+00 : f32
        %ge3A_290 = vector.broadcast %ge3A_289 : f32 to vector<16xf32>
        %ge3A_291 = arith.cmpf oge, %add3A_288, %ge3A_290 : vector<16xf32>
        %mul3A_292 = arith.constant 2.000000e-01 : f32
        %mul3A_293 = vector.broadcast %mul3A_292 : f32 to vector<16xf32>
        %mul3A_294 = arith.mulf %mul3A_293, %add3A_288 : vector<16xf32>
        %select_n3A_295 = arith.select %ge3A_291, %add3A_288, %mul3A_294 : vector<16xi1>, vector<16xf32>
        %add3A_296 = arith.addf %get3A_11, %get3A_287 : vector<16xf32>
        %ge3A_297 = arith.constant 0.000000e+00 : f32
        %ge3A_298 = vector.broadcast %ge3A_297 : f32 to vector<16xf32>
        %ge3A_299 = arith.cmpf oge, %add3A_296, %ge3A_298 : vector<16xf32>
        %mul3A_300 = arith.constant 2.000000e-01 : f32
        %mul3A_301 = vector.broadcast %mul3A_300 : f32 to vector<16xf32>
        %mul3A_302 = arith.mulf %mul3A_301, %add3A_296 : vector<16xf32>
        %select_n3A_303 = arith.select %ge3A_299, %add3A_296, %mul3A_302 : vector<16xi1>, vector<16xf32>
        %sub3A_304 = arith.subf %select_n3A_295, %select_n3A_303 : vector<16xf32>
        %exp3A_305 = math.exp %sub3A_304 : vector<16xf32>
        %swap3A_306 = arith.index_cast %add3A_281 : i32 to index
        %swap3A_307 = arith.constant 56 : index
        %swap3A_308 = tpu.vector_load %arg19[%swap3A_306, %swap3A_307] {strides = array<i32>} : memref<48x72xf32, #tpu.memory_space<vmem>>, vector<16xf32>,
        tpu.vector_store %arg19[%swap3A_306, %swap3A_307], %exp3A_305 {strides = array<i32>} : memref<48x72xf32, #tpu.memory_space<vmem>>, vector<16xf32>,
        %get3A_309 = arith.index_cast %add3A_281 : i32 to index
        %get3A_310 = arith.constant 0 : index
        %get3A_311 = tpu.vector_load %arg15[%get3A_309, %get3A_310] {strides = array<i32>} : memref<48x128xf32, #tpu.memory_space<vmem>>, vector<16xf32>,
        %mul3A_312 = arith.mulf %get3A_311, %exp3A_305 : vector<16xf32>
        %swap3A_313 = arith.index_cast %add3A_281 : i32 to index
        %swap3A_314 = arith.constant 0 : index
        %swap3A_315 = tpu.vector_load %arg19[%swap3A_313, %swap3A_314] {strides = array<i32>} : memref<48x72xf32, #tpu.memory_space<vmem>>, vector<16xf32>,
        tpu.vector_store %arg19[%swap3A_313, %swap3A_314], %mul3A_312 {strides = array<i32>} : memref<48x72xf32, #tpu.memory_space<vmem>>, vector<16xf32>,
        %get3A_316 = arith.index_cast %add3A_281 : i32 to index
        %get3A_317 = arith.constant 16 : index
        %get3A_318 = tpu.vector_load %arg15[%get3A_316, %get3A_317] {strides = array<i32>} : memref<48x128xf32, #tpu.memory_space<vmem>>, vector<16xf32>,
        %mul3A_319 = arith.mulf %get3A_318, %exp3A_305 : vector<16xf32>
        %swap3A_320 = arith.index_cast %add3A_281 : i32 to index
        %swap3A_321 = arith.constant 16 : index
        %swap3A_322 = tpu.vector_load %arg19[%swap3A_320, %swap3A_321] {strides = array<i32>} : memref<48x72xf32, #tpu.memory_space<vmem>>, vector<16xf32>,
        tpu.vector_store %arg19[%swap3A_320, %swap3A_321], %mul3A_319 {strides = array<i32>} : memref<48x72xf32, #tpu.memory_space<vmem>>, vector<16xf32>,
        %get3A_323 = arith.index_cast %add3A_281 : i32 to index
        %get3A_324 = arith.constant 32 : index
        %get3A_325 = tpu.vector_load %arg15[%get3A_323, %get3A_324] {strides = array<i32>} : memref<48x128xf32, #tpu.memory_space<vmem>>, vector<16xf32>,
        %mul3A_326 = arith.mulf %get3A_325, %exp3A_305 : vector<16xf32>
        %swap3A_327 = arith.index_cast %add3A_281 : i32 to index
        %swap3A_328 = arith.constant 32 : index
        %swap3A_329 = tpu.vector_load %arg19[%swap3A_327, %swap3A_328] {strides = array<i32>} : memref<48x72xf32, #tpu.memory_space<vmem>>, vector<16xf32>,
        tpu.vector_store %arg19[%swap3A_327, %swap3A_328], %mul3A_326 {strides = array<i32>} : memref<48x72xf32, #tpu.memory_space<vmem>>, vector<16xf32>,
        %get3A_330 = arith.index_cast %add3A_281 : i32 to index
        %get3A_331 = arith.constant 48 : index
        %get3A_332 = tpu.vector_load %arg15[%get3A_330, %get3A_331] {strides = array<i32>} : memref<48x128xf32, #tpu.memory_space<vmem>>, vector<16xf32>,
        %mul3A_333 = arith.mulf %get3A_332, %exp3A_305 : vector<16xf32>
        %swap3A_334 = arith.index_cast %add3A_281 : i32 to index
        %swap3A_335 = arith.constant 48 : index
        %swap3A_336 = tpu.vector_load %arg19[%swap3A_334, %swap3A_335] {strides = array<i32>} : memref<48x72xf32, #tpu.memory_space<vmem>>, vector<16xf32>,
        tpu.vector_store %arg19[%swap3A_334, %swap3A_335], %mul3A_333 {strides = array<i32>} : memref<48x72xf32, #tpu.memory_space<vmem>>, vector<16xf32>,
        %scan3A_337 = arith.constant 0 : i32
        scf.yield %scan3A_337 : i32
      }
      %scan3A_120 = arith.constant 24 : i32
      %mul3A_121 = arith.constant 48 : i32
      %mul3A_122 = arith.muli %mul3A_85, %mul3A_121 : i32
      %add3A_123 = arith.constant 0 : i32
      %add3A_124 = arith.addi %mul3A_122, %add3A_123 : i32
      %multiple_of3A_125 = tpu.assume_multiple %add3A_124, 8 : i32
      %get3A_126 = arith.index_cast %multiple_of3A_125 : i32 to index
      %get3A_127 = tpu.vector_load %arg12[%get3A_126] {strides = array<i32>} : memref<5040xi32, #tpu.memory_space<vmem>>, vector<16xi32>,
      %swap3A_128 = arith.constant 0 : index
      %swap3A_129 = tpu.vector_load %arg13[%swap3A_128] {strides = array<i32>} : memref<48xi32, #tpu.memory_space<vmem>>, vector<16xi32>,
      tpu.vector_store %arg13[%swap3A_128], %get3A_127 {strides = array<i32>} : memref<48xi32, #tpu.memory_space<vmem>>, vector<16xi32>,
      %mul3A_130 = arith.constant 48 : i32
      %mul3A_131 = arith.muli %mul3A_85, %mul3A_130 : i32
      %add3A_132 = arith.constant 16 : i32
      %add3A_133 = arith.addi %mul3A_131, %add3A_132 : i32
      %multiple_of3A_134 = tpu.assume_multiple %add3A_133, 8 : i32
      %get3A_135 = arith.index_cast %multiple_of3A_134 : i32 to index
      %get3A_136 = tpu.vector_load %arg12[%get3A_135] {strides = array<i32>} : memref<5040xi32, #tpu.memory_space<vmem>>, vector<16xi32>,
      %swap3A_137 = arith.constant 16 : index
      %swap3A_138 = tpu.vector_load %arg13[%swap3A_137] {strides = array<i32>} : memref<48xi32, #tpu.memory_space<vmem>>, vector<16xi32>,
      tpu.vector_store %arg13[%swap3A_137], %get3A_136 {strides = array<i32>} : memref<48xi32, #tpu.memory_space<vmem>>, vector<16xi32>,
      %mul3A_139 = arith.constant 48 : i32
      %mul3A_140 = arith.muli %mul3A_85, %mul3A_139 : i32
      %add3A_141 = arith.constant 32 : i32
      %add3A_142 = arith.addi %mul3A_140, %add3A_141 : i32
      %multiple_of3A_143 = tpu.assume_multiple %add3A_142, 8 : i32
      %get3A_144 = arith.index_cast %multiple_of3A_143 : i32 to index
      %get3A_145 = tpu.vector_load %arg12[%get3A_144] {strides = array<i32>} : memref<5040xi32, #tpu.memory_space<vmem>>, vector<16xi32>,
      %swap3A_146 = arith.constant 32 : index
      %swap3A_147 = tpu.vector_load %arg13[%swap3A_146] {strides = array<i32>} : memref<48xi32, #tpu.memory_space<vmem>>, vector<16xi32>,
      tpu.vector_store %arg13[%swap3A_146], %get3A_145 {strides = array<i32>} : memref<48xi32, #tpu.memory_space<vmem>>, vector<16xi32>,
      %dma_start3A_148 = arith.constant 0 : i32
      %dma_start3A_149 = arith.constant 0 : i32
      %dma_start3A_150 = tpu.memref_slice %arg9[%dma_start3A_148, %dma_start3A_149] : memref<10008x72xf32, #tpu.memory_space<vmem_shared>> -> memref<10008x72xf32, #tpu.memory_space<vmem_shared>>
      tpu.enqueue_indirect_dma source(%arg19 : memref<48x72xf32, #tpu.memory_space<vmem>>) target(%dma_start3A_150 : memref<10008x72xf32, #tpu.memory_space<vmem_shared>>) offsets(%arg13 : memref<48xi32, #tpu.memory_space<vmem>>) semaphore(%arg26 : memref<!tpu.dma_semaphore, #tpu.memory_space<semaphore_mem>>) {add = true}
      %mul3A_151 = arith.constant 2 : i32
      %mul3A_152 = arith.muli %mul3A_151, %scan3A_82 : i32
      %add3A_153 = arith.constant 1 : i32
      %add3A_154 = arith.addi %mul3A_152, %add3A_153 : i32
      %ge3A_155 = arith.constant 1 : i32
      %ge3A_156 = arith.cmpi sge, %scan3A_82, %ge3A_155 : i32
      %mul3A_157 = arith.constant 48 : i32
      %mul3A_158 = arith.muli %add3A_154, %mul3A_157 : i32
      %multiple_of3A_159 = tpu.assume_multiple %mul3A_158, 8 : i32
      %add3A_160 = arith.constant 1 : i32
      %add3A_161 = arith.addi %add3A_154, %add3A_160 : i32
      %mul3A_162 = arith.constant 48 : i32
      %mul3A_163 = arith.muli %add3A_161, %mul3A_162 : i32
      %multiple_of3A_164 = tpu.assume_multiple %mul3A_163, 8 : i32
      %dma_start3A_165 = tpu.memref_slice %arg11[%multiple_of3A_164] : memref<5040xi32, #tpu.memory_space<vmem>> -> memref<48xi32, #tpu.memory_space<vmem>>
      %dma_start3A_166 = arith.constant 0 : i32
      %dma_start3A_167 = arith.constant 0 : i32
      %dma_start3A_168 = tpu.memref_slice %arg2[%dma_start3A_166, %dma_start3A_167] : memref<10000x128xf32, #tpu.memory_space<hbm>> -> memref<10000x128xf32, #tpu.memory_space<hbm>>
      tpu.enqueue_indirect_dma source(%dma_start3A_168 : memref<10000x128xf32, #tpu.memory_space<hbm>>) target(%arg15 : memref<48x128xf32, #tpu.memory_space<vmem>>) offsets(%dma_start3A_165 : memref<48xi32, #tpu.memory_space<vmem>>) semaphore(%arg22 : memref<!tpu.dma_semaphore, #tpu.memory_space<semaphore_mem>>)
      %dma_start3A_169 = tpu.memref_slice %arg12[%multiple_of3A_164] : memref<5040xi32, #tpu.memory_space<vmem>> -> memref<48xi32, #tpu.memory_space<vmem>>
      %dma_start3A_170 = arith.constant 0 : i32
      %dma_start3A_171 = arith.constant 0 : i32
      %dma_start3A_172 = tpu.memref_slice %arg10[%dma_start3A_170, %dma_start3A_171] : memref<10008x16xf32, #tpu.memory_space<vmem_shared>> -> memref<10008x16xf32, #tpu.memory_space<vmem_shared>>
      tpu.enqueue_indirect_dma source(%dma_start3A_172 : memref<10008x16xf32, #tpu.memory_space<vmem_shared>>) target(%arg17 : memref<48x16xf32, #tpu.memory_space<vmem>>) offsets(%dma_start3A_169 : memref<48xi32, #tpu.memory_space<vmem>>) semaphore(%arg24 : memref<!tpu.dma_semaphore, #tpu.memory_space<semaphore_mem>>)
      %dma_wait3A_173 = tpu.memref_slice %arg11[%multiple_of3A_159] : memref<5040xi32, #tpu.memory_space<vmem>> -> memref<48xi32, #tpu.memory_space<vmem>>
      %dma_wait3A_174 = arith.constant 0 : i32
      %dma_wait3A_175 = arith.constant 0 : i32
      %dma_wait3A_176 = tpu.memref_slice %arg2[%dma_wait3A_174, %dma_wait3A_175] : memref<10000x128xf32, #tpu.memory_space<hbm>> -> memref<10000x128xf32, #tpu.memory_space<hbm>>
      tpu.wait_indirect_dma semaphore(%arg23 : memref<!tpu.dma_semaphore, #tpu.memory_space<semaphore_mem>>) src(%dma_wait3A_176 : memref<10000x128xf32, #tpu.memory_space<hbm>>) dst(%arg16 : memref<48x128xf32, #tpu.memory_space<vmem>>)
      %dma_wait3A_177 = tpu.memref_slice %arg12[%multiple_of3A_159] : memref<5040xi32, #tpu.memory_space<vmem>> -> memref<48xi32, #tpu.memory_space<vmem>>
      %dma_wait3A_178 = arith.constant 0 : i32
      %dma_wait3A_179 = arith.constant 0 : i32
      %dma_wait3A_180 = tpu.memref_slice %arg10[%dma_wait3A_178, %dma_wait3A_179] : memref<10008x16xf32, #tpu.memory_space<vmem_shared>> -> memref<10008x16xf32, #tpu.memory_space<vmem_shared>>
      tpu.wait_indirect_dma semaphore(%arg25 : memref<!tpu.dma_semaphore, #tpu.memory_space<semaphore_mem>>) src(%dma_wait3A_180 : memref<10008x16xf32, #tpu.memory_space<vmem_shared>>) dst(%arg18 : memref<48x16xf32, #tpu.memory_space<vmem>>)
      %convert_element_type3A_181 = arith.extui %ge3A_156 : i1 to i32
      %cond3A_182 = arith.constant 0 : i32
      %cond3A_183 = arith.cmpi ne, %convert_element_type3A_181, %cond3A_182 : i32
      scf.if %cond3A_183 {
        %dma_wait3A_222 = arith.constant 0 : i32
        %dma_wait3A_223 = arith.constant 0 : i32
        %dma_wait3A_224 = tpu.memref_slice %arg9[%dma_wait3A_222, %dma_wait3A_223] : memref<10008x72xf32, #tpu.memory_space<vmem_shared>> -> memref<10008x72xf32, #tpu.memory_space<vmem_shared>>
        tpu.wait_indirect_dma semaphore(%arg27 : memref<!tpu.dma_semaphore, #tpu.memory_space<semaphore_mem>>) src(%arg20 : memref<48x72xf32, #tpu.memory_space<vmem>>) dst(%dma_wait3A_224 : memref<10008x72xf32, #tpu.memory_space<vmem_shared>>)
      } else {
      }
      %scan3A_184 = arith.constant 0 : i32
      %scan3A_185 = arith.constant 0 : i32
      %scan3A_186 = arith.constant 24 : i32
      %scan3A_187 = arith.addi %scan3A_185, %scan3A_186 : i32
      %scan3A_188 = arith.constant 1 : i32
      %scan3A_189 = scf.for %scan3A_222 = %scan3A_185 to %scan3A_187 step %scan3A_188 iter_args(%scan3A_223 = %scan3A_184) -> (i32)  : i32 {
        %mul3A_224 = arith.constant 2 : i32
        %mul3A_225 = arith.muli %mul3A_224, %scan3A_222 : i32
        %get3A_226 = arith.index_cast %mul3A_225 : i32 to index
        %get3A_227 = arith.constant 64 : index
        %get3A_228 = tpu.vector_load %arg16[%get3A_226, %get3A_227] {strides = array<i32>} : memref<48x128xf32, #tpu.memory_space<vmem>>, vector<16xf32>,
        %get3A_229 = arith.index_cast %mul3A_225 : i32 to index
        %get3A_230 = arith.constant 0 : index
        %get3A_231 = tpu.vector_load %arg18[%get3A_229, %get3A_230] {strides = array<i32>} : memref<48x16xf32, #tpu.memory_space<vmem>>, vector<16xf32>,
        %add3A_232 = arith.addf %get3A_228, %get3A_231 : vector<16xf32>
        %ge3A_233 = arith.constant 0.000000e+00 : f32
        %ge3A_234 = vector.broadcast %ge3A_233 : f32 to vector<16xf32>
        %ge3A_235 = arith.cmpf oge, %add3A_232, %ge3A_234 : vector<16xf32>
        %mul3A_236 = arith.constant 2.000000e-01 : f32
        %mul3A_237 = vector.broadcast %mul3A_236 : f32 to vector<16xf32>
        %mul3A_238 = arith.mulf %mul3A_237, %add3A_232 : vector<16xf32>
        %select_n3A = arith.select %ge3A_235, %add3A_232, %mul3A_238 : vector<16xi1>, vector<16xf32>
        %add3A_239 = arith.addf %get3A_11, %get3A_231 : vector<16xf32>
        %ge3A_240 = arith.constant 0.000000e+00 : f32
        %ge3A_241 = vector.broadcast %ge3A_240 : f32 to vector<16xf32>
        %ge3A_242 = arith.cmpf oge, %add3A_239, %ge3A_241 : vector<16xf32>
        %mul3A_243 = arith.constant 2.000000e-01 : f32
        %mul3A_244 = vector.broadcast %mul3A_243 : f32 to vector<16xf32>
        %mul3A_245 = arith.mulf %mul3A_244, %add3A_239 : vector<16xf32>
        %select_n3A_246 = arith.select %ge3A_242, %add3A_239, %mul3A_245 : vector<16xi1>, vector<16xf32>
        %sub3A = arith.subf %select_n3A, %select_n3A_246 : vector<16xf32>
        %exp3A = math.exp %sub3A : vector<16xf32>
        %swap3A_247 = arith.index_cast %mul3A_225 : i32 to index
        %swap3A_248 = arith.constant 56 : index
        %swap3A_249 = tpu.vector_load %arg20[%swap3A_247, %swap3A_248] {strides = array<i32>} : memref<48x72xf32, #tpu.memory_space<vmem>>, vector<16xf32>,
        tpu.vector_store %arg20[%swap3A_247, %swap3A_248], %exp3A {strides = array<i32>} : memref<48x72xf32, #tpu.memory_space<vmem>>, vector<16xf32>,
        %get3A_250 = arith.index_cast %mul3A_225 : i32 to index
        %get3A_251 = arith.constant 0 : index
        %get3A_252 = tpu.vector_load %arg16[%get3A_250, %get3A_251] {strides = array<i32>} : memref<48x128xf32, #tpu.memory_space<vmem>>, vector<16xf32>,
        %mul3A_253 = arith.mulf %get3A_252, %exp3A : vector<16xf32>
        %swap3A_254 = arith.index_cast %mul3A_225 : i32 to index
        %swap3A_255 = arith.constant 0 : index
        %swap3A_256 = tpu.vector_load %arg20[%swap3A_254, %swap3A_255] {strides = array<i32>} : memref<48x72xf32, #tpu.memory_space<vmem>>, vector<16xf32>,
        tpu.vector_store %arg20[%swap3A_254, %swap3A_255], %mul3A_253 {strides = array<i32>} : memref<48x72xf32, #tpu.memory_space<vmem>>, vector<16xf32>,
        %get3A_257 = arith.index_cast %mul3A_225 : i32 to index
        %get3A_258 = arith.constant 16 : index
        %get3A_259 = tpu.vector_load %arg16[%get3A_257, %get3A_258] {strides = array<i32>} : memref<48x128xf32, #tpu.memory_space<vmem>>, vector<16xf32>,
        %mul3A_260 = arith.mulf %get3A_259, %exp3A : vector<16xf32>
        %swap3A_261 = arith.index_cast %mul3A_225 : i32 to index
        %swap3A_262 = arith.constant 16 : index
        %swap3A_263 = tpu.vector_load %arg20[%swap3A_261, %swap3A_262] {strides = array<i32>} : memref<48x72xf32, #tpu.memory_space<vmem>>, vector<16xf32>,
        tpu.vector_store %arg20[%swap3A_261, %swap3A_262], %mul3A_260 {strides = array<i32>} : memref<48x72xf32, #tpu.memory_space<vmem>>, vector<16xf32>,
        %get3A_264 = arith.index_cast %mul3A_225 : i32 to index
        %get3A_265 = arith.constant 32 : index
        %get3A_266 = tpu.vector_load %arg16[%get3A_264, %get3A_265] {strides = array<i32>} : memref<48x128xf32, #tpu.memory_space<vmem>>, vector<16xf32>,
        %mul3A_267 = arith.mulf %get3A_266, %exp3A : vector<16xf32>
        %swap3A_268 = arith.index_cast %mul3A_225 : i32 to index
        %swap3A_269 = arith.constant 32 : index
        %swap3A_270 = tpu.vector_load %arg20[%swap3A_268, %swap3A_269] {strides = array<i32>} : memref<48x72xf32, #tpu.memory_space<vmem>>, vector<16xf32>,
        tpu.vector_store %arg20[%swap3A_268, %swap3A_269], %mul3A_267 {strides = array<i32>} : memref<48x72xf32, #tpu.memory_space<vmem>>, vector<16xf32>,
        %get3A_271 = arith.index_cast %mul3A_225 : i32 to index
        %get3A_272 = arith.constant 48 : index
        %get3A_273 = tpu.vector_load %arg16[%get3A_271, %get3A_272] {strides = array<i32>} : memref<48x128xf32, #tpu.memory_space<vmem>>, vector<16xf32>,
        %mul3A_274 = arith.mulf %get3A_273, %exp3A : vector<16xf32>
        %swap3A_275 = arith.index_cast %mul3A_225 : i32 to index
        %swap3A_276 = arith.constant 48 : index
        %swap3A_277 = tpu.vector_load %arg20[%swap3A_275, %swap3A_276] {strides = array<i32>} : memref<48x72xf32, #tpu.memory_space<vmem>>, vector<16xf32>,
        tpu.vector_store %arg20[%swap3A_275, %swap3A_276], %mul3A_274 {strides = array<i32>} : memref<48x72xf32, #tpu.memory_space<vmem>>, vector<16xf32>,
        %mul3A_278 = arith.constant 2 : i32
        %mul3A_279 = arith.muli %mul3A_278, %scan3A_222 : i32
        %add3A_280 = arith.constant 1 : i32
        %add3A_281 = arith.addi %mul3A_279, %add3A_280 : i32
        %get3A_282 = arith.index_cast %add3A_281 : i32 to index
        %get3A_283 = arith.constant 64 : index
        %get3A_284 = tpu.vector_load %arg16[%get3A_282, %get3A_283] {strides = array<i32>} : memref<48x128xf32, #tpu.memory_space<vmem>>, vector<16xf32>,
        %get3A_285 = arith.index_cast %add3A_281 : i32 to index
        %get3A_286 = arith.constant 0 : index
        %get3A_287 = tpu.vector_load %arg18[%get3A_285, %get3A_286] {strides = array<i32>} : memref<48x16xf32, #tpu.memory_space<vmem>>, vector<16xf32>,
        %add3A_288 = arith.addf %get3A_284, %get3A_287 : vector<16xf32>
        %ge3A_289 = arith.constant 0.000000e+00 : f32
        %ge3A_290 = vector.broadcast %ge3A_289 : f32 to vector<16xf32>
        %ge3A_291 = arith.cmpf oge, %add3A_288, %ge3A_290 : vector<16xf32>
        %mul3A_292 = arith.constant 2.000000e-01 : f32
        %mul3A_293 = vector.broadcast %mul3A_292 : f32 to vector<16xf32>
        %mul3A_294 = arith.mulf %mul3A_293, %add3A_288 : vector<16xf32>
        %select_n3A_295 = arith.select %ge3A_291, %add3A_288, %mul3A_294 : vector<16xi1>, vector<16xf32>
        %add3A_296 = arith.addf %get3A_11, %get3A_287 : vector<16xf32>
        %ge3A_297 = arith.constant 0.000000e+00 : f32
        %ge3A_298 = vector.broadcast %ge3A_297 : f32 to vector<16xf32>
        %ge3A_299 = arith.cmpf oge, %add3A_296, %ge3A_298 : vector<16xf32>
        %mul3A_300 = arith.constant 2.000000e-01 : f32
        %mul3A_301 = vector.broadcast %mul3A_300 : f32 to vector<16xf32>
        %mul3A_302 = arith.mulf %mul3A_301, %add3A_296 : vector<16xf32>
        %select_n3A_303 = arith.select %ge3A_299, %add3A_296, %mul3A_302 : vector<16xi1>, vector<16xf32>
        %sub3A_304 = arith.subf %select_n3A_295, %select_n3A_303 : vector<16xf32>
        %exp3A_305 = math.exp %sub3A_304 : vector<16xf32>
        %swap3A_306 = arith.index_cast %add3A_281 : i32 to index
        %swap3A_307 = arith.constant 56 : index
        %swap3A_308 = tpu.vector_load %arg20[%swap3A_306, %swap3A_307] {strides = array<i32>} : memref<48x72xf32, #tpu.memory_space<vmem>>, vector<16xf32>,
        tpu.vector_store %arg20[%swap3A_306, %swap3A_307], %exp3A_305 {strides = array<i32>} : memref<48x72xf32, #tpu.memory_space<vmem>>, vector<16xf32>,
        %get3A_309 = arith.index_cast %add3A_281 : i32 to index
        %get3A_310 = arith.constant 0 : index
        %get3A_311 = tpu.vector_load %arg16[%get3A_309, %get3A_310] {strides = array<i32>} : memref<48x128xf32, #tpu.memory_space<vmem>>, vector<16xf32>,
        %mul3A_312 = arith.mulf %get3A_311, %exp3A_305 : vector<16xf32>
        %swap3A_313 = arith.index_cast %add3A_281 : i32 to index
        %swap3A_314 = arith.constant 0 : index
        %swap3A_315 = tpu.vector_load %arg20[%swap3A_313, %swap3A_314] {strides = array<i32>} : memref<48x72xf32, #tpu.memory_space<vmem>>, vector<16xf32>,
        tpu.vector_store %arg20[%swap3A_313, %swap3A_314], %mul3A_312 {strides = array<i32>} : memref<48x72xf32, #tpu.memory_space<vmem>>, vector<16xf32>,
        %get3A_316 = arith.index_cast %add3A_281 : i32 to index
        %get3A_317 = arith.constant 16 : index
        %get3A_318 = tpu.vector_load %arg16[%get3A_316, %get3A_317] {strides = array<i32>} : memref<48x128xf32, #tpu.memory_space<vmem>>, vector<16xf32>,
        %mul3A_319 = arith.mulf %get3A_318, %exp3A_305 : vector<16xf32>
        %swap3A_320 = arith.index_cast %add3A_281 : i32 to index
        %swap3A_321 = arith.constant 16 : index
        %swap3A_322 = tpu.vector_load %arg20[%swap3A_320, %swap3A_321] {strides = array<i32>} : memref<48x72xf32, #tpu.memory_space<vmem>>, vector<16xf32>,
        tpu.vector_store %arg20[%swap3A_320, %swap3A_321], %mul3A_319 {strides = array<i32>} : memref<48x72xf32, #tpu.memory_space<vmem>>, vector<16xf32>,
        %get3A_323 = arith.index_cast %add3A_281 : i32 to index
        %get3A_324 = arith.constant 32 : index
        %get3A_325 = tpu.vector_load %arg16[%get3A_323, %get3A_324] {strides = array<i32>} : memref<48x128xf32, #tpu.memory_space<vmem>>, vector<16xf32>,
        %mul3A_326 = arith.mulf %get3A_325, %exp3A_305 : vector<16xf32>
        %swap3A_327 = arith.index_cast %add3A_281 : i32 to index
        %swap3A_328 = arith.constant 32 : index
        %swap3A_329 = tpu.vector_load %arg20[%swap3A_327, %swap3A_328] {strides = array<i32>} : memref<48x72xf32, #tpu.memory_space<vmem>>, vector<16xf32>,
        tpu.vector_store %arg20[%swap3A_327, %swap3A_328], %mul3A_326 {strides = array<i32>} : memref<48x72xf32, #tpu.memory_space<vmem>>, vector<16xf32>,
        %get3A_330 = arith.index_cast %add3A_281 : i32 to index
        %get3A_331 = arith.constant 48 : index
        %get3A_332 = tpu.vector_load %arg16[%get3A_330, %get3A_331] {strides = array<i32>} : memref<48x128xf32, #tpu.memory_space<vmem>>, vector<16xf32>,
        %mul3A_333 = arith.mulf %get3A_332, %exp3A_305 : vector<16xf32>
        %swap3A_334 = arith.index_cast %add3A_281 : i32 to index
        %swap3A_335 = arith.constant 48 : index
        %swap3A_336 = tpu.vector_load %arg20[%swap3A_334, %swap3A_335] {strides = array<i32>} : memref<48x72xf32, #tpu.memory_space<vmem>>, vector<16xf32>,
        tpu.vector_store %arg20[%swap3A_334, %swap3A_335], %mul3A_333 {strides = array<i32>} : memref<48x72xf32, #tpu.memory_space<vmem>>, vector<16xf32>,
        %scan3A_337 = arith.constant 0 : i32
        scf.yield %scan3A_337 : i32
      }
      %scan3A_190 = arith.constant 24 : i32
      %mul3A_191 = arith.constant 48 : i32
      %mul3A_192 = arith.muli %add3A_154, %mul3A_191 : i32
      %add3A_193 = arith.constant 0 : i32
      %add3A_194 = arith.addi %mul3A_192, %add3A_193 : i32
      %multiple_of3A_195 = tpu.assume_multiple %add3A_194, 8 : i32
      %get3A_196 = arith.index_cast %multiple_of3A_195 : i32 to index
      %get3A_197 = tpu.vector_load %arg12[%get3A_196] {strides = array<i32>} : memref<5040xi32, #tpu.memory_space<vmem>>, vector<16xi32>,
      %swap3A_198 = arith.constant 0 : index
      %swap3A_199 = tpu.vector_load %arg14[%swap3A_198] {strides = array<i32>} : memref<48xi32, #tpu.memory_space<vmem>>, vector<16xi32>,
      tpu.vector_store %arg14[%swap3A_198], %get3A_197 {strides = array<i32>} : memref<48xi32, #tpu.memory_space<vmem>>, vector<16xi32>,
      %mul3A_200 = arith.constant 48 : i32
      %mul3A_201 = arith.muli %add3A_154, %mul3A_200 : i32
      %add3A_202 = arith.constant 16 : i32
      %add3A_203 = arith.addi %mul3A_201, %add3A_202 : i32
      %multiple_of3A_204 = tpu.assume_multiple %add3A_203, 8 : i32
      %get3A_205 = arith.index_cast %multiple_of3A_204 : i32 to index
      %get3A_206 = tpu.vector_load %arg12[%get3A_205] {strides = array<i32>} : memref<5040xi32, #tpu.memory_space<vmem>>, vector<16xi32>,
      %swap3A_207 = arith.constant 16 : index
      %swap3A_208 = tpu.vector_load %arg14[%swap3A_207] {strides = array<i32>} : memref<48xi32, #tpu.memory_space<vmem>>, vector<16xi32>,
      tpu.vector_store %arg14[%swap3A_207], %get3A_206 {strides = array<i32>} : memref<48xi32, #tpu.memory_space<vmem>>, vector<16xi32>,
      %mul3A_209 = arith.constant 48 : i32
      %mul3A_210 = arith.muli %add3A_154, %mul3A_209 : i32
      %add3A_211 = arith.constant 32 : i32
      %add3A_212 = arith.addi %mul3A_210, %add3A_211 : i32
      %multiple_of3A_213 = tpu.assume_multiple %add3A_212, 8 : i32
      %get3A_214 = arith.index_cast %multiple_of3A_213 : i32 to index
      %get3A_215 = tpu.vector_load %arg12[%get3A_214] {strides = array<i32>} : memref<5040xi32, #tpu.memory_space<vmem>>, vector<16xi32>,
      %swap3A_216 = arith.constant 32 : index
      %swap3A_217 = tpu.vector_load %arg14[%swap3A_216] {strides = array<i32>} : memref<48xi32, #tpu.memory_space<vmem>>, vector<16xi32>,
      tpu.vector_store %arg14[%swap3A_216], %get3A_215 {strides = array<i32>} : memref<48xi32, #tpu.memory_space<vmem>>, vector<16xi32>,
      %dma_start3A_218 = arith.constant 0 : i32
      %dma_start3A_219 = arith.constant 0 : i32
      %dma_start3A_220 = tpu.memref_slice %arg9[%dma_start3A_218, %dma_start3A_219] : memref<10008x72xf32, #tpu.memory_space<vmem_shared>> -> memref<10008x72xf32, #tpu.memory_space<vmem_shared>>
      tpu.enqueue_indirect_dma source(%arg20 : memref<48x72xf32, #tpu.memory_space<vmem>>) target(%dma_start3A_220 : memref<10008x72xf32, #tpu.memory_space<vmem_shared>>) offsets(%arg14 : memref<48xi32, #tpu.memory_space<vmem>>) semaphore(%arg27 : memref<!tpu.dma_semaphore, #tpu.memory_space<semaphore_mem>>) {add = true}
      %scan3A_221 = arith.constant 0 : i32
      scf.yield %scan3A_221 : i32
    }
    %scan3A_25 = arith.constant 52 : i32
    %multiple_of3A_26 = arith.constant 4992 : i32
    %multiple_of3A_27 = tpu.assume_multiple %multiple_of3A_26, 8 : i32
    %dma_wait3A = tpu.memref_slice %arg11[%multiple_of3A_27] : memref<5040xi32, #tpu.memory_space<vmem>> -> memref<48xi32, #tpu.memory_space<vmem>>
    %dma_wait3A_28 = arith.constant 0 : i32
    %dma_wait3A_29 = arith.constant 0 : i32
    %dma_wait3A_30 = tpu.memref_slice %arg2[%dma_wait3A_28, %dma_wait3A_29] : memref<10000x128xf32, #tpu.memory_space<hbm>> -> memref<10000x128xf32, #tpu.memory_space<hbm>>
    tpu.wait_indirect_dma semaphore(%arg22 : memref<!tpu.dma_semaphore, #tpu.memory_space<semaphore_mem>>) src(%dma_wait3A_30 : memref<10000x128xf32, #tpu.memory_space<hbm>>) dst(%arg15 : memref<48x128xf32, #tpu.memory_space<vmem>>)
    %dma_wait3A_31 = tpu.memref_slice %arg12[%multiple_of3A_27] : memref<5040xi32, #tpu.memory_space<vmem>> -> memref<48xi32, #tpu.memory_space<vmem>>
    %dma_wait3A_32 = arith.constant 0 : i32
    %dma_wait3A_33 = arith.constant 0 : i32
    %dma_wait3A_34 = tpu.memref_slice %arg10[%dma_wait3A_32, %dma_wait3A_33] : memref<10008x16xf32, #tpu.memory_space<vmem_shared>> -> memref<10008x16xf32, #tpu.memory_space<vmem_shared>>
    tpu.wait_indirect_dma semaphore(%arg24 : memref<!tpu.dma_semaphore, #tpu.memory_space<semaphore_mem>>) src(%dma_wait3A_34 : memref<10008x16xf32, #tpu.memory_space<vmem_shared>>) dst(%arg17 : memref<48x16xf32, #tpu.memory_space<vmem>>)
    %dma_wait3A_35 = arith.constant 0 : i32
    %dma_wait3A_36 = arith.constant 0 : i32
    %dma_wait3A_37 = tpu.memref_slice %arg9[%dma_wait3A_35, %dma_wait3A_36] : memref<10008x72xf32, #tpu.memory_space<vmem_shared>> -> memref<10008x72xf32, #tpu.memory_space<vmem_shared>>
    tpu.wait_indirect_dma semaphore(%arg26 : memref<!tpu.dma_semaphore, #tpu.memory_space<semaphore_mem>>) src(%arg19 : memref<48x72xf32, #tpu.memory_space<vmem>>) dst(%dma_wait3A_37 : memref<10008x72xf32, #tpu.memory_space<vmem_shared>>)
    %scan3A_38 = arith.constant 0 : i32
    %scan3A_39 = arith.constant 0 : i32
    %scan3A_40 = arith.constant 24 : i32
    %scan3A_41 = arith.addi %scan3A_39, %scan3A_40 : i32
    %scan3A_42 = arith.constant 1 : i32
    %scan3A_43 = scf.for %scan3A_82 = %scan3A_39 to %scan3A_41 step %scan3A_42 iter_args(%scan3A_83 = %scan3A_38) -> (i32)  : i32 {
      %mul3A_84 = arith.constant 2 : i32
      %mul3A_85 = arith.muli %mul3A_84, %scan3A_82 : i32
      %get3A_86 = arith.index_cast %mul3A_85 : i32 to index
      %get3A_87 = arith.constant 64 : index
      %get3A_88 = tpu.vector_load %arg15[%get3A_86, %get3A_87] {strides = array<i32>} : memref<48x128xf32, #tpu.memory_space<vmem>>, vector<16xf32>,
      %get3A_89 = arith.index_cast %mul3A_85 : i32 to index
      %get3A_90 = arith.constant 0 : index
      %get3A_91 = tpu.vector_load %arg17[%get3A_89, %get3A_90] {strides = array<i32>} : memref<48x16xf32, #tpu.memory_space<vmem>>, vector<16xf32>,
      %add3A_92 = arith.addf %get3A_88, %get3A_91 : vector<16xf32>
      %ge3A = arith.constant 0.000000e+00 : f32
      %ge3A_93 = vector.broadcast %ge3A : f32 to vector<16xf32>
      %ge3A_94 = arith.cmpf oge, %add3A_92, %ge3A_93 : vector<16xf32>
      %mul3A_95 = arith.constant 2.000000e-01 : f32
      %mul3A_96 = vector.broadcast %mul3A_95 : f32 to vector<16xf32>
      %mul3A_97 = arith.mulf %mul3A_96, %add3A_92 : vector<16xf32>
      %select_n3A = arith.select %ge3A_94, %add3A_92, %mul3A_97 : vector<16xi1>, vector<16xf32>
      %add3A_98 = arith.addf %get3A_11, %get3A_91 : vector<16xf32>
      %ge3A_99 = arith.constant 0.000000e+00 : f32
      %ge3A_100 = vector.broadcast %ge3A_99 : f32 to vector<16xf32>
      %ge3A_101 = arith.cmpf oge, %add3A_98, %ge3A_100 : vector<16xf32>
      %mul3A_102 = arith.constant 2.000000e-01 : f32
      %mul3A_103 = vector.broadcast %mul3A_102 : f32 to vector<16xf32>
      %mul3A_104 = arith.mulf %mul3A_103, %add3A_98 : vector<16xf32>
      %select_n3A_105 = arith.select %ge3A_101, %add3A_98, %mul3A_104 : vector<16xi1>, vector<16xf32>
      %sub3A = arith.subf %select_n3A, %select_n3A_105 : vector<16xf32>
      %exp3A = math.exp %sub3A : vector<16xf32>
      %swap3A_106 = arith.index_cast %mul3A_85 : i32 to index
      %swap3A_107 = arith.constant 56 : index
      %swap3A_108 = tpu.vector_load %arg19[%swap3A_106, %swap3A_107] {strides = array<i32>} : memref<48x72xf32, #tpu.memory_space<vmem>>, vector<16xf32>,
      tpu.vector_store %arg19[%swap3A_106, %swap3A_107], %exp3A {strides = array<i32>} : memref<48x72xf32, #tpu.memory_space<vmem>>, vector<16xf32>,
      %get3A_109 = arith.index_cast %mul3A_85 : i32 to index
      %get3A_110 = arith.constant 0 : index
      %get3A_111 = tpu.vector_load %arg15[%get3A_109, %get3A_110] {strides = array<i32>} : memref<48x128xf32, #tpu.memory_space<vmem>>, vector<16xf32>,
      %mul3A_112 = arith.mulf %get3A_111, %exp3A : vector<16xf32>
      %swap3A_113 = arith.index_cast %mul3A_85 : i32 to index
      %swap3A_114 = arith.constant 0 : index
      %swap3A_115 = tpu.vector_load %arg19[%swap3A_113, %swap3A_114] {strides = array<i32>} : memref<48x72xf32, #tpu.memory_space<vmem>>, vector<16xf32>,
      tpu.vector_store %arg19[%swap3A_113, %swap3A_114], %mul3A_112 {strides = array<i32>} : memref<48x72xf32, #tpu.memory_space<vmem>>, vector<16xf32>,
      %get3A_116 = arith.index_cast %mul3A_85 : i32 to index
      %get3A_117 = arith.constant 16 : index
      %get3A_118 = tpu.vector_load %arg15[%get3A_116, %get3A_117] {strides = array<i32>} : memref<48x128xf32, #tpu.memory_space<vmem>>, vector<16xf32>,
      %mul3A_119 = arith.mulf %get3A_118, %exp3A : vector<16xf32>
      %swap3A_120 = arith.index_cast %mul3A_85 : i32 to index
      %swap3A_121 = arith.constant 16 : index
      %swap3A_122 = tpu.vector_load %arg19[%swap3A_120, %swap3A_121] {strides = array<i32>} : memref<48x72xf32, #tpu.memory_space<vmem>>, vector<16xf32>,
      tpu.vector_store %arg19[%swap3A_120, %swap3A_121], %mul3A_119 {strides = array<i32>} : memref<48x72xf32, #tpu.memory_space<vmem>>, vector<16xf32>,
      %get3A_123 = arith.index_cast %mul3A_85 : i32 to index
      %get3A_124 = arith.constant 32 : index
      %get3A_125 = tpu.vector_load %arg15[%get3A_123, %get3A_124] {strides = array<i32>} : memref<48x128xf32, #tpu.memory_space<vmem>>, vector<16xf32>,
      %mul3A_126 = arith.mulf %get3A_125, %exp3A : vector<16xf32>
      %swap3A_127 = arith.index_cast %mul3A_85 : i32 to index
      %swap3A_128 = arith.constant 32 : index
      %swap3A_129 = tpu.vector_load %arg19[%swap3A_127, %swap3A_128] {strides = array<i32>} : memref<48x72xf32, #tpu.memory_space<vmem>>, vector<16xf32>,
      tpu.vector_store %arg19[%swap3A_127, %swap3A_128], %mul3A_126 {strides = array<i32>} : memref<48x72xf32, #tpu.memory_space<vmem>>, vector<16xf32>,
      %get3A_130 = arith.index_cast %mul3A_85 : i32 to index
      %get3A_131 = arith.constant 48 : index
      %get3A_132 = tpu.vector_load %arg15[%get3A_130, %get3A_131] {strides = array<i32>} : memref<48x128xf32, #tpu.memory_space<vmem>>, vector<16xf32>,
      %mul3A_133 = arith.mulf %get3A_132, %exp3A : vector<16xf32>
      %swap3A_134 = arith.index_cast %mul3A_85 : i32 to index
      %swap3A_135 = arith.constant 48 : index
      %swap3A_136 = tpu.vector_load %arg19[%swap3A_134, %swap3A_135] {strides = array<i32>} : memref<48x72xf32, #tpu.memory_space<vmem>>, vector<16xf32>,
      tpu.vector_store %arg19[%swap3A_134, %swap3A_135], %mul3A_133 {strides = array<i32>} : memref<48x72xf32, #tpu.memory_space<vmem>>, vector<16xf32>,
      %mul3A_137 = arith.constant 2 : i32
      %mul3A_138 = arith.muli %mul3A_137, %scan3A_82 : i32
      %add3A_139 = arith.constant 1 : i32
      %add3A_140 = arith.addi %mul3A_138, %add3A_139 : i32
      %get3A_141 = arith.index_cast %add3A_140 : i32 to index
      %get3A_142 = arith.constant 64 : index
      %get3A_143 = tpu.vector_load %arg15[%get3A_141, %get3A_142] {strides = array<i32>} : memref<48x128xf32, #tpu.memory_space<vmem>>, vector<16xf32>,
      %get3A_144 = arith.index_cast %add3A_140 : i32 to index
      %get3A_145 = arith.constant 0 : index
      %get3A_146 = tpu.vector_load %arg17[%get3A_144, %get3A_145] {strides = array<i32>} : memref<48x16xf32, #tpu.memory_space<vmem>>, vector<16xf32>,
      %add3A_147 = arith.addf %get3A_143, %get3A_146 : vector<16xf32>
      %ge3A_148 = arith.constant 0.000000e+00 : f32
      %ge3A_149 = vector.broadcast %ge3A_148 : f32 to vector<16xf32>
      %ge3A_150 = arith.cmpf oge, %add3A_147, %ge3A_149 : vector<16xf32>
      %mul3A_151 = arith.constant 2.000000e-01 : f32
      %mul3A_152 = vector.broadcast %mul3A_151 : f32 to vector<16xf32>
      %mul3A_153 = arith.mulf %mul3A_152, %add3A_147 : vector<16xf32>
      %select_n3A_154 = arith.select %ge3A_150, %add3A_147, %mul3A_153 : vector<16xi1>, vector<16xf32>
      %add3A_155 = arith.addf %get3A_11, %get3A_146 : vector<16xf32>
      %ge3A_156 = arith.constant 0.000000e+00 : f32
      %ge3A_157 = vector.broadcast %ge3A_156 : f32 to vector<16xf32>
      %ge3A_158 = arith.cmpf oge, %add3A_155, %ge3A_157 : vector<16xf32>
      %mul3A_159 = arith.constant 2.000000e-01 : f32
      %mul3A_160 = vector.broadcast %mul3A_159 : f32 to vector<16xf32>
      %mul3A_161 = arith.mulf %mul3A_160, %add3A_155 : vector<16xf32>
      %select_n3A_162 = arith.select %ge3A_158, %add3A_155, %mul3A_161 : vector<16xi1>, vector<16xf32>
      %sub3A_163 = arith.subf %select_n3A_154, %select_n3A_162 : vector<16xf32>
      %exp3A_164 = math.exp %sub3A_163 : vector<16xf32>
      %swap3A_165 = arith.index_cast %add3A_140 : i32 to index
      %swap3A_166 = arith.constant 56 : index
      %swap3A_167 = tpu.vector_load %arg19[%swap3A_165, %swap3A_166] {strides = array<i32>} : memref<48x72xf32, #tpu.memory_space<vmem>>, vector<16xf32>,
      tpu.vector_store %arg19[%swap3A_165, %swap3A_166], %exp3A_164 {strides = array<i32>} : memref<48x72xf32, #tpu.memory_space<vmem>>, vector<16xf32>,
      %get3A_168 = arith.index_cast %add3A_140 : i32 to index
      %get3A_169 = arith.constant 0 : index
      %get3A_170 = tpu.vector_load %arg15[%get3A_168, %get3A_169] {strides = array<i32>} : memref<48x128xf32, #tpu.memory_space<vmem>>, vector<16xf32>,
      %mul3A_171 = arith.mulf %get3A_170, %exp3A_164 : vector<16xf32>
      %swap3A_172 = arith.index_cast %add3A_140 : i32 to index
      %swap3A_173 = arith.constant 0 : index
      %swap3A_174 = tpu.vector_load %arg19[%swap3A_172, %swap3A_173] {strides = array<i32>} : memref<48x72xf32, #tpu.memory_space<vmem>>, vector<16xf32>,
      tpu.vector_store %arg19[%swap3A_172, %swap3A_173], %mul3A_171 {strides = array<i32>} : memref<48x72xf32, #tpu.memory_space<vmem>>, vector<16xf32>,
      %get3A_175 = arith.index_cast %add3A_140 : i32 to index
      %get3A_176 = arith.constant 16 : index
      %get3A_177 = tpu.vector_load %arg15[%get3A_175, %get3A_176] {strides = array<i32>} : memref<48x128xf32, #tpu.memory_space<vmem>>, vector<16xf32>,
      %mul3A_178 = arith.mulf %get3A_177, %exp3A_164 : vector<16xf32>
      %swap3A_179 = arith.index_cast %add3A_140 : i32 to index
      %swap3A_180 = arith.constant 16 : index
      %swap3A_181 = tpu.vector_load %arg19[%swap3A_179, %swap3A_180] {strides = array<i32>} : memref<48x72xf32, #tpu.memory_space<vmem>>, vector<16xf32>,
      tpu.vector_store %arg19[%swap3A_179, %swap3A_180], %mul3A_178 {strides = array<i32>} : memref<48x72xf32, #tpu.memory_space<vmem>>, vector<16xf32>,
      %get3A_182 = arith.index_cast %add3A_140 : i32 to index
      %get3A_183 = arith.constant 32 : index
      %get3A_184 = tpu.vector_load %arg15[%get3A_182, %get3A_183] {strides = array<i32>} : memref<48x128xf32, #tpu.memory_space<vmem>>, vector<16xf32>,
      %mul3A_185 = arith.mulf %get3A_184, %exp3A_164 : vector<16xf32>
      %swap3A_186 = arith.index_cast %add3A_140 : i32 to index
      %swap3A_187 = arith.constant 32 : index
      %swap3A_188 = tpu.vector_load %arg19[%swap3A_186, %swap3A_187] {strides = array<i32>} : memref<48x72xf32, #tpu.memory_space<vmem>>, vector<16xf32>,
      tpu.vector_store %arg19[%swap3A_186, %swap3A_187], %mul3A_185 {strides = array<i32>} : memref<48x72xf32, #tpu.memory_space<vmem>>, vector<16xf32>,
      %get3A_189 = arith.index_cast %add3A_140 : i32 to index
      %get3A_190 = arith.constant 48 : index
      %get3A_191 = tpu.vector_load %arg15[%get3A_189, %get3A_190] {strides = array<i32>} : memref<48x128xf32, #tpu.memory_space<vmem>>, vector<16xf32>,
      %mul3A_192 = arith.mulf %get3A_191, %exp3A_164 : vector<16xf32>
      %swap3A_193 = arith.index_cast %add3A_140 : i32 to index
      %swap3A_194 = arith.constant 48 : index
      %swap3A_195 = tpu.vector_load %arg19[%swap3A_193, %swap3A_194] {strides = array<i32>} : memref<48x72xf32, #tpu.memory_space<vmem>>, vector<16xf32>,
      tpu.vector_store %arg19[%swap3A_193, %swap3A_194], %mul3A_192 {strides = array<i32>} : memref<48x72xf32, #tpu.memory_space<vmem>>, vector<16xf32>,
      %scan3A_196 = arith.constant 0 : i32
      scf.yield %scan3A_196 : i32
    }
    %scan3A_44 = arith.constant 24 : i32
    %multiple_of3A_45 = arith.constant 4992 : i32
    %multiple_of3A_46 = tpu.assume_multiple %multiple_of3A_45, 8 : i32
    %get3A_47 = arith.index_cast %multiple_of3A_46 : i32 to index
    %get3A_48 = tpu.vector_load %arg12[%get3A_47] {strides = array<i32>} : memref<5040xi32, #tpu.memory_space<vmem>>, vector<16xi32>,
    %swap3A = arith.constant 0 : index
    %swap3A_49 = tpu.vector_load %arg13[%swap3A] {strides = array<i32>} : memref<48xi32, #tpu.memory_space<vmem>>, vector<16xi32>,
    tpu.vector_store %arg13[%swap3A], %get3A_48 {strides = array<i32>} : memref<48xi32, #tpu.memory_space<vmem>>, vector<16xi32>,
    %multiple_of3A_50 = arith.constant 5008 : i32
    %multiple_of3A_51 = tpu.assume_multiple %multiple_of3A_50, 8 : i32
    %get3A_52 = arith.index_cast %multiple_of3A_51 : i32 to index
    %get3A_53 = tpu.vector_load %arg12[%get3A_52] {strides = array<i32>} : memref<5040xi32, #tpu.memory_space<vmem>>, vector<16xi32>,
    %swap3A_54 = arith.constant 16 : index
    %swap3A_55 = tpu.vector_load %arg13[%swap3A_54] {strides = array<i32>} : memref<48xi32, #tpu.memory_space<vmem>>, vector<16xi32>,
    tpu.vector_store %arg13[%swap3A_54], %get3A_53 {strides = array<i32>} : memref<48xi32, #tpu.memory_space<vmem>>, vector<16xi32>,
    %multiple_of3A_56 = arith.constant 5024 : i32
    %multiple_of3A_57 = tpu.assume_multiple %multiple_of3A_56, 8 : i32
    %get3A_58 = arith.index_cast %multiple_of3A_57 : i32 to index
    %get3A_59 = tpu.vector_load %arg12[%get3A_58] {strides = array<i32>} : memref<5040xi32, #tpu.memory_space<vmem>>, vector<16xi32>,
    %swap3A_60 = arith.constant 32 : index
    %swap3A_61 = tpu.vector_load %arg13[%swap3A_60] {strides = array<i32>} : memref<48xi32, #tpu.memory_space<vmem>>, vector<16xi32>,
    tpu.vector_store %arg13[%swap3A_60], %get3A_59 {strides = array<i32>} : memref<48xi32, #tpu.memory_space<vmem>>, vector<16xi32>,
    %dma_start3A_62 = arith.constant 0 : i32
    %dma_start3A_63 = arith.constant 0 : i32
    %dma_start3A_64 = tpu.memref_slice %arg9[%dma_start3A_62, %dma_start3A_63] : memref<10008x72xf32, #tpu.memory_space<vmem_shared>> -> memref<10008x72xf32, #tpu.memory_space<vmem_shared>>
    tpu.enqueue_indirect_dma source(%arg19 : memref<48x72xf32, #tpu.memory_space<vmem>>) target(%dma_start3A_64 : memref<10008x72xf32, #tpu.memory_space<vmem_shared>>) offsets(%arg13 : memref<48xi32, #tpu.memory_space<vmem>>) semaphore(%arg26 : memref<!tpu.dma_semaphore, #tpu.memory_space<semaphore_mem>>) {add = true}
    %dma_wait3A_65 = arith.constant 0 : i32
    %dma_wait3A_66 = arith.constant 0 : i32
    %dma_wait3A_67 = tpu.memref_slice %arg9[%dma_wait3A_65, %dma_wait3A_66] : memref<10008x72xf32, #tpu.memory_space<vmem_shared>> -> memref<10008x72xf32, #tpu.memory_space<vmem_shared>>
    tpu.wait_indirect_dma semaphore(%arg27 : memref<!tpu.dma_semaphore, #tpu.memory_space<semaphore_mem>>) src(%arg20 : memref<48x72xf32, #tpu.memory_space<vmem>>) dst(%dma_wait3A_67 : memref<10008x72xf32, #tpu.memory_space<vmem_shared>>)
    %dma_wait3A_68 = arith.constant 0 : i32
    %dma_wait3A_69 = arith.constant 0 : i32
    %dma_wait3A_70 = tpu.memref_slice %arg9[%dma_wait3A_68, %dma_wait3A_69] : memref<10008x72xf32, #tpu.memory_space<vmem_shared>> -> memref<10008x72xf32, #tpu.memory_space<vmem_shared>>
    tpu.wait_indirect_dma semaphore(%arg26 : memref<!tpu.dma_semaphore, #tpu.memory_space<semaphore_mem>>) src(%arg19 : memref<48x72xf32, #tpu.memory_space<vmem>>) dst(%dma_wait3A_70 : memref<10008x72xf32, #tpu.memory_space<vmem_shared>>)
    %barrier3A_71 = arith.constant 0 : index
    tpu.barrier barrier_id(%barrier3A_71)
    %lt3A_72 = arith.constant 15 : i32
    %lt3A_73 = arith.cmpi slt, %arg1, %lt3A_72 : i32
    %convert_element_type3A_74 = arith.extui %lt3A_73 : i1 to i32
    %cond3A_75 = arith.constant 0 : i32
    %cond3A_76 = arith.cmpi ne, %convert_element_type3A_74, %cond3A_75 : i32
    scf.if %cond3A_76 {
      %mul3A_82 = arith.constant 632 : i32
      %mul3A_83 = arith.muli %arg1, %mul3A_82 : i32
      %mul3A_84 = arith.constant 632 : i32
      %mul3A_85 = arith.muli %arg1, %mul3A_84 : i32
      "tpu.region"() ({
        %run_scoped3A = tpu.sem_alloc : memref<!tpu.dma_semaphore, #tpu.memory_space<semaphore_mem>>
        %dma_start3A_86 = arith.constant 0 : i32
        %dma_start3A_87 = tpu.memref_slice %arg8[%arg0, %mul3A_85, %dma_start3A_86] : memref<2x10008x128xf32, #tpu.memory_space<hbm>> -> memref<1x632x72xf32, #tpu.memory_space<hbm>>
        %dma_start3A_88 = tpu.memref_squeeze %dma_start3A_87 : memref<1x632x72xf32, #tpu.memory_space<hbm>> -> memref<632x72xf32, #tpu.memory_space<hbm>>
        %dma_start3A_89 = arith.constant 0 : i32
        %dma_start3A_90 = tpu.memref_slice %arg9[%mul3A_83, %dma_start3A_89] : memref<10008x72xf32, #tpu.memory_space<vmem_shared>> -> memref<632x72xf32, #tpu.memory_space<vmem_shared>>
        tpu.enqueue_dma source(%dma_start3A_90 : memref<632x72xf32, #tpu.memory_space<vmem_shared>>) target(%dma_start3A_88 : memref<632x72xf32, #tpu.memory_space<hbm>>) target_semaphore(%run_scoped3A : memref<!tpu.dma_semaphore, #tpu.memory_space<semaphore_mem>>)
        %dma_wait3A_91 = arith.constant 0 : i32
        %dma_wait3A_92 = tpu.memref_slice %arg8[%arg0, %mul3A_85, %dma_wait3A_91] : memref<2x10008x128xf32, #tpu.memory_space<hbm>> -> memref<1x632x72xf32, #tpu.memory_space<hbm>>
        %dma_wait3A_93 = tpu.memref_squeeze %dma_wait3A_92 : memref<1x632x72xf32, #tpu.memory_space<hbm>> -> memref<632x72xf32, #tpu.memory_space<hbm>>
        %dma_wait3A_94 = arith.constant 0 : i32
        %dma_wait3A_95 = tpu.memref_slice %arg9[%mul3A_83, %dma_wait3A_94] : memref<10008x72xf32, #tpu.memory_space<vmem_shared>> -> memref<632x72xf32, #tpu.memory_space<vmem_shared>>
        tpu.wait_dma2 semaphore(%run_scoped3A : memref<!tpu.dma_semaphore, #tpu.memory_space<semaphore_mem>>) src(%dma_wait3A_95 : memref<632x72xf32, #tpu.memory_space<vmem_shared>>) dst(%dma_wait3A_93 : memref<632x72xf32, #tpu.memory_space<hbm>>)
        tpu.yield
      }) : () -> ()
    } else {
    }
    %eq3A_77 = arith.constant 15 : i32
    %eq3A_78 = arith.cmpi eq, %arg1, %eq3A_77 : i32
    %convert_element_type3A_79 = arith.extui %eq3A_78 : i1 to i32
    %cond3A_80 = arith.constant 0 : i32
    %cond3A_81 = arith.cmpi ne, %convert_element_type3A_79, %cond3A_80 : i32
    scf.if %cond3A_81 {
      "tpu.region"() ({
        %run_scoped3A = tpu.sem_alloc : memref<!tpu.dma_semaphore, #tpu.memory_space<semaphore_mem>>
        %dma_start3A_82 = arith.constant 9480 : i32
        %dma_start3A_83 = arith.constant 0 : i32
        %dma_start3A_84 = tpu.memref_slice %arg8[%arg0, %dma_start3A_82, %dma_start3A_83] : memref<2x10008x128xf32, #tpu.memory_space<hbm>> -> memref<1x520x72xf32, #tpu.memory_space<hbm>>
        %dma_start3A_85 = tpu.memref_squeeze %dma_start3A_84 : memref<1x520x72xf32, #tpu.memory_space<hbm>> -> memref<520x72xf32, #tpu.memory_space<hbm>>
        %dma_start3A_86 = arith.constant 9480 : i32
        %dma_start3A_87 = arith.constant 0 : i32
        %dma_start3A_88 = tpu.memref_slice %arg9[%dma_start3A_86, %dma_start3A_87] : memref<10008x72xf32, #tpu.memory_space<vmem_shared>> -> memref<520x72xf32, #tpu.memory_space<vmem_shared>>
        tpu.enqueue_dma source(%dma_start3A_88 : memref<520x72xf32, #tpu.memory_space<vmem_shared>>) target(%dma_start3A_85 : memref<520x72xf32, #tpu.memory_space<hbm>>) target_semaphore(%run_scoped3A : memref<!tpu.dma_semaphore, #tpu.memory_space<semaphore_mem>>)
        %dma_wait3A_89 = arith.constant 9480 : i32
        %dma_wait3A_90 = arith.constant 0 : i32
        %dma_wait3A_91 = tpu.memref_slice %arg8[%arg0, %dma_wait3A_89, %dma_wait3A_90] : memref<2x10008x128xf32, #tpu.memory_space<hbm>> -> memref<1x520x72xf32, #tpu.memory_space<hbm>>
        %dma_wait3A_92 = tpu.memref_squeeze %dma_wait3A_91 : memref<1x520x72xf32, #tpu.memory_space<hbm>> -> memref<520x72xf32, #tpu.memory_space<hbm>>
        %dma_wait3A_93 = arith.constant 9480 : i32
        %dma_wait3A_94 = arith.constant 0 : i32
        %dma_wait3A_95 = tpu.memref_slice %arg9[%dma_wait3A_93, %dma_wait3A_94] : memref<10008x72xf32, #tpu.memory_space<vmem_shared>> -> memref<520x72xf32, #tpu.memory_space<vmem_shared>>
        tpu.wait_dma2 semaphore(%run_scoped3A : memref<!tpu.dma_semaphore, #tpu.memory_space<semaphore_mem>>) src(%dma_wait3A_95 : memref<520x72xf32, #tpu.memory_space<vmem_shared>>) dst(%dma_wait3A_92 : memref<520x72xf32, #tpu.memory_space<hbm>>)
        tpu.yield
      }) : () -> ()
    } else {
    }
    return
  }
}

module attributes {stable_mosaic.version = 14 : i64} {
  func.func @body(%arg0: i32, %arg1: memref<2000x256xf32, #tpu.memory_space<vmem>>, %arg2: memref<256x64xf32, #tpu.memory_space<vmem>>, %arg3: memref<64x8xf32, #tpu.memory_space<vmem>>, %arg4: memref<64x8xf32, #tpu.memory_space<vmem>>, %arg5: memref<2000x128xf32, #tpu.memory_space<vmem>>, %arg6: memref<2000x128xf32, #tpu.memory_space<vmem>>, %arg7: memref<1x8xf32, #tpu.memory_space<vmem>>) attributes {dimension_semantics = [#tpu.dimension_semantics<arbitrary>], iteration_bounds = array<i64: 5>, scalar_prefetch = 0 : i64, scratch_operands = 0 : i64, tpu.core_type = #tpu.core_type<tc>, window_params = [{transform_indices = @transform_0, window_bounds = array<i64: 2000, 256>}, {pipeline_mode = #tpu.pipeline_mode<synchronous>, transform_indices = @transform_1, window_bounds = array<i64: 256, 64>}, {pipeline_mode = #tpu.pipeline_mode<synchronous>, transform_indices = @transform_2, window_bounds = array<i64: 64, 8>}, {pipeline_mode = #tpu.pipeline_mode<synchronous>, transform_indices = @transform_3, window_bounds = array<i64: 64, 8>}, {transform_indices = @transform_4, window_bounds = array<i64: 2000, 128>}, {transform_indices = @transform_5, window_bounds = array<i64: 2000, 128>}, {pipeline_mode = #tpu.pipeline_mode<synchronous>, transform_indices = @transform_6, window_bounds = array<i64: 1, 8>}]} {
    %get3A = arith.constant 0 : index
    %get3A_0 = arith.constant 0 : index
    %get3A_1 = vector.load %arg1[%get3A, %get3A_0] : memref<2000x256xf32, #tpu.memory_space<vmem>>, vector<2000x256xf32>
    %get3A_2 = arith.constant 0 : index
    %get3A_3 = arith.constant 0 : index
    %get3A_4 = vector.load %arg2[%get3A_2, %get3A_3] : memref<256x64xf32, #tpu.memory_space<vmem>>, vector<256x64xf32>
    %dot_general3A = arith.constant dense<0.000000e+00> : vector<2000x64xf32>
    %dot_general3A_5 = tpu.matmul %get3A_1, %get3A_4, %dot_general3A {dimension_numbers = #tpu.dot_dimension_numbers<[1], [0], [0], [1], [0, 0, 1, 1], [], []>, precision = #tpu.contract_precision<fp32>, transpose_lhs_hint = false} : vector<2000x256xf32>, vector<256x64xf32>, vector<2000x64xf32> -> vector<2000x64xf32>
    %get3A_6 = arith.constant 0 : index
    %get3A_7 = arith.constant 0 : index
    %get3A_8 = vector.load %arg3[%get3A_6, %get3A_7] : memref<64x8xf32, #tpu.memory_space<vmem>>, vector<64x8xf32>
    %dot_general3A_9 = arith.constant dense<0.000000e+00> : vector<2000x8xf32>
    %dot_general3A_10 = tpu.matmul %dot_general3A_5, %get3A_8, %dot_general3A_9 {dimension_numbers = #tpu.dot_dimension_numbers<[1], [0], [0], [1], [0, 0, 1, 1], [], []>, precision = #tpu.contract_precision<fp32>, transpose_lhs_hint = false} : vector<2000x64xf32>, vector<64x8xf32>, vector<2000x8xf32> -> vector<2000x8xf32>
    %get3A_11 = arith.constant 0 : index
    %get3A_12 = arith.constant 0 : index
    %get3A_13 = vector.load %arg4[%get3A_11, %get3A_12] : memref<64x8xf32, #tpu.memory_space<vmem>>, vector<64x8xf32>
    %dot_general3A_14 = arith.constant dense<0.000000e+00> : vector<2000x8xf32>
    %dot_general3A_15 = tpu.matmul %dot_general3A_5, %get3A_13, %dot_general3A_14 {dimension_numbers = #tpu.dot_dimension_numbers<[1], [0], [0], [1], [0, 0, 1, 1], [], []>, precision = #tpu.contract_precision<fp32>, transpose_lhs_hint = false} : vector<2000x64xf32>, vector<64x8xf32>, vector<2000x8xf32> -> vector<2000x8xf32>
    %broadcast_in_dim3A = arith.constant 0.000000e+00 : f32
    %broadcast_in_dim3A_16 = vector.broadcast %broadcast_in_dim3A : f32 to vector<2000x48xf32>
    %concatenate3A = tpu.concatenate %dot_general3A_5, %dot_general3A_10, %dot_general3A_10, %broadcast_in_dim3A_16 in 1 : vector<2000x64xf32>, vector<2000x8xf32>, vector<2000x8xf32>, vector<2000x48xf32> -> vector<2000x128xf32>
    %swap3A = arith.constant 0 : index
    %swap3A_17 = arith.constant 0 : index
    %swap3A_18 = vector.load %arg5[%swap3A, %swap3A_17] : memref<2000x128xf32, #tpu.memory_space<vmem>>, vector<2000x128xf32>
    tpu.vector_store %arg5[%swap3A, %swap3A_17], %concatenate3A {strides = array<i32>} : memref<2000x128xf32, #tpu.memory_space<vmem>>, vector<2000x128xf32>,
    %broadcast_in_dim3A_19 = arith.constant 0.000000e+00 : f32
    %broadcast_in_dim3A_20 = vector.broadcast %broadcast_in_dim3A_19 : f32 to vector<2000x112xf32>
    %concatenate3A_21 = tpu.concatenate %dot_general3A_15, %dot_general3A_15, %broadcast_in_dim3A_20 in 1 : vector<2000x8xf32>, vector<2000x8xf32>, vector<2000x112xf32> -> vector<2000x128xf32>
    %swap3A_22 = arith.constant 0 : index
    %swap3A_23 = arith.constant 0 : index
    %swap3A_24 = vector.load %arg6[%swap3A_22, %swap3A_23] : memref<2000x128xf32, #tpu.memory_space<vmem>>, vector<2000x128xf32>
    tpu.vector_store %arg6[%swap3A_22, %swap3A_23], %concatenate3A_21 {strides = array<i32>} : memref<2000x128xf32, #tpu.memory_space<vmem>>, vector<2000x128xf32>,
    %reduce_max3A = arith.constant dense<0xFF800000> : vector<8xf32>
    %reduce_max3A_25 = vector.multi_reduction <maximumf>, %dot_general3A_10, %reduce_max3A [0] : vector<2000x8xf32> to vector<8xf32>
    %broadcast_in_dim3A_26 = vector.shape_cast %reduce_max3A_25 : vector<8xf32> to vector<1x8xf32>
    %eq3A = arith.constant 0 : i32
    %eq3A_27 = arith.cmpi eq, %arg0, %eq3A : i32
    %convert_element_type3A = arith.extui %eq3A_27 : i1 to i32
    %cond3A = arith.constant 0 : i32
    %cond3A_28 = arith.cmpi ne, %convert_element_type3A, %cond3A : i32
    scf.if %cond3A_28 {
      %swap3A_33 = arith.constant 0 : index
      %swap3A_34 = arith.constant 0 : index
      %swap3A_35 = vector.load %arg7[%swap3A_33, %swap3A_34] : memref<1x8xf32, #tpu.memory_space<vmem>>, vector<1x8xf32>
      tpu.vector_store %arg7[%swap3A_33, %swap3A_34], %broadcast_in_dim3A_26 {strides = array<i32>} : memref<1x8xf32, #tpu.memory_space<vmem>>, vector<1x8xf32>,
    } else {
    }
    %gt3A = arith.constant 0 : i32
    %gt3A_29 = arith.cmpi sgt, %arg0, %gt3A : i32
    %convert_element_type3A_30 = arith.extui %gt3A_29 : i1 to i32
    %cond3A_31 = arith.constant 0 : i32
    %cond3A_32 = arith.cmpi ne, %convert_element_type3A_30, %cond3A_31 : i32
    scf.if %cond3A_32 {
      %get3A_33 = arith.constant 0 : index
      %get3A_34 = arith.constant 0 : index
      %get3A_35 = vector.load %arg7[%get3A_33, %get3A_34] : memref<1x8xf32, #tpu.memory_space<vmem>>, vector<1x8xf32>
      %max3A = arith.maximumf %get3A_35, %broadcast_in_dim3A_26 : vector<1x8xf32>
      %swap3A_36 = arith.constant 0 : index
      %swap3A_37 = arith.constant 0 : index
      %swap3A_38 = vector.load %arg7[%swap3A_36, %swap3A_37] : memref<1x8xf32, #tpu.memory_space<vmem>>, vector<1x8xf32>
      tpu.vector_store %arg7[%swap3A_36, %swap3A_37], %max3A {strides = array<i32>} : memref<1x8xf32, #tpu.memory_space<vmem>>, vector<1x8xf32>,
    } else {
    }
    return
  }
  func.func @transform_0(%arg0: i32) -> (i32, i32) {
    %c0_i32 = arith.constant 0 : i32
    %c0_i32_0 = arith.constant 0 : i32
    return %arg0, %c0_i32 : i32, i32
  }
  func.func @transform_1(%arg0: i32) -> (i32, i32) {
    %c0_i32 = arith.constant 0 : i32
    %c0_i32_0 = arith.constant 0 : i32
    %c0_i32_1 = arith.constant 0 : i32
    return %c0_i32, %c0_i32_0 : i32, i32
  }
  func.func @transform_2(%arg0: i32) -> (i32, i32) {
    %c0_i32 = arith.constant 0 : i32
    %c0_i32_0 = arith.constant 0 : i32
    %c0_i32_1 = arith.constant 0 : i32
    return %c0_i32, %c0_i32_0 : i32, i32
  }
  func.func @transform_3(%arg0: i32) -> (i32, i32) {
    %c0_i32 = arith.constant 0 : i32
    %c0_i32_0 = arith.constant 0 : i32
    %c0_i32_1 = arith.constant 0 : i32
    return %c0_i32, %c0_i32_0 : i32, i32
  }
  func.func @transform_4(%arg0: i32) -> (i32, i32) {
    %c0_i32 = arith.constant 0 : i32
    %c0_i32_0 = arith.constant 0 : i32
    return %arg0, %c0_i32 : i32, i32
  }
  func.func @transform_5(%arg0: i32) -> (i32, i32) {
    %c0_i32 = arith.constant 0 : i32
    %c0_i32_0 = arith.constant 0 : i32
    return %arg0, %c0_i32 : i32, i32
  }
  func.func @transform_6(%arg0: i32) -> (i32, i32) {
    %c0_i32 = arith.constant 0 : i32
    %c0_i32_0 = arith.constant 0 : i32
    %c0_i32_1 = arith.constant 0 : i32
    return %c0_i32, %c0_i32_0 : i32, i32
  }
}

module attributes {stable_mosaic.version = 14 : i64} {
  func.func @body(%arg0: i32, %arg1: memref<2x2000x128xf32, #tpu.memory_space<vmem>>, %arg2: memref<2000x128xf32, #tpu.memory_space<vmem>>, %arg3: memref<2000x128xf32, #tpu.memory_space<vmem>>, %arg4: memref<1x8xf32, #tpu.memory_space<vmem>>, %arg5: memref<1x64xf32, #tpu.memory_space<vmem>>, %arg6: memref<64x64xf32, #tpu.memory_space<vmem>>, %arg7: memref<64x1xf32, #tpu.memory_space<vmem>>, %arg8: memref<64x1xf32, #tpu.memory_space<vmem>>, %arg9: memref<8x64xf32, #tpu.memory_space<vmem>>, %arg10: memref<2000x128xf32, #tpu.memory_space<vmem>>, %arg11: memref<2000x128xf32, #tpu.memory_space<vmem>>, %arg12: memref<1x8xf32, #tpu.memory_space<vmem>>) attributes {dimension_semantics = [#tpu.dimension_semantics<arbitrary>], iteration_bounds = array<i64: 5>, scalar_prefetch = 0 : i64, scratch_operands = 0 : i64, tpu.core_type = #tpu.core_type<tc>, window_params = [{transform_indices = @transform_0, window_bounds = array<i64: 2, 2000, 128>}, {transform_indices = @transform_1, window_bounds = array<i64: 2000, 128>}, {transform_indices = @transform_2, window_bounds = array<i64: 2000, 128>}, {pipeline_mode = #tpu.pipeline_mode<synchronous>, transform_indices = @transform_3, window_bounds = array<i64: 1, 8>}, {pipeline_mode = #tpu.pipeline_mode<synchronous>, transform_indices = @transform_4, window_bounds = array<i64: 1, 64>}, {pipeline_mode = #tpu.pipeline_mode<synchronous>, transform_indices = @transform_5, window_bounds = array<i64: 64, 64>}, {pipeline_mode = #tpu.pipeline_mode<synchronous>, transform_indices = @transform_6, window_bounds = array<i64: 64, 1>}, {pipeline_mode = #tpu.pipeline_mode<synchronous>, transform_indices = @transform_7, window_bounds = array<i64: 64, 1>}, {pipeline_mode = #tpu.pipeline_mode<synchronous>, transform_indices = @transform_8, window_bounds = array<i64: 8, 64>}, {transform_indices = @transform_9, window_bounds = array<i64: 2000, 128>}, {transform_indices = @transform_10, window_bounds = array<i64: 2000, 128>}, {pipeline_mode = #tpu.pipeline_mode<synchronous>, transform_indices = @transform_11, window_bounds = array<i64: 1, 8>}]} {
    %get3A = arith.constant 0 : index
    %get3A_0 = arith.constant 0 : index
    %get3A_1 = arith.constant 0 : index
    %get3A_2 = vector.load %arg1[%get3A, %get3A_0, %get3A_1] : memref<2x2000x128xf32, #tpu.memory_space<vmem>>, vector<1x2000x128xf32>
    %get3A_3 = vector.shape_cast %get3A_2 : vector<1x2000x128xf32> to vector<2000x128xf32>
    %get3A_4 = arith.constant 1 : index
    %get3A_5 = arith.constant 0 : index
    %get3A_6 = arith.constant 0 : index
    %get3A_7 = vector.load %arg1[%get3A_4, %get3A_5, %get3A_6] : memref<2x2000x128xf32, #tpu.memory_space<vmem>>, vector<1x2000x128xf32>
    %get3A_8 = vector.shape_cast %get3A_7 : vector<1x2000x128xf32> to vector<2000x128xf32>
    %add3A = arith.addf %get3A_3, %get3A_8 : vector<2000x128xf32>
    %slice3A = vector.extract_strided_slice %add3A {offsets = [0, 0], sizes = [2000, 64], strides = [1, 1]} : vector<2000x128xf32> to vector<2000x64xf32>
    %slice3A_9 = vector.extract_strided_slice %add3A {offsets = [0, 64], sizes = [2000, 8], strides = [1, 1]} : vector<2000x128xf32> to vector<2000x8xf32>
    %get3A_10 = arith.constant 0 : index
    %get3A_11 = arith.constant 0 : index
    %get3A_12 = vector.load %arg2[%get3A_10, %get3A_11] : memref<2000x128xf32, #tpu.memory_space<vmem>>, vector<2000x128xf32>
    %slice3A_13 = vector.extract_strided_slice %get3A_12 {offsets = [0, 0], sizes = [2000, 64], strides = [1, 1]} : vector<2000x128xf32> to vector<2000x64xf32>
    %slice3A_14 = vector.extract_strided_slice %get3A_12 {offsets = [0, 64], sizes = [2000, 8], strides = [1, 1]} : vector<2000x128xf32> to vector<2000x8xf32>
    %get3A_15 = arith.constant 0 : index
    %get3A_16 = arith.constant 0 : index
    %get3A_17 = vector.load %arg3[%get3A_15, %get3A_16] : memref<2000x128xf32, #tpu.memory_space<vmem>>, vector<2000x128xf32>
    %slice3A_18 = vector.extract_strided_slice %get3A_17 {offsets = [0, 0], sizes = [2000, 8], strides = [1, 1]} : vector<2000x128xf32> to vector<2000x8xf32>
    %get3A_19 = arith.constant 0 : index
    %get3A_20 = arith.constant 0 : index
    %get3A_21 = vector.load %arg4[%get3A_19, %get3A_20] : memref<1x8xf32, #tpu.memory_space<vmem>>, vector<1x8xf32>
    %add3A_22 = vector.broadcast %get3A_21 : vector<1x8xf32> to vector<2000x8xf32>
    %add3A_23 = arith.addf %add3A_22, %slice3A_18 : vector<2000x8xf32>
    %ge3A = arith.constant 0.000000e+00 : f32
    %ge3A_24 = vector.broadcast %ge3A : f32 to vector<2000x8xf32>
    %ge3A_25 = arith.cmpf oge, %add3A_23, %ge3A_24 : vector<2000x8xf32>
    %mul3A = arith.constant 2.000000e-01 : f32
    %mul3A_26 = vector.broadcast %mul3A : f32 to vector<2000x8xf32>
    %mul3A_27 = arith.mulf %mul3A_26, %add3A_23 : vector<2000x8xf32>
    %select_n3A = arith.select %ge3A_25, %add3A_23, %mul3A_27 : vector<2000x8xi1>, vector<2000x8xf32>
    %add3A_28 = arith.addf %slice3A_14, %slice3A_18 : vector<2000x8xf32>
    %ge3A_29 = arith.constant 0.000000e+00 : f32
    %ge3A_30 = vector.broadcast %ge3A_29 : f32 to vector<2000x8xf32>
    %ge3A_31 = arith.cmpf oge, %add3A_28, %ge3A_30 : vector<2000x8xf32>
    %mul3A_32 = arith.constant 2.000000e-01 : f32
    %mul3A_33 = vector.broadcast %mul3A_32 : f32 to vector<2000x8xf32>
    %mul3A_34 = arith.mulf %mul3A_33, %add3A_28 : vector<2000x8xf32>
    %select_n3A_35 = arith.select %ge3A_31, %add3A_28, %mul3A_34 : vector<2000x8xi1>, vector<2000x8xf32>
    %sub3A = arith.subf %select_n3A_35, %select_n3A : vector<2000x8xf32>
    %exp3A = math.exp %sub3A : vector<2000x8xf32>
    %get3A_36 = arith.constant 0 : index
    %get3A_37 = arith.constant 0 : index
    %get3A_38 = vector.load %arg9[%get3A_36, %get3A_37] : memref<8x64xf32, #tpu.memory_space<vmem>>, vector<8x64xf32>
    %dot_general3A = arith.constant dense<0.000000e+00> : vector<2000x64xf32>
    %dot_general3A_39 = tpu.matmul %exp3A, %get3A_38, %dot_general3A {dimension_numbers = #tpu.dot_dimension_numbers<[1], [0], [0], [1], [0, 0, 1, 1], [], []>, precision = #tpu.contract_precision<fp32>, transpose_lhs_hint = false} : vector<2000x8xf32>, vector<8x64xf32>, vector<2000x64xf32> -> vector<2000x64xf32>
    %mul3A_40 = arith.mulf %slice3A_13, %dot_general3A_39 : vector<2000x64xf32>
    %add3A_41 = arith.addf %slice3A, %mul3A_40 : vector<2000x64xf32>
    %add3A_42 = arith.addf %slice3A_9, %exp3A : vector<2000x8xf32>
    %dot_general3A_43 = arith.constant dense<0.000000e+00> : vector<2000x64xf32>
    %dot_general3A_44 = tpu.matmul %add3A_42, %get3A_38, %dot_general3A_43 {dimension_numbers = #tpu.dot_dimension_numbers<[1], [0], [0], [1], [0, 0, 1, 1], [], []>, precision = #tpu.contract_precision<fp32>, transpose_lhs_hint = false} : vector<2000x8xf32>, vector<8x64xf32>, vector<2000x64xf32> -> vector<2000x64xf32>
    %div3A = arith.divf %add3A_41, %dot_general3A_44 : vector<2000x64xf32>
    %get3A_45 = arith.constant 0 : index
    %get3A_46 = arith.constant 0 : index
    %get3A_47 = vector.load %arg5[%get3A_45, %get3A_46] : memref<1x64xf32, #tpu.memory_space<vmem>>, vector<1x64xf32>
    %add3A_48 = vector.broadcast %get3A_47 : vector<1x64xf32> to vector<2000x64xf32>
    %add3A_49 = arith.addf %div3A, %add3A_48 : vector<2000x64xf32>
    %gt3A = arith.constant 0.000000e+00 : f32
    %gt3A_50 = vector.broadcast %gt3A : f32 to vector<2000x64xf32>
    %gt3A_51 = arith.cmpf ogt, %add3A_49, %gt3A_50 : vector<2000x64xf32>
    %min3A = arith.constant 0.000000e+00 : f32
    %min3A_52 = vector.broadcast %min3A : f32 to vector<2000x64xf32>
    %min3A_53 = arith.minimumf %add3A_49, %min3A_52 : vector<2000x64xf32>
    %exp3A_54 = math.exp %min3A_53 : vector<2000x64xf32>
    %sub3A_55 = arith.constant 1.000000e+00 : f32
    %sub3A_56 = vector.broadcast %sub3A_55 : f32 to vector<2000x64xf32>
    %sub3A_57 = arith.subf %exp3A_54, %sub3A_56 : vector<2000x64xf32>
    %select_n3A_58 = arith.select %gt3A_51, %add3A_49, %sub3A_57 : vector<2000x64xi1>, vector<2000x64xf32>
    %get3A_59 = arith.constant 0 : index
    %get3A_60 = arith.constant 0 : index
    %get3A_61 = vector.load %arg6[%get3A_59, %get3A_60] : memref<64x64xf32, #tpu.memory_space<vmem>>, vector<64x64xf32>
    %dot_general3A_62 = arith.constant dense<0.000000e+00> : vector<2000x64xf32>
    %dot_general3A_63 = tpu.matmul %select_n3A_58, %get3A_61, %dot_general3A_62 {dimension_numbers = #tpu.dot_dimension_numbers<[1], [0], [0], [1], [0, 0, 1, 1], [], []>, precision = #tpu.contract_precision<fp32>, transpose_lhs_hint = false} : vector<2000x64xf32>, vector<64x64xf32>, vector<2000x64xf32> -> vector<2000x64xf32>
    %get3A_64 = arith.constant 0 : index
    %get3A_65 = arith.constant 0 : index
    %get3A_66 = vector.load %arg7[%get3A_64, %get3A_65] : memref<64x1xf32, #tpu.memory_space<vmem>>, vector<64x1xf32>
    %dot_general3A_67 = arith.constant dense<0.000000e+00> : vector<2000x1xf32>
    %dot_general3A_68 = tpu.matmul %dot_general3A_63, %get3A_66, %dot_general3A_67 {dimension_numbers = #tpu.dot_dimension_numbers<[1], [0], [0], [1], [0, 0, 1, 1], [], []>, precision = #tpu.contract_precision<fp32>, transpose_lhs_hint = false} : vector<2000x64xf32>, vector<64x1xf32>, vector<2000x1xf32> -> vector<2000x1xf32>
    %get3A_69 = arith.constant 0 : index
    %get3A_70 = arith.constant 0 : index
    %get3A_71 = vector.load %arg8[%get3A_69, %get3A_70] : memref<64x1xf32, #tpu.memory_space<vmem>>, vector<64x1xf32>
    %dot_general3A_72 = arith.constant dense<0.000000e+00> : vector<2000x1xf32>
    %dot_general3A_73 = tpu.matmul %dot_general3A_63, %get3A_71, %dot_general3A_72 {dimension_numbers = #tpu.dot_dimension_numbers<[1], [0], [0], [1], [0, 0, 1, 1], [], []>, precision = #tpu.contract_precision<fp32>, transpose_lhs_hint = false} : vector<2000x64xf32>, vector<64x1xf32>, vector<2000x1xf32> -> vector<2000x1xf32>
    %tile3A = tpu.concatenate %dot_general3A_68, %dot_general3A_68, %dot_general3A_68, %dot_general3A_68, %dot_general3A_68, %dot_general3A_68, %dot_general3A_68, %dot_general3A_68, %dot_general3A_68, %dot_general3A_68, %dot_general3A_68, %dot_general3A_68, %dot_general3A_68, %dot_general3A_68, %dot_general3A_68, %dot_general3A_68 in 1 : vector<2000x1xf32>, vector<2000x1xf32>, vector<2000x1xf32>, vector<2000x1xf32>, vector<2000x1xf32>, vector<2000x1xf32>, vector<2000x1xf32>, vector<2000x1xf32>, vector<2000x1xf32>, vector<2000x1xf32>, vector<2000x1xf32>, vector<2000x1xf32>, vector<2000x1xf32>, vector<2000x1xf32>, vector<2000x1xf32>, vector<2000x1xf32> -> vector<2000x16xf32>
    %broadcast_in_dim3A = arith.constant 0.000000e+00 : f32
    %broadcast_in_dim3A_74 = vector.broadcast %broadcast_in_dim3A : f32 to vector<2000x48xf32>
    %concatenate3A = tpu.concatenate %dot_general3A_63, %tile3A, %broadcast_in_dim3A_74 in 1 : vector<2000x64xf32>, vector<2000x16xf32>, vector<2000x48xf32> -> vector<2000x128xf32>
    %swap3A = arith.constant 0 : index
    %swap3A_75 = arith.constant 0 : index
    %swap3A_76 = vector.load %arg10[%swap3A, %swap3A_75] : memref<2000x128xf32, #tpu.memory_space<vmem>>, vector<2000x128xf32>
    tpu.vector_store %arg10[%swap3A, %swap3A_75], %concatenate3A {strides = array<i32>} : memref<2000x128xf32, #tpu.memory_space<vmem>>, vector<2000x128xf32>,
    %tile3A_77 = tpu.concatenate %dot_general3A_73, %dot_general3A_73, %dot_general3A_73, %dot_general3A_73, %dot_general3A_73, %dot_general3A_73, %dot_general3A_73, %dot_general3A_73, %dot_general3A_73, %dot_general3A_73, %dot_general3A_73, %dot_general3A_73, %dot_general3A_73, %dot_general3A_73, %dot_general3A_73, %dot_general3A_73 in 1 : vector<2000x1xf32>, vector<2000x1xf32>, vector<2000x1xf32>, vector<2000x1xf32>, vector<2000x1xf32>, vector<2000x1xf32>, vector<2000x1xf32>, vector<2000x1xf32>, vector<2000x1xf32>, vector<2000x1xf32>, vector<2000x1xf32>, vector<2000x1xf32>, vector<2000x1xf32>, vector<2000x1xf32>, vector<2000x1xf32>, vector<2000x1xf32> -> vector<2000x16xf32>
    %broadcast_in_dim3A_78 = arith.constant 0.000000e+00 : f32
    %broadcast_in_dim3A_79 = vector.broadcast %broadcast_in_dim3A_78 : f32 to vector<2000x112xf32>
    %concatenate3A_80 = tpu.concatenate %tile3A_77, %broadcast_in_dim3A_79 in 1 : vector<2000x16xf32>, vector<2000x112xf32> -> vector<2000x128xf32>
    %swap3A_81 = arith.constant 0 : index
    %swap3A_82 = arith.constant 0 : index
    %swap3A_83 = vector.load %arg11[%swap3A_81, %swap3A_82] : memref<2000x128xf32, #tpu.memory_space<vmem>>, vector<2000x128xf32>
    tpu.vector_store %arg11[%swap3A_81, %swap3A_82], %concatenate3A_80 {strides = array<i32>} : memref<2000x128xf32, #tpu.memory_space<vmem>>, vector<2000x128xf32>,
    %reduce_max3A = vector.shape_cast %dot_general3A_68 : vector<2000x1xf32> to vector<1x2000x1xf32>
    %reduce_max3A_84 = arith.constant dense<0xFF800000> : vector<1xf32>
    %reduce_max3A_85 = vector.multi_reduction <maximumf>, %reduce_max3A, %reduce_max3A_84 [1, 2] : vector<1x2000x1xf32> to vector<1xf32>
    %reduce_max3A_86 = vector.shape_cast %reduce_max3A_85 : vector<1xf32> to vector<1x1x1xf32>
    %reduce_max3A_87 = vector.extract %reduce_max3A_86[0, 0, 0] : f32 from vector<1x1x1xf32>
    %eq3A = arith.constant 0 : i32
    %eq3A_88 = arith.cmpi eq, %arg0, %eq3A : i32
    %convert_element_type3A = arith.extui %eq3A_88 : i1 to i32
    %cond3A = arith.constant 0 : i32
    %cond3A_89 = arith.cmpi ne, %convert_element_type3A, %cond3A : i32
    scf.if %cond3A_89 {
      %broadcast_in_dim3A_95 = vector.broadcast %reduce_max3A_87 : f32 to vector<1x8xf32>
      %swap3A_96 = arith.constant 0 : index
      %swap3A_97 = arith.constant 0 : index
      %swap3A_98 = vector.load %arg12[%swap3A_96, %swap3A_97] : memref<1x8xf32, #tpu.memory_space<vmem>>, vector<1x8xf32>
      tpu.vector_store %arg12[%swap3A_96, %swap3A_97], %broadcast_in_dim3A_95 {strides = array<i32>} : memref<1x8xf32, #tpu.memory_space<vmem>>, vector<1x8xf32>,
    } else {
    }
    %gt3A_90 = arith.constant 0 : i32
    %gt3A_91 = arith.cmpi sgt, %arg0, %gt3A_90 : i32
    %convert_element_type3A_92 = arith.extui %gt3A_91 : i1 to i32
    %cond3A_93 = arith.constant 0 : i32
    %cond3A_94 = arith.cmpi ne, %convert_element_type3A_92, %cond3A_93 : i32
    scf.if %cond3A_94 {
      %get3A_95 = arith.constant 0 : index
      %get3A_96 = arith.constant 0 : index
      %get3A_97 = vector.load %arg12[%get3A_95, %get3A_96] : memref<1x8xf32, #tpu.memory_space<vmem>>, vector<1x8xf32>
      %max3A = vector.broadcast %reduce_max3A_87 : f32 to vector<1x8xf32>
      %max3A_98 = arith.maximumf %get3A_97, %max3A : vector<1x8xf32>
      %swap3A_99 = arith.constant 0 : index
      %swap3A_100 = arith.constant 0 : index
      %swap3A_101 = vector.load %arg12[%swap3A_99, %swap3A_100] : memref<1x8xf32, #tpu.memory_space<vmem>>, vector<1x8xf32>
      tpu.vector_store %arg12[%swap3A_99, %swap3A_100], %max3A_98 {strides = array<i32>} : memref<1x8xf32, #tpu.memory_space<vmem>>, vector<1x8xf32>,
    } else {
    }
    return
  }
  func.func @transform_0(%arg0: i32) -> (i32, i32, i32) {
    %c0_i32 = arith.constant 0 : i32
    %c0_i32_0 = arith.constant 0 : i32
    %c0_i32_1 = arith.constant 0 : i32
    return %c0_i32, %arg0, %c0_i32_0 : i32, i32, i32
  }
  func.func @transform_1(%arg0: i32) -> (i32, i32) {
    %c0_i32 = arith.constant 0 : i32
    %c0_i32_0 = arith.constant 0 : i32
    return %arg0, %c0_i32 : i32, i32
  }
  func.func @transform_2(%arg0: i32) -> (i32, i32) {
    %c0_i32 = arith.constant 0 : i32
    %c0_i32_0 = arith.constant 0 : i32
    return %arg0, %c0_i32 : i32, i32
  }
  func.func @transform_3(%arg0: i32) -> (i32, i32) {
    %c0_i32 = arith.constant 0 : i32
    %c0_i32_0 = arith.constant 0 : i32
    %c0_i32_1 = arith.constant 0 : i32
    return %c0_i32, %c0_i32_0 : i32, i32
  }
  func.func @transform_4(%arg0: i32) -> (i32, i32) {
    %c0_i32 = arith.constant 0 : i32
    %c0_i32_0 = arith.constant 0 : i32
    %c0_i32_1 = arith.constant 0 : i32
    return %c0_i32, %c0_i32_0 : i32, i32
  }
  func.func @transform_5(%arg0: i32) -> (i32, i32) {
    %c0_i32 = arith.constant 0 : i32
    %c0_i32_0 = arith.constant 0 : i32
    %c0_i32_1 = arith.constant 0 : i32
    return %c0_i32, %c0_i32_0 : i32, i32
  }
  func.func @transform_6(%arg0: i32) -> (i32, i32) {
    %c0_i32 = arith.constant 0 : i32
    %c0_i32_0 = arith.constant 0 : i32
    %c0_i32_1 = arith.constant 0 : i32
    return %c0_i32, %c0_i32_0 : i32, i32
  }
  func.func @transform_7(%arg0: i32) -> (i32, i32) {
    %c0_i32 = arith.constant 0 : i32
    %c0_i32_0 = arith.constant 0 : i32
    %c0_i32_1 = arith.constant 0 : i32
    return %c0_i32, %c0_i32_0 : i32, i32
  }
  func.func @transform_8(%arg0: i32) -> (i32, i32) {
    %c0_i32 = arith.constant 0 : i32
    %c0_i32_0 = arith.constant 0 : i32
    %c0_i32_1 = arith.constant 0 : i32
    return %c0_i32, %c0_i32_0 : i32, i32
  }
  func.func @transform_9(%arg0: i32) -> (i32, i32) {
    %c0_i32 = arith.constant 0 : i32
    %c0_i32_0 = arith.constant 0 : i32
    return %arg0, %c0_i32 : i32, i32
  }
  func.func @transform_10(%arg0: i32) -> (i32, i32) {
    %c0_i32 = arith.constant 0 : i32
    %c0_i32_0 = arith.constant 0 : i32
    return %arg0, %c0_i32 : i32, i32
  }
  func.func @transform_11(%arg0: i32) -> (i32, i32) {
    %c0_i32 = arith.constant 0 : i32
    %c0_i32_0 = arith.constant 0 : i32
    %c0_i32_1 = arith.constant 0 : i32
    return %c0_i32, %c0_i32_0 : i32, i32
  }
}

module attributes {stable_mosaic.version = 14 : i64} {
  func.func @body(%arg0: i32, %arg1: memref<2x2000x128xf32, #tpu.memory_space<vmem>>, %arg2: memref<2000x128xf32, #tpu.memory_space<vmem>>, %arg3: memref<2000x128xf32, #tpu.memory_space<vmem>>, %arg4: memref<1x8xf32, #tpu.memory_space<vmem>>, %arg5: memref<1x64xf32, #tpu.memory_space<vmem>>, %arg6: memref<2000x64xf32, #tpu.memory_space<vmem>>) attributes {dimension_semantics = [#tpu.dimension_semantics<arbitrary>], iteration_bounds = array<i64: 5>, scalar_prefetch = 0 : i64, scratch_operands = 0 : i64, tpu.core_type = #tpu.core_type<tc>, window_params = [{transform_indices = @transform_0, window_bounds = array<i64: 2, 2000, 128>}, {transform_indices = @transform_1, window_bounds = array<i64: 2000, 128>}, {transform_indices = @transform_2, window_bounds = array<i64: 2000, 128>}, {pipeline_mode = #tpu.pipeline_mode<synchronous>, transform_indices = @transform_3, window_bounds = array<i64: 1, 8>}, {pipeline_mode = #tpu.pipeline_mode<synchronous>, transform_indices = @transform_4, window_bounds = array<i64: 1, 64>}, {transform_indices = @transform_5, window_bounds = array<i64: 2000, 64>}]} {
    %get3A = arith.constant 0 : index
    %get3A_0 = arith.constant 0 : index
    %get3A_1 = arith.constant 0 : index
    %get3A_2 = vector.load %arg1[%get3A, %get3A_0, %get3A_1] : memref<2x2000x128xf32, #tpu.memory_space<vmem>>, vector<1x2000x128xf32>
    %get3A_3 = vector.shape_cast %get3A_2 : vector<1x2000x128xf32> to vector<2000x128xf32>
    %get3A_4 = arith.constant 1 : index
    %get3A_5 = arith.constant 0 : index
    %get3A_6 = arith.constant 0 : index
    %get3A_7 = vector.load %arg1[%get3A_4, %get3A_5, %get3A_6] : memref<2x2000x128xf32, #tpu.memory_space<vmem>>, vector<1x2000x128xf32>
    %get3A_8 = vector.shape_cast %get3A_7 : vector<1x2000x128xf32> to vector<2000x128xf32>
    %add3A = arith.addf %get3A_3, %get3A_8 : vector<2000x128xf32>
    %slice3A = vector.extract_strided_slice %add3A {offsets = [0, 0], sizes = [2000, 64], strides = [1, 1]} : vector<2000x128xf32> to vector<2000x64xf32>
    %slice3A_9 = vector.extract_strided_slice %add3A {offsets = [0, 64], sizes = [2000, 1], strides = [1, 1]} : vector<2000x128xf32> to vector<2000x1xf32>
    %get3A_10 = arith.constant 0 : index
    %get3A_11 = arith.constant 0 : index
    %get3A_12 = vector.load %arg2[%get3A_10, %get3A_11] : memref<2000x128xf32, #tpu.memory_space<vmem>>, vector<2000x128xf32>
    %slice3A_13 = vector.extract_strided_slice %get3A_12 {offsets = [0, 0], sizes = [2000, 64], strides = [1, 1]} : vector<2000x128xf32> to vector<2000x64xf32>
    %slice3A_14 = vector.extract_strided_slice %get3A_12 {offsets = [0, 64], sizes = [2000, 1], strides = [1, 1]} : vector<2000x128xf32> to vector<2000x1xf32>
    %get3A_15 = arith.constant 0 : index
    %get3A_16 = arith.constant 0 : index
    %get3A_17 = vector.load %arg3[%get3A_15, %get3A_16] : memref<2000x128xf32, #tpu.memory_space<vmem>>, vector<2000x128xf32>
    %slice3A_18 = vector.extract_strided_slice %get3A_17 {offsets = [0, 0], sizes = [2000, 1], strides = [1, 1]} : vector<2000x128xf32> to vector<2000x1xf32>
    %get3A_19 = arith.constant 0 : index
    %get3A_20 = arith.constant 0 : index
    %get3A_21 = vector.load %arg4[%get3A_19, %get3A_20] : memref<1x8xf32, #tpu.memory_space<vmem>>, vector<1x1xf32>
    %get3A_22 = vector.extract %get3A_21[0, 0] : f32 from vector<1x1xf32>
    %add3A_23 = vector.broadcast %get3A_22 : f32 to vector<2000x1xf32>
    %add3A_24 = arith.addf %add3A_23, %slice3A_18 : vector<2000x1xf32>
    %ge3A = arith.constant 0.000000e+00 : f32
    %ge3A_25 = vector.broadcast %ge3A : f32 to vector<2000x1xf32>
    %ge3A_26 = arith.cmpf oge, %add3A_24, %ge3A_25 : vector<2000x1xf32>
    %mul3A = arith.constant 2.000000e-01 : f32
    %mul3A_27 = vector.broadcast %mul3A : f32 to vector<2000x1xf32>
    %mul3A_28 = arith.mulf %mul3A_27, %add3A_24 : vector<2000x1xf32>
    %select_n3A = arith.select %ge3A_26, %add3A_24, %mul3A_28 : vector<2000x1xi1>, vector<2000x1xf32>
    %add3A_29 = arith.addf %slice3A_14, %slice3A_18 : vector<2000x1xf32>
    %ge3A_30 = arith.constant 0.000000e+00 : f32
    %ge3A_31 = vector.broadcast %ge3A_30 : f32 to vector<2000x1xf32>
    %ge3A_32 = arith.cmpf oge, %add3A_29, %ge3A_31 : vector<2000x1xf32>
    %mul3A_33 = arith.constant 2.000000e-01 : f32
    %mul3A_34 = vector.broadcast %mul3A_33 : f32 to vector<2000x1xf32>
    %mul3A_35 = arith.mulf %mul3A_34, %add3A_29 : vector<2000x1xf32>
    %select_n3A_36 = arith.select %ge3A_32, %add3A_29, %mul3A_35 : vector<2000x1xi1>, vector<2000x1xf32>
    %sub3A = arith.subf %select_n3A_36, %select_n3A : vector<2000x1xf32>
    %exp3A = math.exp %sub3A : vector<2000x1xf32>
    %mul3A_37 = vector.broadcast %exp3A : vector<2000x1xf32> to vector<2000x64xf32>
    %mul3A_38 = arith.mulf %slice3A_13, %mul3A_37 : vector<2000x64xf32>
    %add3A_39 = arith.addf %slice3A, %mul3A_38 : vector<2000x64xf32>
    %add3A_40 = arith.addf %slice3A_9, %exp3A : vector<2000x1xf32>
    %div3A = vector.broadcast %add3A_40 : vector<2000x1xf32> to vector<2000x64xf32>
    %div3A_41 = arith.divf %add3A_39, %div3A : vector<2000x64xf32>
    %get3A_42 = arith.constant 0 : index
    %get3A_43 = arith.constant 0 : index
    %get3A_44 = vector.load %arg5[%get3A_42, %get3A_43] : memref<1x64xf32, #tpu.memory_space<vmem>>, vector<1x64xf32>
    %add3A_45 = vector.broadcast %get3A_44 : vector<1x64xf32> to vector<2000x64xf32>
    %add3A_46 = arith.addf %div3A_41, %add3A_45 : vector<2000x64xf32>
    %swap3A = arith.constant 0 : index
    %swap3A_47 = arith.constant 0 : index
    %swap3A_48 = vector.load %arg6[%swap3A, %swap3A_47] : memref<2000x64xf32, #tpu.memory_space<vmem>>, vector<2000x64xf32>
    tpu.vector_store %arg6[%swap3A, %swap3A_47], %add3A_46 {strides = array<i32>} : memref<2000x64xf32, #tpu.memory_space<vmem>>, vector<2000x64xf32>,
    return
  }
  func.func @transform_0(%arg0: i32) -> (i32, i32, i32) {
    %c0_i32 = arith.constant 0 : i32
    %c0_i32_0 = arith.constant 0 : i32
    %c0_i32_1 = arith.constant 0 : i32
    return %c0_i32, %arg0, %c0_i32_0 : i32, i32, i32
  }
  func.func @transform_1(%arg0: i32) -> (i32, i32) {
    %c0_i32 = arith.constant 0 : i32
    %c0_i32_0 = arith.constant 0 : i32
    return %arg0, %c0_i32 : i32, i32
  }
  func.func @transform_2(%arg0: i32) -> (i32, i32) {
    %c0_i32 = arith.constant 0 : i32
    %c0_i32_0 = arith.constant 0 : i32
    return %arg0, %c0_i32 : i32, i32
  }
  func.func @transform_3(%arg0: i32) -> (i32, i32) {
    %c0_i32 = arith.constant 0 : i32
    %c0_i32_0 = arith.constant 0 : i32
    %c0_i32_1 = arith.constant 0 : i32
    return %c0_i32, %c0_i32_0 : i32, i32
  }
  func.func @transform_4(%arg0: i32) -> (i32, i32) {
    %c0_i32 = arith.constant 0 : i32
    %c0_i32_0 = arith.constant 0 : i32
    %c0_i32_1 = arith.constant 0 : i32
    return %c0_i32, %c0_i32_0 : i32, i32
  }
  func.func @transform_5(%arg0: i32) -> (i32, i32) {
    %c0_i32 = arith.constant 0 : i32
    %c0_i32_0 = arith.constant 0 : i32
    return %arg0, %c0_i32 : i32, i32
  }
}

</mosaic_0001>

<sc_bundles>
// kernel: kernel.10.cloned.1.call-start
scs
__scs_entry_jumppad:
0x0: {  	(pc) =	sbr.rel $0x88, $3  }
0x1: {  	(tag) =	ssettag $0x0;
	lr =	simm.s32 $0x1  }
0x2: {  	[smem:$0x3F97] =	sst lr;
	_ =	strace $0xD0000000  }
0x3: {  	_ = 	snop  }
0x4: {  	_ = 	snop  }
0x5: {  	_ = 	snop  }
0x6: {  	_ = 	snop  }
0x7: {  	_ = 	snop  }
__scs_overlays_trampoline_lowered:
0x8: {  	[smem:$0x3FA6] =	sst s0  }
0x9: {  	[smem:$0x3FA7] =	sst s1  }
0xa: {  	[smem:$0x3FA8] =	sst s2  }
0xb: {  	[smem:$0x3FA9] =	sst s3  }
0xc: {  	[smem:$0x3FAA] =	sst s4  }
0xd: {  	[smem:$0x3FAB] =	sst s5  }
0xe: {  	[smem:$0x3FAC] =	sst s6  }
0xf: {  	[smem:$0x3FAD] =	sst s7  }
0x10: {  	[smem:$0x3FAE] =	sst s8  }
0x11: {  	[smem:$0x3FAF] =	sst s9;
	s0 =	simm.s32 @!p0 $0x0  }
0x12: {  	s1 =	sld [smem:$0x3F95];
	s0 =	simm.s32 @p0 $0x1  }
0x13: {  	[smem:$0x3FB0] =	sst s0;
	s0 =	simm.s32 @!p1 $0x0  }
0x14: {  	s2 =	sld [smem:$0x3F94];
	s0 =	simm.s32 @p1 $0x1  }
0x15: {  	[smem:$0x3FB1] =	sst s0;
	s0 =	simm.s32 @!p2 $0x0  }
0x16: {  	s3 =	sld [smem:$0x3FDB];
	s0 =	simm.s32 @p2 $0x1  }
0x17: {  	s4 =	simm.s32 $0x1BF5;
	[smem:$0x3FB3] =	sst s0  }
0x18: {  	s0 =	sld [smem:$0x3F96];
	_ =	swait.ge [sflag:s4], $0x0  }
0x19: {  	s7 =	sld [smem:$0x3F97]  }
0x1a: {  	s8 =	sadd.s32 $0xFFFFE003, lr  }
0x1b: {  	s9 =	sadd.s32 $0xFFFFFEF7, lr;
	s5 =	simm.s32 $0xFFFFFFFF;
	p2 =	slt.u32 s8, $0xFFFFF086  }
0x1c: {  	p1 =	slt.u32 s9, $0xF7A;
	s5 =	simm.s32 @!p2 $0x0  }
0x1d: {  	s5 =	simm.s32 @p1 $0x1;
	p0 =	seq.s32 s7, s2  }
0x1e: {  	s7 =	smul.u32 @!p0 $0xF7A, s2;
	p2 =	seq.s32 @!p0 s5, $0x0  }
0x1f: {  	s9 =	smul.u32 $0xF7A, s1;
	s8 =	simm.s32 @!p0 $0x1BF5;
	p2 =	por !p2, p0  }
0x20: {  	[sflag:s8] =	ssyncset.s32 @!p0 $0xFFFFF086;
	s6 =	sadd.s32 @!p0 s3, s7;
	s7 =	simm.s32 @!p0 $0x108  }
0x21: {  	s3 =	sadd.s32 s3, s9;
	s6 =	sadd.s32 @!p0 $0x88, s6;
	s7 =	simm.s32 @p2 $0x1082  }
0x22: {  	[simem:s7], [sflag:s8] =	dma.local @!p0 [hbm:s6], $0xF7A  }
0x23: {  	s9 =	sor.u32 $0xD0000000, s2;
	s6 =	simm.s32 $0x108;
	_ =	swait.ge @!p0 [sflag:s8], $0x0  }
0x24: {  	s3 =	sadd.s32 $0x88, s3;
	s6 =	simm.s32 @!p1 $0x1082;
	[sflag:s4] =	ssyncset.s32 $0xFFFFF086  }
0x25: {  	[simem:s6], [sflag:s4] =	dma.local [hbm:s3], $0xF7A  }
0x26: {  	[smem:$0x3F97] =	sst s1;
	(tag) =	ssettag s2;
	_ =	strace s9  }
0x27: {  	s1 =	sld [smem:$0x3FA7]  }
0x28: {  	s2 =	sld [smem:$0x3FA8]  }
0x29: {  	s4 =	sld [smem:$0x3FAA]  }
0x2a: {  	p0 =	seq.s32 s5, $0x0;
	s5 =	sld [smem:$0x3FAB]  }
0x2b: {  	s6 =	sld [smem:$0x3FAC]  }
0x2c: {  	s7 =	sld [smem:$0x3FAD]  }
0x2d: {  	s3 =	simm.s32 $0x108;
	s8 =	sld [smem:$0x3FAE]  }
0x2e: {  	s3 =	simm.s32 @!p0 $0x1082;
	s9 =	sld [smem:$0x3FAF]  }
0x2f: {  	lr =	sadd.s32 s0, s3;
	s0 =	sld [smem:$0x3FA6]  }
0x30: {  	s3 =	sld [smem:$0x3FA9]  }
0x31: {  	[smem:$0x3FB2] =	sst s10  }
0x32: {  	s10 =	sld [smem:$0x3FB0];
	_ =	sdelay $0x3  }
0x33: {  	p0 =	seq.s32 s10, $0x1;
	s10 =	sld [smem:$0x3FB2];
	_ =	sdelay $0x3  }
0x34: {  	[smem:$0x3FB2] =	sst s10  }
0x35: {  	s10 =	sld [smem:$0x3FB1];
	_ =	sdelay $0x3  }
0x36: {  	p1 =	seq.s32 s10, $0x1;
	s10 =	sld [smem:$0x3FB2];
	_ =	sdelay $0x3  }
0x37: {  	[smem:$0x3FB2] =	sst s10  }
0x38: {  	s10 =	sld [smem:$0x3FB3]  }
0x39: {  	_ = 	snop;
	(pc) =	sbr.ind lr, $3  }
0x3a: {  	_ = 	snop  }
0x3b: {  	_ = 	snop  }
0x3c: {  	p2 =	seq.s32 s10, $0x1;
	s10 =	sld [smem:$0x3FB2]  }
0x3d: {  	_ =	shalt  }
0x3e: {  	_ =	shalt  }
0x3f: {  	_ =	shalt  }
0x40: {  	_ =	shalt  }
0x41: {  	_ =	shalt  }
0x42: {  	_ =	shalt  }
0x43: {  	_ =	shalt  }
0x44: {  	_ =	shalt  }
0x45: {  	_ =	shalt  }
0x46: {  	_ =	shalt  }
0x47: {  	_ =	shalt  }
0x48: {  	_ =	shalt  }
0x49: {  	_ =	shalt  }
0x4a: {  	_ =	shalt  }
0x4b: {  	_ =	shalt  }
0x4c: {  	_ =	shalt  }
0x4d: {  	_ =	shalt  }
0x4e: {  	_ =	shalt  }
0x4f: {  	_ =	shalt  }
0x50: {  	_ =	shalt  }
0x51: {  	_ =	shalt  }
0x52: {  	_ =	shalt  }
0x53: {  	_ =	shalt  }
0x54: {  	_ =	shalt  }
0x55: {  	_ =	shalt  }
0x56: {  	_ =	shalt  }
0x57: {  	_ =	shalt  }
0x58: {  	_ =	shalt  }
0x59: {  	_ =	shalt  }
0x5a: {  	_ =	shalt  }
0x5b: {  	_ =	shalt  }
0x5c: {  	_ =	shalt  }
0x5d: {  	_ =	shalt  }
0x5e: {  	_ =	shalt  }
0x5f: {  	_ =	shalt  }
0x60: {  	_ =	shalt  }
0x61: {  	_ =	shalt  }
0x62: {  	_ =	shalt  }
0x63: {  	_ =	shalt  }
0x64: {  	_ =	shalt  }
0x65: {  	_ =	shalt  }
0x66: {  	_ =	shalt  }
0x67: {  	_ =	shalt  }
0x68: {  	_ =	shalt  }
0x69: {  	_ =	shalt  }
0x6a: {  	_ =	shalt  }
0x6b: {  	_ =	shalt  }
0x6c: {  	_ =	shalt  }
0x6d: {  	_ =	shalt  }
0x6e: {  	_ =	shalt  }
0x6f: {  	_ =	shalt  }
0x70: {  	_ =	shalt  }
0x71: {  	_ =	shalt  }
0x72: {  	_ =	shalt  }
0x73: {  	_ =	shalt  }
0x74: {  	_ =	shalt  }
0x75: {  	_ =	shalt  }
0x76: {  	_ =	shalt  }
0x77: {  	_ =	shalt  }
0x78: {  	_ =	shalt  }
0x79: {  	_ =	shalt  }
0x7a: {  	_ =	shalt  }
0x7b: {  	_ =	shalt  }
0x7c: {  	_ =	shalt  }
0x7d: {  	_ =	shalt  }
0x7e: {  	_ =	shalt  }
0x7f: {  	_ =	shalt  }
0x80: {  	_ =	shalt  }
0x81: {  	_ =	shalt  }
0x82: {  	_ =	shalt  }
0x83: {  	_ =	shalt  }
0x84: {  	_ =	shalt  }
0x85: {  	_ =	shalt  }
0x86: {  	_ =	shalt  }
0x87: {  	_ =	shalt  }
.Lfunc_end0:
.L_simem_size_0:
called_computation.1_lowered:
.L_overlay_start_0:
0x88: {  	s2 =	sld [smem:$0x3FD9]  }
0x89: {  	s3 =	sld [smem:$0x3FFE];
	_ =	sdelay $0x1  }
0x8a: {  	s1 =	srdreg.scid  }
0x8b: {  	s0 =	sand.u32 $0x1, s1  }
0x8c: {  	s17 =	sshll.u32 s0, $0xA;
	s2 =	sadd.s32 s3, s2  }
0x8d: {  	s2 =	sadd.s32 s2, s17  }
0x8e: {  	[smem:$0x3FBE] =	sst s2  }
0x8f: {  	_ = 	snop  }
0x90: {  	s2 =	sld [smem:$0x3FD0];
	(tm) =	ssettm $0x1  }
0x91: {  	s18 =	sld [smem:$0x3FFB];
	_ =	sdelay $0x3  }
0x92: {  	_ =	strace s18  }
0x93: {  	s3 =	sld [smem:$0x3FFC];
	_ =	sdelay $0x3  }
0x94: {  	_ =	strace s3  }
0x95: {  	s3 =	sld [smem:$0x3FFD];
	_ =	sdelay $0x3  }
0x96: {  	_ =	strace s3  }
0x97: {  	_ =	strace $0x8FFFFFFF  }
0x98: {  	s19 =	sld [smem:$0x3FDB];
	_ =	sdelay $0x1  }
0x99: {  	s4 =	simm.s32 $_scs_section_size  }
0x9a: {  	s5 =	simm.s32 $_size__tile_overlayer_lowered;
	s6 =	simm.s32 $_tile_overlayer_lowered  }
0x9b: {  	s22 =	simm.s32 $0x1BFF;
	s21 =	sshll.u32 s6, $0x1;
	s3 =	sadd.s32 s4, s19  }
0x9c: {  	s7 =	simm.s32 $0x0;
	s20 =	sshll.u32 s5, $0x1;
	s5 =	sadd.s32 s21, s3  }
0x9d: {  	[timem:s7], [sflag:s22] =	dma.local [hbm:s5], s20  }
0x9e: {  	_ =	swait.ge [sflag:s22], s20  }
0x9f: {  	s4 =	ssub.s32 $0x0, s20;
	[sflag:s22] =	ssyncset.done $0x0  }
0xa0: {  	[sflag:s22] =	ssyncadd.s32 s4;
	_ =	sdelay $0x1  }
0xa1: {  	s23 =	simm.s32 $0x1B8B  }
0xa2: {  	_ =	swait.ge [sflag:s23], $0x1  }
0xa3: {  	[sflag:s23] =	ssyncset.done $0x0  }
0xa4: {  	s25 =	simm.s32 $0x1B8E;
	s24 =	sld [smem:$0x3FFE];
	[sflag:s23] =	ssyncadd.s32 $0xFFFFFFFF  }
0xa5: {  	s26 =	simm.s32 $execute0_lowered;
	[smem:$0x3FD2] =	sst s25  }
0xa6: {  	s5 =	sshll.u32 s26, $0x1;
	_ =	strace $0x80000049;
	[dreg:$0x1] =	wrdreg $0xFFFFFFFF  }
0xa7: {  	s28 =	simm.s32 $_size_execute0_lowered;
	s3 =	sadd.s32 s3, s5;
	[dreg:$0x0] =	wrdreg $0x0  }
0xa8: {  	s5 =	sshll.u32 s28, $0x1;
	[dreg:$0x2] =	wrdreg s3  }
0xa9: {  	[dreg:$0x3] =	wrdreg s5  }
0xaa: {  	[dreg:$0x4] =	wrdreg $0xC0  }
0xab: {  	_ =	task [dreg:s7], $0x5FFFF  }
0xac: {  	[dreg:$0x1] =	wrdreg $0xFFFFFFFF  }
0xad: {  	[dreg:$0x0] =	wrdreg $0x60  }
0xae: {  	[dreg:$0x2] =	wrdreg s24  }
0xaf: {  	[dreg:$0x3] =	wrdreg s2  }
0xb0: {  	[dreg:$0x4] =	wrdreg $0x0  }
0xb1: {  	[dreg:$0x5] =	wrdreg $0xAFF00  }
0xb2: {  	[dreg:$0x6] =	wrdreg $0x9  }
0xb3: {  	_ =	task.clear_ibuf [dreg:s7], $0x7FFFF;
	_ =	strace $0x90000049  }
0xb4: {  	s29 =	simm.s32 $0x9;
	_ =	strace $0x8000004B  }
0xb5: {  	_ =	swait.ge [sflag:s29], $0x1  }
0xb6: {  	[sflag:s29] =	ssyncadd.s32 $0xFFFFFFFF  }
0xb7: {  	_ =	strace $0x9000004B  }
0xb8: {  	_ =	sfence  }
0xb9: {  	s30 =	sld [smem:$0x0];
	_ =	sdelay $0x2  }
0xba: {  	s31 =	sshll.u32 s1, $0xD;
	s1 =	sshrl.u32 s1, $0x2  }
0xbb: {  	s3 =	sand.u32 $0x4000, s31;
	s1 =	sadd.s32 s1, s30  }
0xbc: {  	s0 =	sor.u32 s3, s0;
	s1 =	sshll.u32 s1, $0x11  }
0xbd: {  	s0 =	sor.u32 s1, s0  }
0xbe: {  	s0 =	sadd.s32 $0x8F2B, s0  }
0xbf: {  	[sflag:s0] =	ssyncadd.remote.s32 $0x1  }
0xc0: {  	_ =	sfence.sel $0xFFFF  }
0xc1: {  	[dreg:$0x0] =	wrdreg $0xFFFFFFFF;
	(pc) =	sbr.abs _section_cstart, $3  }
0xc2: {  	[dreg:$0x1] =	wrdreg $0xFFFFFFFF  }
0xc3: {  	_ =	task.clear_ibuf [dreg:s7], $0x2FFFF;
	_ =	strace $0x9FFFFFFF  }
0xc4: {  	(tm) =	ssettm $0x7FFFFFFF  }
0xc5: {  	_ =	shalt  }
tec
execute0_lowered:
.L_overlay_start_1:
0x0: {  	(tag) =	ssettag $0x1  }
0x1: {  	s0 =	rddreg [dreg:$0x0]  }
0x2: {  	s2 =	rddreg [dreg:$0x1]  }
0x3: {  	s1 =	rddreg [dreg:$0x2]  }
0x4: {  	s4 =	srdreg.scid;
	s3 =	rddreg [dreg:$0x3]  }
0x5: {  	s17 =	stileid.u32;
	s7 =	simm.s32 $0x0;
	s28 =	simm.s32 $0x116C8  }
0x6: {  	s29 =	simm.s32 $0x131C8;
	s30 =	simm.s32 $0x1;
	s6 =	smul.u32 $0x2780, s17  }
0x7: {  	s31 =	simm.s32 $0x3;
	s4 =	sand.u32 $0x1, s4;
	s11 =	smul.u32 $0x2C700, s17  }
0x8: {  	[smem:$0x7FF] =	sst s7;
	s18 =	sadd.s32 $0x55800, s0;
	s13 =	smul.u32 $0x9E00, s17  }
0x9: {  	s7 =	sadd.s32 $0x55A00, s0;
	s14 =	sadd.s32 $0x58200, s0;
	s20 =	smul.u32 $0x13C00, s17  }
0xa: {  	s16 =	sadd.s32 $0x25080, s3;
	p0 =	seq.s32 s17, $0xF;
	s5 =	sshll.u32 s4, $0x4  }
0xb: {  	_ =	strace $0x8000004A;
	[dreg:$0x5] =	wrdreg s18;
	s10 =	ssub.s32 $0x2, s4  }
0xc: {  	s4 =	smul.u32 $0x138C00, s4;
	s5 =	sor.u32 s17, s5;
	s6 =	sadd.s32 s6, s0  }
0xd: {  	s12 =	sshrl.u32 s10, $0x1;
	s11 =	sshrl.u32 s11, $0x2;
	s19 =	sshrl.u32 s13, $0x2  }
0xe: {  	s13 =	sadd.s32 $0xA6A40, s1;
	s8 =	smul.u32 $0x276, s5;
	s5 =	sadd.s32 $0x7400, s0  }
0xf: {  	s10 =	ssub.s32 s10, s12;
	s11 =	sadd.s32 s11, s1;
	s12 =	sadd.s32 s19, s3  }
0x10: {  	s6 =	sadd.s32 $0x2E600, s6;
	s22 =	sadd.s32 s20, s4;
	s23 =	sshrl.u32 s4, $0x3  }
0x11: {  	s15 =	sshrl.u32 @p0 s13, $0x3;
	[dreg:$0x6] =	wrdreg s6;
	s26 =	smax.u32 s10, $0x1  }
0x12: {  	s18 =	sshrl.u32 @!p0 s11, $0x3;
	s6 =	simm.s32 $0x4;
	s10 =	simm.s32 $0x5  }
0x13: {  	s11 =	simm.s32 $0x0;
	s9 =	sadd.s32 s8, s0;
	s0 =	sadd.s32 $0x53680, s0  }
0x14: {  	s21 =	sadd.s32 s2, s8;
	s2 =	sadd.s32 s14, s23;
	[dreg:$0xc] =	wrdreg s26  }
0x15: {  	s26 =	simm.s32 $0x12EC8;
	s23 =	simm.s32 $0x2;
	[dreg:$0x7] =	wrdreg s0  }
0x16: {  	s8 =	simm.s32 $0xFE98;
	[dreg:$0x8] =	wrdreg s21;
	s24 =	sadd.s32 $0x2400, s9  }
0x17: {  	s0 =	sshrl.u32 s22, $0x3;
	s25 =	sadd.s32 $0x25080, s2;
	[dreg:$0x9] =	wrdreg s24  }
0x18: {  	s2 =	sshrl.u32 @p0 s16, $0x3;
	s21 =	simm.s32 $0x7;
	[dreg:$0xb] =	wrdreg s25  }
0x19: {  	s9 =	simm.s32 $0x14248;
	s0 =	sadd.s32 s14, s0;
	[dreg:$0xd] =	wrdreg s2  }
0x1a: {  	s24 =	simm.s32 $0x30;
	[dreg:$0xa] =	wrdreg s0;
	s0 =	sshll.u32 @!p0 s17, $0x6  }
0x1b: {  	s25 =	simm.s32 $0xFEC8;
	s17 =	sor.u32 @!p0 $0x1C07, s0;
	s0 =	sshrl.u32 @!p0 s12, $0x3  }
0x1c: {  	s2 =	simm.s32 $0x134C8;
	[dreg:$0xe] =	wrdreg s0;
	s0 =	simm.s32 $0xFE68  }
.LBB2_1:
0x1d: {  	s4 =	simm.s32 @p0 $0x1  }
0x1e: {  	s12 =	simm.s32 @p0 $0x9;
	s13 =	simm.s32 @p0 $0x10;
	s14 =	simm.s32 @p0 $0x1FC7  }
0x1f: {  	[spmem:s15@s12], [sflag:s14] =	dma.strided @p0 [hbm:s7@s13], $0x1248, s4, $0x9   }
0x20: {  	s12 =	simm.s32 @p0 $0x7  }
0x21: {  	_ =	swait.ge @p0 [sflag:s12], $0x1248  }
0x22: {  	[sflag:s12] =	ssyncset.done @p0 $0x0;
	s19 =	rddreg [dreg:$0x7]  }
0x23: {  	s16 =	simm.s32 @p0 $0x2;
	s20 =	rddreg [dreg:$0xd];
	[sflag:s12] =	ssyncadd.s32 @p0 $0xFFFFEDB8  }
0x24: {  	[spmem:s20@s16], [sflag:s14] =	dma.strided @p0 [hbm:s19@s13], $0x410, s4, $0x2   }
0x25: {  	_ =	swait.ge @p0 [sflag:s12], $0x410  }
0x26: {  	s4 =	simm.s32 @!p0 $0x1;
	[sflag:s12] =	ssyncset.done @p0 $0x0  }
0x27: {  	s13 =	simm.s32 @!p0 $0x10;
	[sflag:s12] =	ssyncadd.s32 @p0 $0xFFFFFBF0;
	s12 =	simm.s32 @!p0 $0x9  }
0x28: {  	[spmem:s18@s12], [sflag:s17] =	dma.strided @!p0 [hbm:s7@s13], $0x1638, s4, $0x9   }
0x29: {  	s12 =	simm.s32 @!p0 $0x7  }
0x2a: {  	_ =	swait.ge @!p0 [sflag:s12], $0x1638  }
0x2b: {  	[sflag:s12] =	ssyncset.done @!p0 $0x0;
	s16 =	rddreg [dreg:$0x6]  }
0x2c: {  	s14 =	simm.s32 @!p0 $0x2;
	s19 =	rddreg [dreg:$0xe];
	[sflag:s12] =	ssyncadd.s32 @!p0 $0xFFFFE9C8  }
0x2d: {  	[spmem:s19@s14], [sflag:s17] =	dma.strided @!p0 [hbm:s16@s13], $0x4F0, s4, $0x2   }
0x2e: {  	_ =	swait.ge @!p0 [sflag:s12], $0x4F0  }
0x2f: {  	s4 =	simm.s32 $0x0;
	[sflag:s12] =	ssyncset.done @!p0 $0x0  }
0x30: {  	s14 =	simm.s32 $0xD708;
	s13 =	rddreg [dreg:$0x8];
	[sflag:s12] =	ssyncadd.s32 @!p0 $0xFFFFFB10  }
0x31: {  	[tilespmem:s14], [sflag:$0x7] =	stream.linear.gather [hbm4b:s13+s4], $0x13B0, $0x38;
	[tilespmem:$0x14FD8] =	vst v63  }
0x32: {  	_ =	swait.ge [sflag:s21], $0x13B0  }
0x33: {  	[sflag:s21] =	ssyncset.done $0x0  }
0x34: {  	s19 =	simm.s32 $0xEAB8;
	s16 =	rddreg [dreg:$0x9];
	[sflag:s21] =	ssyncadd.s32 $0xFFFFEC50  }
0x35: {  	[tilespmem:s19], [sflag:$0x7] =	stream.linear.gather [hbm4b:s16+s4], $0x13B0, $0x38;
	[tilespmem:$0x14FD8] =	vst v63  }
0x36: {  	_ =	swait.ge [sflag:s21], $0x13B0  }
0x37: {  	[sflag:s21] =	ssyncset.done $0x0  }
0x38: {  	s22 =	simm.s32 $0x14FC8;
	s20 =	rddreg [dreg:$0x5];
	[sflag:s21] =	ssyncadd.s32 $0xFFFFEC50  }
0x39: {  	[tilespmem:s22], [sflag:$0x7] =	stream.linear.gather [hbm4b:s20+s4], $0x10, $0x38;
	[tilespmem:$0x14FD8] =	vst v63  }
0x3a: {  	_ =	swait.ge [sflag:s21], $0x10  }
0x3b: {  	[sflag:s21] =	ssyncset.done $0x0  }
0x3c: {  	[sflag:s21] =	ssyncadd.s32 $0xFFFFFFF0  }
0x3d: {  	[bflag:$0x0] =	sbarrier.arrive $0xFFFF  }
0x3e: {  	v0 =	vld [tilespmem:$0x14FC8];
	[tilespmem:s25], [sflag:$0x1] =	stream.indirect.gather [hbm4b:s5+s24], $0x80, s14, s24, $0xb8  }
0x3f: {  	s22 =	simm.s32 $0x0  }
0x40: {  	[tilespmem:s26], [sflag:$0x3] =	stream.indirect.gather [spmem:s3], $0x10, s19, s24, $0xb8;
	[tilespmem:$0x14FD8] =	vst v63  }
.LBB2_2:
0x41: {  	s12 =	smul.u32 $0x60, s22;
	_ =	sdelay $0x1  }
0x42: {  	s4 =	sadd.s32 $0xD738, s12  }
0x43: {  	[tilespmem:s28], [sflag:$0x2] =	stream.indirect.gather [hbm4b:s5+s24], $0x80, s4, s24, $0xb8;
	[tilespmem:$0x14FD8] =	vst v63  }
0x44: {  	s19 =	sadd.s32 $0xEAE8, s12  }
0x45: {  	[tilespmem:s29], [sflag:$0x4] =	stream.indirect.gather [spmem:s3], $0x10, s19, s24, $0xb8;
	[tilespmem:$0x14FD8] =	vst v63  }
0x46: {  	_ =	swait.ge [sflag:s30], $0x1800  }
0x47: {  	[sflag:s30] =	ssyncset.done $0x0  }
0x48: {  	[sflag:s30] =	ssyncadd.s32 $0xFFFFE800  }
0x49: {  	_ =	swait.ge [sflag:s31], $0x300  }
0x4a: {  	p1 =	seq.s32 s22, $0x0;
	[sflag:s31] =	ssyncset.done $0x0  }
0x4b: {  	s4 =	simm.s32 @!p1 $0x5;
	[sflag:s31] =	ssyncadd.s32 $0xFFFFFD00  }
0x4c: {  	_ =	swait.ge @!p1 [sflag:s4], $0xD80  }
0x4d: {  	[sflag:s4] =	ssyncset.done @!p1 $0x0  }
0x4e: {  	s14 =	simm.s32 $0xFF48;
	[sflag:s4] =	ssyncadd.s32 @!p1 $0xFFFFF280  }
0x4f: {  	s20 =	simm.s32 $0x10;
	v1 =	vld [tilespmem:s14+$0xFFFFFFC0]  }
0x50: {  	v2 =	vld [tilespmem:s20+$0x12EB8];
	_ =	sdelay $0x4  }
0x51: {  	v1 =	vadd.f32 v2, v1;
	v2 =	vadd.f32 v2, v0;
	_ =	sdelay $0x1  }
0x52: {  	v3 =	vmul.f32 $2.000000030e-01, v1;
	v4 =	vmul.f32 $2.000000030e-01, v2  }
0x53: {  	vm0 =	vge.f32 v1, $0.0e+00;
	vm1 =	vge.f32 v2, $0.0e+00  }
0x54: {  	v1 =	vsel vm0, v1, v3;
	v2 =	vsel vm1, v2, v4  }
0x55: {  	v1 =	vsub.f32 v1, v2;
	_ =	sdelay $0x1  }
0x56: {  	v1 =	vmul.f32 $1.442695020e+00, v1;
	_ =	sdelay $0x1  }
0x57: {  	(erf) = vpow2.f32 v1;
	_ =	sdelay $0x8  }
0x58: {  	s16 =	simm.s32 $0x13510;
	v1 =	vpop (erf)  }
0x59: {  	[tilespmem:s16+$0xFFFFFFF0] =	vst v1  }
0x5a: {  	v2 =	vld [tilespmem:s14+$0xFFFFFF80];
	_ =	sdelay $0x4  }
0x5b: {  	v2 =	vmul.f32 v1, v2;
	_ =	sdelay $0x1  }
0x5c: {  	[tilespmem:s16+$0xFFFFFFB8] =	vst v2  }
0x5d: {  	v2 =	vld [tilespmem:s14+$0xFFFFFF90];
	_ =	sdelay $0x4  }
0x5e: {  	v2 =	vmul.f32 v1, v2;
	_ =	sdelay $0x1  }
0x5f: {  	[tilespmem:s16+$0xFFFFFFC8] =	vst v2  }
0x60: {  	v2 =	vld [tilespmem:s14+$0xFFFFFFA0];
	_ =	sdelay $0x4  }
0x61: {  	v2 =	vmul.f32 v1, v2;
	_ =	sdelay $0x1  }
0x62: {  	[tilespmem:s16+$0xFFFFFFD8] =	vst v2  }
0x63: {  	v2 =	vld [tilespmem:s14+$0xFFFFFFB0];
	_ =	sdelay $0x4  }
0x64: {  	v1 =	vmul.f32 v2, v1;
	_ =	sdelay $0x1  }
0x65: {  	[tilespmem:s16+$0xFFFFFFE8] =	vst v1  }
0x66: {  	v1 =	vld [tilespmem:s14+$0x40]  }
0x67: {  	v2 =	vld [tilespmem:s20+$0x12EC8];
	_ =	sdelay $0x4  }
0x68: {  	v1 =	vadd.f32 v2, v1;
	v2 =	vadd.f32 v2, v0;
	_ =	sdelay $0x1  }
0x69: {  	v3 =	vmul.f32 $2.000000030e-01, v1;
	v63 =	vmul.f32 $2.000000030e-01, v2  }
0x6a: {  	vm14 =	vge.f32 v1, $0.0e+00;
	vm15 =	vge.f32 v2, $0.0e+00  }
0x6b: {  	v1 =	vsel vm14, v1, v3;
	v2 =	vsel vm15, v2, v63  }
0x6c: {  	v1 =	vsub.f32 v1, v2;
	_ =	sdelay $0x1  }
0x6d: {  	v1 =	vmul.f32 $1.442695020e+00, v1;
	_ =	sdelay $0x1  }
0x6e: {  	(erf) = vpow2.f32 v1;
	_ =	sdelay $0x8  }
0x6f: {  	v1 =	vpop (erf)  }
0x70: {  	[tilespmem:s16+$0x38] =	vst v1  }
0x71: {  	v2 =	vld [tilespmem:s14+$0x0];
	_ =	sdelay $0x4  }
0x72: {  	v2 =	vmul.f32 v1, v2;
	_ =	sdelay $0x1  }
0x73: {  	[tilespmem:s16+$0x0] =	vst v2  }
0x74: {  	v2 =	vld [tilespmem:s14+$0x10];
	_ =	sdelay $0x4  }
0x75: {  	v2 =	vmul.f32 v1, v2;
	_ =	sdelay $0x1  }
0x76: {  	[tilespmem:s16+$0x10] =	vst v2  }
0x77: {  	v2 =	vld [tilespmem:s14+$0x20];
	_ =	sdelay $0x4  }
0x78: {  	v2 =	vmul.f32 v1, v2;
	_ =	sdelay $0x1  }
0x79: {  	[tilespmem:s16+$0x20] =	vst v2  }
0x7a: {  	v2 =	vld [tilespmem:s14+$0x30];
	_ =	sdelay $0x4  }
0x7b: {  	s13 =	sadd.s32 $0x30, s12;
	s19 =	simm.s32 $0xC0;
	s4 =	simm.s32 $0x13510;
	v1 =	vmul.f32 v2, v1  }
.LBB2_3:
0x7c: {  	p2 =	sne.s32 s19, $0xBC0;
	s14 =	sadd.s32 $0x100, s14;
	s16 =	sadd.s32 $0x90, s16  }
0x7d: {  	s20 =	smov.u32 s19;
	s19 =	sadd.s32 $0x80, s19;
	[tilespmem:s4+$0x30] =	vst v1;
	s4 =	smov.u32 s16  }
0x7e: {  	s20 =	sshra.s32 s20, $0x2;
	v1 =	vld [tilespmem:s14+$0xFFFFFFC0]  }
0x7f: {  	v2 =	vld [tilespmem:s20+$0x12EB8];
	_ =	sdelay $0x4  }
0x80: {  	v1 =	vadd.f32 v2, v1;
	v2 =	vadd.f32 v2, v0;
	_ =	sdelay $0x1  }
0x81: {  	v3 =	vmul.f32 $2.000000030e-01, v1;
	v4 =	vmul.f32 $2.000000030e-01, v2  }
0x82: {  	vm0 =	vge.f32 v1, $0.0e+00;
	vm1 =	vge.f32 v2, $0.0e+00  }
0x83: {  	v1 =	vsel vm0, v1, v3;
	v2 =	vsel vm1, v2, v4  }
0x84: {  	v1 =	vsub.f32 v1, v2;
	_ =	sdelay $0x1  }
0x85: {  	v1 =	vmul.f32 $1.442695020e+00, v1;
	_ =	sdelay $0x1  }
0x86: {  	(erf) = vpow2.f32 v1;
	_ =	sdelay $0x8  }
0x87: {  	v1 =	vpop (erf)  }
0x88: {  	[tilespmem:s16+$0xFFFFFFF0] =	vst v1  }
0x89: {  	v2 =	vld [tilespmem:s14+$0xFFFFFF80];
	_ =	sdelay $0x4  }
0x8a: {  	v2 =	vmul.f32 v1, v2;
	_ =	sdelay $0x1  }
0x8b: {  	[tilespmem:s16+$0xFFFFFFB8] =	vst v2  }
0x8c: {  	v2 =	vld [tilespmem:s14+$0xFFFFFF90];
	_ =	sdelay $0x4  }
0x8d: {  	v2 =	vmul.f32 v1, v2;
	_ =	sdelay $0x1  }
0x8e: {  	[tilespmem:s16+$0xFFFFFFC8] =	vst v2  }
0x8f: {  	v2 =	vld [tilespmem:s14+$0xFFFFFFA0];
	_ =	sdelay $0x4  }
0x90: {  	v2 =	vmul.f32 v1, v2;
	_ =	sdelay $0x1  }
0x91: {  	[tilespmem:s16+$0xFFFFFFD8] =	vst v2  }
0x92: {  	v2 =	vld [tilespmem:s14+$0xFFFFFFB0];
	_ =	sdelay $0x4  }
0x93: {  	v1 =	vmul.f32 v2, v1;
	_ =	sdelay $0x1  }
0x94: {  	[tilespmem:s16+$0xFFFFFFE8] =	vst v1  }
0x95: {  	v1 =	vld [tilespmem:s14+$0x40]  }
0x96: {  	v2 =	vld [tilespmem:s20+$0x12EC8];
	_ =	sdelay $0x4  }
0x97: {  	v1 =	vadd.f32 v2, v1;
	v2 =	vadd.f32 v2, v0;
	_ =	sdelay $0x1  }
0x98: {  	vm0 =	vge.f32 v1, $0.0e+00;
	v3 =	vmul.f32 $2.000000030e-01, v1;
	v4 =	vmul.f32 $2.000000030e-01, v2  }
0x99: {  	vm1 =	vge.f32 v2, $0.0e+00  }
0x9a: {  	v1 =	vsel vm0, v1, v3;
	v2 =	vsel vm1, v2, v4  }
0x9b: {  	v1 =	vsub.f32 v1, v2;
	_ =	sdelay $0x1  }
0x9c: {  	v1 =	vmul.f32 $1.442695020e+00, v1;
	_ =	sdelay $0x1  }
0x9d: {  	(erf) = vpow2.f32 v1;
	_ =	sdelay $0x8  }
0x9e: {  	v1 =	vpop (erf)  }
0x9f: {  	[tilespmem:s16+$0x38] =	vst v1  }
0xa0: {  	v2 =	vld [tilespmem:s14+$0x0];
	_ =	sdelay $0x4  }
0xa1: {  	v2 =	vmul.f32 v1, v2;
	_ =	sdelay $0x1  }
0xa2: {  	[tilespmem:s16+$0x0] =	vst v2  }
0xa3: {  	v2 =	vld [tilespmem:s14+$0x10];
	_ =	sdelay $0x4  }
0xa4: {  	v2 =	vmul.f32 v1, v2;
	_ =	sdelay $0x1  }
0xa5: {  	[tilespmem:s16+$0x10] =	vst v2  }
0xa6: {  	v2 =	vld [tilespmem:s14+$0x20];
	_ =	sdelay $0x4  }
0xa7: {  	v2 =	vmul.f32 v1, v2;
	_ =	sdelay $0x1  }
0xa8: {  	[tilespmem:s16+$0x20] =	vst v2  }
0xa9: {  	v2 =	vld [tilespmem:s14+$0x30]  }
.Ltmp0:
0xaa: {  	(pc) =	sbr.rel @p2 .LBB2_3-.Ltmp0, $2  }
0xab: {  	_ =	sdelay $0x2  }
0xac: {  	v1 =	vmul.f32 v2, v1  }
0xad: {  	_ = 	snop  }
0xae: {  	[tilespmem:s4+$0x30] =	vst v1  }
0xaf: {  	v1 =	vld [tilespmem:s12+$0xEAB8];
	_ =	sdelay $0x4  }
0xb0: {  	[tilespmem:$0xFE68] =	vst v1  }
0xb1: {  	v1 =	vld [tilespmem:s12+$0xEAC8];
	_ =	sdelay $0x4  }
0xb2: {  	[tilespmem:$0xFE78] =	vst v1  }
0xb3: {  	v1 =	vld [tilespmem:s12+$0xEAD8];
	_ =	sdelay $0x4  }
0xb4: {  	[tilespmem:$0xFE88] =	vst v1  }
0xb5: {  	[spmem:s1] =	stream.indirect.scatter.add.f32 [tilespmem:s2], [sflag:$0x5], $0x48, s0, s24, $0xb8;
	[tilespmem:$0x14FD8] =	vst v63  }
0xb6: {  	s16 =	sadd.s32 $0xD768, s12  }
0xb7: {  	[tilespmem:s25], [sflag:$0x1] =	stream.indirect.gather [hbm4b:s5+s24], $0x80, s16, s24, $0xb8;
	[tilespmem:$0x14FD8] =	vst v63  }
0xb8: {  	s19 =	sadd.s32 $0xEB18, s12  }
0xb9: {  	[tilespmem:s26], [sflag:$0x3] =	stream.indirect.gather [spmem:s3], $0x10, s19, s24, $0xb8;
	[tilespmem:$0x14FD8] =	vst v63  }
0xba: {  	_ =	swait.ge [sflag:s23], $0x1800  }
0xbb: {  	[sflag:s23] =	ssyncset.done $0x0  }
0xbc: {  	[sflag:s23] =	ssyncadd.s32 $0xFFFFE800  }
0xbd: {  	_ =	swait.ge [sflag:s6], $0x300  }
0xbe: {  	[sflag:s6] =	ssyncset.done $0x0  }
0xbf: {  	s4 =	simm.s32 @!p1 $0x6;
	[sflag:s6] =	ssyncadd.s32 $0xFFFFFD00  }
0xc0: {  	_ =	swait.ge @!p1 [sflag:s4], $0xD80  }
0xc1: {  	[sflag:s4] =	ssyncset.done @!p1 $0x0  }
0xc2: {  	s14 =	simm.s32 $0x11748;
	[sflag:s4] =	ssyncadd.s32 @!p1 $0xFFFFF280  }
0xc3: {  	s20 =	simm.s32 $0x10;
	v1 =	vld [tilespmem:s14+$0xFFFFFFC0]  }
0xc4: {  	v2 =	vld [tilespmem:s20+$0x131B8];
	_ =	sdelay $0x4  }
0xc5: {  	v1 =	vadd.f32 v2, v1;
	v2 =	vadd.f32 v2, v0;
	_ =	sdelay $0x1  }
0xc6: {  	v3 =	vmul.f32 $2.000000030e-01, v1;
	v4 =	vmul.f32 $2.000000030e-01, v2  }
0xc7: {  	vm0 =	vge.f32 v1, $0.0e+00;
	vm1 =	vge.f32 v2, $0.0e+00  }
0xc8: {  	v1 =	vsel vm0, v1, v3;
	v2 =	vsel vm1, v2, v4  }
0xc9: {  	v1 =	vsub.f32 v1, v2;
	_ =	sdelay $0x1  }
0xca: {  	v1 =	vmul.f32 $1.442695020e+00, v1;
	_ =	sdelay $0x1  }
0xcb: {  	(erf) = vpow2.f32 v1;
	_ =	sdelay $0x8  }
0xcc: {  	s16 =	simm.s32 $0x14290;
	v1 =	vpop (erf)  }
0xcd: {  	[tilespmem:s16+$0xFFFFFFF0] =	vst v1  }
0xce: {  	v2 =	vld [tilespmem:s14+$0xFFFFFF80];
	_ =	sdelay $0x4  }
0xcf: {  	v2 =	vmul.f32 v1, v2;
	_ =	sdelay $0x1  }
0xd0: {  	[tilespmem:s16+$0xFFFFFFB8] =	vst v2  }
0xd1: {  	v2 =	vld [tilespmem:s14+$0xFFFFFF90];
	_ =	sdelay $0x4  }
0xd2: {  	v2 =	vmul.f32 v1, v2;
	_ =	sdelay $0x1  }
0xd3: {  	[tilespmem:s16+$0xFFFFFFC8] =	vst v2  }
0xd4: {  	v2 =	vld [tilespmem:s14+$0xFFFFFFA0];
	_ =	sdelay $0x4  }
0xd5: {  	v2 =	vmul.f32 v1, v2;
	_ =	sdelay $0x1  }
0xd6: {  	[tilespmem:s16+$0xFFFFFFD8] =	vst v2  }
0xd7: {  	v2 =	vld [tilespmem:s14+$0xFFFFFFB0];
	_ =	sdelay $0x4  }
0xd8: {  	v1 =	vmul.f32 v2, v1;
	_ =	sdelay $0x1  }
0xd9: {  	[tilespmem:s16+$0xFFFFFFE8] =	vst v1  }
0xda: {  	v1 =	vld [tilespmem:s14+$0x40]  }
0xdb: {  	v2 =	vld [tilespmem:s20+$0x131C8];
	_ =	sdelay $0x4  }
0xdc: {  	v1 =	vadd.f32 v2, v1;
	v2 =	vadd.f32 v2, v0;
	_ =	sdelay $0x1  }
0xdd: {  	v3 =	vmul.f32 $2.000000030e-01, v1;
	v63 =	vmul.f32 $2.000000030e-01, v2  }
0xde: {  	vm14 =	vge.f32 v1, $0.0e+00;
	vm15 =	vge.f32 v2, $0.0e+00  }
0xdf: {  	v1 =	vsel vm14, v1, v3;
	v2 =	vsel vm15, v2, v63  }
0xe0: {  	v1 =	vsub.f32 v1, v2;
	_ =	sdelay $0x1  }
0xe1: {  	v1 =	vmul.f32 $1.442695020e+00, v1;
	_ =	sdelay $0x1  }
0xe2: {  	(erf) = vpow2.f32 v1;
	_ =	sdelay $0x8  }
0xe3: {  	v1 =	vpop (erf)  }
0xe4: {  	[tilespmem:s16+$0x38] =	vst v1  }
0xe5: {  	v2 =	vld [tilespmem:s14+$0x0];
	_ =	sdelay $0x4  }
0xe6: {  	v2 =	vmul.f32 v1, v2;
	_ =	sdelay $0x1  }
0xe7: {  	[tilespmem:s16+$0x0] =	vst v2  }
0xe8: {  	v2 =	vld [tilespmem:s14+$0x10];
	_ =	sdelay $0x4  }
0xe9: {  	v2 =	vmul.f32 v1, v2;
	_ =	sdelay $0x1  }
0xea: {  	[tilespmem:s16+$0x10] =	vst v2  }
0xeb: {  	v2 =	vld [tilespmem:s14+$0x20];
	_ =	sdelay $0x4  }
0xec: {  	v2 =	vmul.f32 v1, v2;
	_ =	sdelay $0x1  }
0xed: {  	[tilespmem:s16+$0x20] =	vst v2  }
0xee: {  	v2 =	vld [tilespmem:s14+$0x30];
	_ =	sdelay $0x4  }
0xef: {  	s19 =	simm.s32 $0xC0;
	s4 =	simm.s32 $0x14290;
	v1 =	vmul.f32 v2, v1  }
.LBB2_5:
0xf0: {  	p1 =	sne.s32 s19, $0xBC0;
	s14 =	sadd.s32 $0x100, s14;
	s16 =	sadd.s32 $0x90, s16  }
0xf1: {  	s20 =	smov.u32 s19;
	s19 =	sadd.s32 $0x80, s19;
	[tilespmem:s4+$0x30] =	vst v1;
	s4 =	smov.u32 s16  }
0xf2: {  	s20 =	sshra.s32 s20, $0x2;
	v1 =	vld [tilespmem:s14+$0xFFFFFFC0]  }
0xf3: {  	v2 =	vld [tilespmem:s20+$0x131B8];
	_ =	sdelay $0x4  }
0xf4: {  	v1 =	vadd.f32 v2, v1;
	v2 =	vadd.f32 v2, v0;
	_ =	sdelay $0x1  }
0xf5: {  	v3 =	vmul.f32 $2.000000030e-01, v1;
	v4 =	vmul.f32 $2.000000030e-01, v2  }
0xf6: {  	vm0 =	vge.f32 v1, $0.0e+00;
	vm1 =	vge.f32 v2, $0.0e+00  }
0xf7: {  	v1 =	vsel vm0, v1, v3;
	v2 =	vsel vm1, v2, v4  }
0xf8: {  	v1 =	vsub.f32 v1, v2;
	_ =	sdelay $0x1  }
0xf9: {  	v1 =	vmul.f32 $1.442695020e+00, v1;
	_ =	sdelay $0x1  }
0xfa: {  	(erf) = vpow2.f32 v1;
	_ =	sdelay $0x8  }
0xfb: {  	v1 =	vpop (erf)  }
0xfc: {  	[tilespmem:s16+$0xFFFFFFF0] =	vst v1  }
0xfd: {  	v2 =	vld [tilespmem:s14+$0xFFFFFF80];
	_ =	sdelay $0x4  }
0xfe: {  	v2 =	vmul.f32 v1, v2;
	_ =	sdelay $0x1  }
0xff: {  	[tilespmem:s16+$0xFFFFFFB8] =	vst v2  }
0x100: {  	v2 =	vld [tilespmem:s14+$0xFFFFFF90];
	_ =	sdelay $0x4  }
0x101: {  	v2 =	vmul.f32 v1, v2;
	_ =	sdelay $0x1  }
0x102: {  	[tilespmem:s16+$0xFFFFFFC8] =	vst v2  }
0x103: {  	v2 =	vld [tilespmem:s14+$0xFFFFFFA0];
	_ =	sdelay $0x4  }
0x104: {  	v2 =	vmul.f32 v1, v2;
	_ =	sdelay $0x1  }
0x105: {  	[tilespmem:s16+$0xFFFFFFD8] =	vst v2  }
0x106: {  	v2 =	vld [tilespmem:s14+$0xFFFFFFB0];
	_ =	sdelay $0x4  }
0x107: {  	v1 =	vmul.f32 v2, v1;
	_ =	sdelay $0x1  }
0x108: {  	[tilespmem:s16+$0xFFFFFFE8] =	vst v1  }
0x109: {  	v1 =	vld [tilespmem:s14+$0x40]  }
0x10a: {  	v2 =	vld [tilespmem:s20+$0x131C8];
	_ =	sdelay $0x4  }
0x10b: {  	v1 =	vadd.f32 v2, v1;
	v2 =	vadd.f32 v2, v0;
	_ =	sdelay $0x1  }
0x10c: {  	vm0 =	vge.f32 v1, $0.0e+00;
	v3 =	vmul.f32 $2.000000030e-01, v1;
	v4 =	vmul.f32 $2.000000030e-01, v2  }
0x10d: {  	vm1 =	vge.f32 v2, $0.0e+00  }
0x10e: {  	v1 =	vsel vm0, v1, v3;
	v2 =	vsel vm1, v2, v4  }
0x10f: {  	v1 =	vsub.f32 v1, v2;
	_ =	sdelay $0x1  }
0x110: {  	v1 =	vmul.f32 $1.442695020e+00, v1;
	_ =	sdelay $0x1  }
0x111: {  	(erf) = vpow2.f32 v1;
	_ =	sdelay $0x8  }
0x112: {  	v1 =	vpop (erf)  }
0x113: {  	[tilespmem:s16+$0x38] =	vst v1  }
0x114: {  	v2 =	vld [tilespmem:s14+$0x0];
	_ =	sdelay $0x4  }
0x115: {  	v2 =	vmul.f32 v1, v2;
	_ =	sdelay $0x1  }
0x116: {  	[tilespmem:s16+$0x0] =	vst v2  }
0x117: {  	v2 =	vld [tilespmem:s14+$0x10];
	_ =	sdelay $0x4  }
0x118: {  	v2 =	vmul.f32 v1, v2;
	_ =	sdelay $0x1  }
0x119: {  	[tilespmem:s16+$0x10] =	vst v2  }
0x11a: {  	v2 =	vld [tilespmem:s14+$0x20];
	_ =	sdelay $0x4  }
0x11b: {  	v2 =	vmul.f32 v1, v2;
	_ =	sdelay $0x1  }
0x11c: {  	[tilespmem:s16+$0x20] =	vst v2  }
0x11d: {  	v2 =	vld [tilespmem:s14+$0x30]  }
.Ltmp1:
0x11e: {  	(pc) =	sbr.rel @p1 .LBB2_5-.Ltmp1, $2  }
0x11f: {  	_ =	sdelay $0x2  }
0x120: {  	v1 =	vmul.f32 v2, v1  }
0x121: {  	_ = 	snop  }
0x122: {  	[tilespmem:s4+$0x30] =	vst v1  }
0x123: {  	v1 =	vld [tilespmem:s13+$0xEAB8];
	_ =	sdelay $0x4  }
0x124: {  	[tilespmem:$0xFE98] =	vst v1  }
0x125: {  	v1 =	vld [tilespmem:s12+$0xEAF8];
	_ =	sdelay $0x4  }
0x126: {  	[tilespmem:$0xFEA8] =	vst v1  }
0x127: {  	s22 =	sadd.s32 $0x1, s22;
	v1 =	vld [tilespmem:s12+$0xEB08]  }
0x128: {  	p1 =	sne.s32 s22, $0x34  }
.Ltmp2:
0x129: {  	_ = 	snop;
	(pc) =	sbr.rel @p1 .LBB2_2-.Ltmp2, $3  }
0x12a: {  	_ =	sdelay $0x1  }
0x12b: {  	[tilespmem:$0xFEB8] =	vst v1  }
0x12c: {  	[spmem:s1] =	stream.indirect.scatter.add.f32 [tilespmem:s9], [sflag:$0x6], $0x48, s8, s24, $0xb8;
	[tilespmem:$0x14FD8] =	vst v63  }
0x12d: {  	_ =	swait.ge [sflag:s30], $0x1800  }
0x12e: {  	[sflag:s30] =	ssyncset.done $0x0  }
0x12f: {  	[sflag:s30] =	ssyncadd.s32 $0xFFFFE800  }
0x130: {  	_ =	swait.ge [sflag:s31], $0x300  }
0x131: {  	[sflag:s31] =	ssyncset.done $0x0  }
0x132: {  	[sflag:s31] =	ssyncadd.s32 $0xFFFFFD00  }
0x133: {  	_ =	swait.ge [sflag:s10], $0xD80  }
0x134: {  	[sflag:s10] =	ssyncset.done $0x0  }
0x135: {  	s12 =	simm.s32 $0xFF48;
	[sflag:s10] =	ssyncadd.s32 $0xFFFFF280  }
0x136: {  	s4 =	simm.s32 $0x10;
	v1 =	vld [tilespmem:s12+$0xFFFFFFC0]  }
0x137: {  	v2 =	vld [tilespmem:s4+$0x12EB8];
	_ =	sdelay $0x4  }
0x138: {  	v1 =	vadd.f32 v2, v1;
	v2 =	vadd.f32 v2, v0;
	_ =	sdelay $0x1  }
0x139: {  	v3 =	vmul.f32 $2.000000030e-01, v1;
	v4 =	vmul.f32 $2.000000030e-01, v2  }
0x13a: {  	vm0 =	vge.f32 v1, $0.0e+00;
	vm1 =	vge.f32 v2, $0.0e+00  }
0x13b: {  	v1 =	vsel vm0, v1, v3;
	v2 =	vsel vm1, v2, v4  }
0x13c: {  	v1 =	vsub.f32 v1, v2;
	_ =	sdelay $0x1  }
0x13d: {  	v1 =	vmul.f32 $1.442695020e+00, v1;
	_ =	sdelay $0x1  }
0x13e: {  	(erf) = vpow2.f32 v1;
	_ =	sdelay $0x8  }
0x13f: {  	s13 =	simm.s32 $0x13510;
	v1 =	vpop (erf)  }
0x140: {  	[tilespmem:s13+$0xFFFFFFF0] =	vst v1  }
0x141: {  	v2 =	vld [tilespmem:s12+$0xFFFFFF80];
	_ =	sdelay $0x4  }
0x142: {  	v2 =	vmul.f32 v1, v2;
	_ =	sdelay $0x1  }
0x143: {  	[tilespmem:s13+$0xFFFFFFB8] =	vst v2  }
0x144: {  	v2 =	vld [tilespmem:s12+$0xFFFFFF90];
	_ =	sdelay $0x4  }
0x145: {  	v2 =	vmul.f32 v1, v2;
	_ =	sdelay $0x1  }
0x146: {  	[tilespmem:s13+$0xFFFFFFC8] =	vst v2  }
0x147: {  	v2 =	vld [tilespmem:s12+$0xFFFFFFA0];
	_ =	sdelay $0x4  }
0x148: {  	v2 =	vmul.f32 v1, v2;
	_ =	sdelay $0x1  }
0x149: {  	[tilespmem:s13+$0xFFFFFFD8] =	vst v2  }
0x14a: {  	v2 =	vld [tilespmem:s12+$0xFFFFFFB0];
	_ =	sdelay $0x4  }
0x14b: {  	v1 =	vmul.f32 v2, v1;
	_ =	sdelay $0x1  }
0x14c: {  	[tilespmem:s13+$0xFFFFFFE8] =	vst v1  }
0x14d: {  	v1 =	vld [tilespmem:s12+$0x40]  }
0x14e: {  	v2 =	vld [tilespmem:s4+$0x12EC8];
	_ =	sdelay $0x4  }
0x14f: {  	v1 =	vadd.f32 v2, v1;
	v2 =	vadd.f32 v2, v0;
	_ =	sdelay $0x1  }
0x150: {  	v3 =	vmul.f32 $2.000000030e-01, v1;
	v63 =	vmul.f32 $2.000000030e-01, v2  }
0x151: {  	vm14 =	vge.f32 v1, $0.0e+00;
	vm15 =	vge.f32 v2, $0.0e+00  }
0x152: {  	v1 =	vsel vm14, v1, v3;
	v2 =	vsel vm15, v2, v63  }
0x153: {  	v1 =	vsub.f32 v1, v2;
	_ =	sdelay $0x1  }
0x154: {  	v1 =	vmul.f32 $1.442695020e+00, v1;
	_ =	sdelay $0x1  }
0x155: {  	(erf) = vpow2.f32 v1;
	_ =	sdelay $0x8  }
0x156: {  	v1 =	vpop (erf)  }
0x157: {  	[tilespmem:s13+$0x38] =	vst v1  }
0x158: {  	v2 =	vld [tilespmem:s12+$0x0];
	_ =	sdelay $0x4  }
0x159: {  	v2 =	vmul.f32 v1, v2;
	_ =	sdelay $0x1  }
0x15a: {  	[tilespmem:s13+$0x0] =	vst v2  }
0x15b: {  	v2 =	vld [tilespmem:s12+$0x10];
	_ =	sdelay $0x4  }
0x15c: {  	v2 =	vmul.f32 v1, v2;
	_ =	sdelay $0x1  }
0x15d: {  	[tilespmem:s13+$0x10] =	vst v2  }
0x15e: {  	v2 =	vld [tilespmem:s12+$0x20];
	_ =	sdelay $0x4  }
0x15f: {  	v2 =	vmul.f32 v1, v2;
	_ =	sdelay $0x1  }
0x160: {  	[tilespmem:s13+$0x20] =	vst v2  }
0x161: {  	v2 =	vld [tilespmem:s12+$0x30];
	_ =	sdelay $0x4  }
0x162: {  	s14 =	simm.s32 $0xC0;
	s4 =	simm.s32 $0x13510;
	v1 =	vmul.f32 v2, v1  }
.LBB2_8:
0x163: {  	p1 =	sne.s32 s14, $0xBC0;
	s12 =	sadd.s32 $0x100, s12;
	s13 =	sadd.s32 $0x90, s13  }
0x164: {  	s16 =	smov.u32 s14;
	s14 =	sadd.s32 $0x80, s14;
	[tilespmem:s4+$0x30] =	vst v1;
	s4 =	smov.u32 s13  }
0x165: {  	s16 =	sshra.s32 s16, $0x2;
	v1 =	vld [tilespmem:s12+$0xFFFFFFC0]  }
0x166: {  	v2 =	vld [tilespmem:s16+$0x12EB8];
	_ =	sdelay $0x4  }
0x167: {  	v1 =	vadd.f32 v2, v1;
	v2 =	vadd.f32 v2, v0;
	_ =	sdelay $0x1  }
0x168: {  	v3 =	vmul.f32 $2.000000030e-01, v1;
	v4 =	vmul.f32 $2.000000030e-01, v2  }
0x169: {  	vm0 =	vge.f32 v1, $0.0e+00;
	vm1 =	vge.f32 v2, $0.0e+00  }
0x16a: {  	v1 =	vsel vm0, v1, v3;
	v2 =	vsel vm1, v2, v4  }
0x16b: {  	v1 =	vsub.f32 v1, v2;
	_ =	sdelay $0x1  }
0x16c: {  	v1 =	vmul.f32 $1.442695020e+00, v1;
	_ =	sdelay $0x1  }
0x16d: {  	(erf) = vpow2.f32 v1;
	_ =	sdelay $0x8  }
0x16e: {  	v1 =	vpop (erf)  }
0x16f: {  	[tilespmem:s13+$0xFFFFFFF0] =	vst v1  }
0x170: {  	v2 =	vld [tilespmem:s12+$0xFFFFFF80];
	_ =	sdelay $0x4  }
0x171: {  	v2 =	vmul.f32 v1, v2;
	_ =	sdelay $0x1  }
0x172: {  	[tilespmem:s13+$0xFFFFFFB8] =	vst v2  }
0x173: {  	v2 =	vld [tilespmem:s12+$0xFFFFFF90];
	_ =	sdelay $0x4  }
0x174: {  	v2 =	vmul.f32 v1, v2;
	_ =	sdelay $0x1  }
0x175: {  	[tilespmem:s13+$0xFFFFFFC8] =	vst v2  }
0x176: {  	v2 =	vld [tilespmem:s12+$0xFFFFFFA0];
	_ =	sdelay $0x4  }
0x177: {  	v2 =	vmul.f32 v1, v2;
	_ =	sdelay $0x1  }
0x178: {  	[tilespmem:s13+$0xFFFFFFD8] =	vst v2  }
0x179: {  	v2 =	vld [tilespmem:s12+$0xFFFFFFB0];
	_ =	sdelay $0x4  }
0x17a: {  	v1 =	vmul.f32 v2, v1;
	_ =	sdelay $0x1  }
0x17b: {  	[tilespmem:s13+$0xFFFFFFE8] =	vst v1  }
0x17c: {  	v1 =	vld [tilespmem:s12+$0x40]  }
0x17d: {  	v2 =	vld [tilespmem:s16+$0x12EC8];
	_ =	sdelay $0x4  }
0x17e: {  	v1 =	vadd.f32 v2, v1;
	v2 =	vadd.f32 v2, v0;
	_ =	sdelay $0x1  }
0x17f: {  	vm0 =	vge.f32 v1, $0.0e+00;
	v3 =	vmul.f32 $2.000000030e-01, v1;
	v4 =	vmul.f32 $2.000000030e-01, v2  }
0x180: {  	vm1 =	vge.f32 v2, $0.0e+00  }
0x181: {  	v1 =	vsel vm0, v1, v3;
	v2 =	vsel vm1, v2, v4  }
0x182: {  	v1 =	vsub.f32 v1, v2;
	_ =	sdelay $0x1  }
0x183: {  	v1 =	vmul.f32 $1.442695020e+00, v1;
	_ =	sdelay $0x1  }
0x184: {  	(erf) = vpow2.f32 v1;
	_ =	sdelay $0x8  }
0x185: {  	v1 =	vpop (erf)  }
0x186: {  	[tilespmem:s13+$0x38] =	vst v1  }
0x187: {  	v2 =	vld [tilespmem:s12+$0x0];
	_ =	sdelay $0x4  }
0x188: {  	v2 =	vmul.f32 v1, v2;
	_ =	sdelay $0x1  }
0x189: {  	[tilespmem:s13+$0x0] =	vst v2  }
0x18a: {  	v2 =	vld [tilespmem:s12+$0x10];
	_ =	sdelay $0x4  }
0x18b: {  	v2 =	vmul.f32 v1, v2;
	_ =	sdelay $0x1  }
0x18c: {  	[tilespmem:s13+$0x10] =	vst v2  }
0x18d: {  	v2 =	vld [tilespmem:s12+$0x20];
	_ =	sdelay $0x4  }
0x18e: {  	v2 =	vmul.f32 v1, v2;
	_ =	sdelay $0x1  }
0x18f: {  	[tilespmem:s13+$0x20] =	vst v2  }
0x190: {  	v2 =	vld [tilespmem:s12+$0x30]  }
.Ltmp3:
0x191: {  	(pc) =	sbr.rel @p1 .LBB2_8-.Ltmp3, $2  }
0x192: {  	_ =	sdelay $0x2  }
0x193: {  	v1 =	vmul.f32 v2, v1  }
0x194: {  	_ = 	snop  }
0x195: {  	[tilespmem:s4+$0x30] =	vst v1  }
0x196: {  	v0 =	vld [tilespmem:$0xFE38]  }
0x197: {  	v1 =	vld [tilespmem:$0xFE48]  }
0x198: {  	v2 =	vld [tilespmem:$0xFE58];
	_ =	sdelay $0x2  }
0x199: {  	[tilespmem:$0xFE68] =	vst v0  }
0x19a: {  	[tilespmem:$0xFE78] =	vst v1  }
0x19b: {  	s20 =	simm.s32 $0x6;
	[tilespmem:$0xFE88] =	vst v2  }
0x19c: {  	[spmem:s1] =	stream.indirect.scatter.add.f32 [tilespmem:s2], [sflag:$0x5], $0x48, s0, s24, $0xb8;
	[tilespmem:$0x14FD8] =	vst v63  }
0x19d: {  	_ =	swait.ge [sflag:s20], $0xD80  }
0x19e: {  	[sflag:s20] =	ssyncset.done $0x0  }
0x19f: {  	[sflag:s20] =	ssyncadd.s32 $0xFFFFF280  }
0x1a0: {  	_ =	swait.ge [sflag:s10], $0xD80  }
0x1a1: {  	[sflag:s10] =	ssyncset.done $0x0  }
0x1a2: {  	[sflag:s10] =	ssyncadd.s32 $0xFFFFF280  }
0x1a3: {  	s12 =	simm.s32 @p0 $0x10;
	s13 =	simm.s32 @p0 $0x9;
	[bflag:$0x0] =	sbarrier.arrive $0xFFFF  }
0x1a4: {  	s14 =	simm.s32 @p0 $0x1FC7;
	s4 =	simm.s32 @p0 $0x1;
	s16 =	rddreg [dreg:$0xb]  }
0x1a5: {  	[hbm:s16@s12], [sflag:s14] =	dma.strided @p0 [spmem:s15@s13], $0x1248, s4, $0x9   }
0x1a6: {  	s4 =	simm.s32 @p0 $0x7  }
0x1a7: {  	_ =	swait.ge @p0 [sflag:s4], $0x1248  }
0x1a8: {  	s12 =	simm.s32 @!p0 $0x10;
	s13 =	simm.s32 @!p0 $0x9;
	[sflag:s4] =	ssyncset.done @p0 $0x0  }
0x1a9: {  	s14 =	rddreg [dreg:$0xa];
	[sflag:s4] =	ssyncadd.s32 @p0 $0xFFFFEDB8;
	s4 =	simm.s32 @!p0 $0x1  }
0x1aa: {  	[hbm:s14@s12], [sflag:s17] =	dma.strided @!p0 [spmem:s18@s13], $0x1638, s4, $0x9   }
0x1ab: {  	s4 =	simm.s32 @!p0 $0x7  }
0x1ac: {  	_ =	swait.ge @!p0 [sflag:s4], $0x1638  }
0x1ad: {  	s11 =	sadd.s32 $0x1, s11;
	s22 =	rddreg [dreg:$0xc]  }
0x1ae: {  	p1 =	sne.s32 s11, s22  }
.Ltmp4:
0x1af: {  	_ = 	snop;
	(pc) =	sbr.rel @p1 .LBB2_1-.Ltmp4, $3  }
0x1b0: {  	_ =	sdelay $0x1  }
0x1b1: {  	[sflag:s4] =	ssyncset.done @!p0 $0x0  }
0x1b2: {  	[sflag:s4] =	ssyncadd.s32 @!p0 $0xFFFFE9C8  }
0x1b3: {  	_ =	sfence.sel $0x180000  }
0x1b4: {  	[bflag:$0x0] =	sbarrier.arrive $0xFFFF  }
0x1b5: {  	_ =	strace $0x9000004A  }
0x1b6: {  	s0 =	stileid.u32;
	[bflag:$0x2] =	sbarrier.arrive $0xFFFF  }
0x1b7: {  	p0 =	sne.s32 s0, $0x0;
	s0 =	rddreg [dreg:$0x4]  }
0x1b8: {  	s0 =	sadd.s32 @!p0 $0x100000, s0  }
0x1b9: {  	[sflag:s0] =	ssyncadd.tile.s32 @!p0 $0x1;
	_ =	shalt  }
.Lfunc_end2:
_tile_overlayer_lowered:
.L_overlay_start_2:
0x1ba: {  	(tag) =	ssettag $0x2  }
0x1bb: {  	s0 =	rddreg [dreg:$0x0];
	s2 =	stileid.u32  }
0x1bc: {  	s1 =	rddreg [dreg:$0x1];
	p0 =	sne.s32 s2, $0x0  }
0x1bd: {  	s3 =	rddreg [dreg:$0x2];
	[bflag:$0x3] =	sbarrier.arrive $0xFFFF;
	s2 =	simm.s32 @!p0 $0x1C07  }
0x1be: {  	[timem:s3], [sflag:s2] =	dma.local @!p0 [hbm:s0], s1  }
0x1bf: {  	s0 =	simm.s32 @!p0 $0x7  }
0x1c0: {  	_ =	swait.ge @!p0 [sflag:s0], s1  }
0x1c1: {  	s1 =	ssub.s32 @!p0 $0x0, s1;
	[sflag:s0] =	ssyncset.done @!p0 $0x0  }
0x1c2: {  	[sflag:s0] =	ssyncadd.s32 @!p0 s1  }
0x1c3: {  	[bflag:$0x3] =	sbarrier.arrive $0xFFFF  }
0x1c4: {  	_ =	shalt  }

// kernel: kernel.7.cloned.1.call-start
scs
__scs_entry_jumppad:
0x0: {  	(pc) =	sbr.rel $0x88, $3  }
0x1: {  	(tag) =	ssettag $0x0;
	lr =	simm.s32 $0x1  }
0x2: {  	[smem:$0x3F97] =	sst lr;
	_ =	strace $0xD0000000  }
0x3: {  	_ = 	snop  }
0x4: {  	_ = 	snop  }
0x5: {  	_ = 	snop  }
0x6: {  	_ = 	snop  }
0x7: {  	_ = 	snop  }
__scs_overlays_trampoline_lowered:
0x8: {  	[smem:$0x3FA6] =	sst s0  }
0x9: {  	[smem:$0x3FA7] =	sst s1  }
0xa: {  	[smem:$0x3FA8] =	sst s2  }
0xb: {  	[smem:$0x3FA9] =	sst s3  }
0xc: {  	[smem:$0x3FAA] =	sst s4  }
0xd: {  	[smem:$0x3FAB] =	sst s5  }
0xe: {  	[smem:$0x3FAC] =	sst s6  }
0xf: {  	[smem:$0x3FAD] =	sst s7  }
0x10: {  	[smem:$0x3FAE] =	sst s8  }
0x11: {  	[smem:$0x3FAF] =	sst s9;
	s0 =	simm.s32 @!p0 $0x0  }
0x12: {  	s1 =	sld [smem:$0x3F95];
	s0 =	simm.s32 @p0 $0x1  }
0x13: {  	[smem:$0x3FB0] =	sst s0;
	s0 =	simm.s32 @!p1 $0x0  }
0x14: {  	s2 =	sld [smem:$0x3F94];
	s0 =	simm.s32 @p1 $0x1  }
0x15: {  	[smem:$0x3FB1] =	sst s0;
	s0 =	simm.s32 @!p2 $0x0  }
0x16: {  	s3 =	sld [smem:$0x3FDB];
	s0 =	simm.s32 @p2 $0x1  }
0x17: {  	s4 =	simm.s32 $0x1BF5;
	[smem:$0x3FB3] =	sst s0  }
0x18: {  	s0 =	sld [smem:$0x3F96];
	_ =	swait.ge [sflag:s4], $0x0  }
0x19: {  	s7 =	sld [smem:$0x3F97]  }
0x1a: {  	s8 =	sadd.s32 $0xFFFFE003, lr  }
0x1b: {  	s9 =	sadd.s32 $0xFFFFFEF7, lr;
	s5 =	simm.s32 $0xFFFFFFFF;
	p2 =	slt.u32 s8, $0xFFFFF086  }
0x1c: {  	p1 =	slt.u32 s9, $0xF7A;
	s5 =	simm.s32 @!p2 $0x0  }
0x1d: {  	s5 =	simm.s32 @p1 $0x1;
	p0 =	seq.s32 s7, s2  }
0x1e: {  	s7 =	smul.u32 @!p0 $0xF7A, s2;
	p2 =	seq.s32 @!p0 s5, $0x0  }
0x1f: {  	s9 =	smul.u32 $0xF7A, s1;
	s8 =	simm.s32 @!p0 $0x1BF5;
	p2 =	por !p2, p0  }
0x20: {  	[sflag:s8] =	ssyncset.s32 @!p0 $0xFFFFF086;
	s6 =	sadd.s32 @!p0 s3, s7;
	s7 =	simm.s32 @!p0 $0x108  }
0x21: {  	s3 =	sadd.s32 s3, s9;
	s6 =	sadd.s32 @!p0 $0x88, s6;
	s7 =	simm.s32 @p2 $0x1082  }
0x22: {  	[simem:s7], [sflag:s8] =	dma.local @!p0 [hbm:s6], $0xF7A  }
0x23: {  	s9 =	sor.u32 $0xD0000000, s2;
	s6 =	simm.s32 $0x108;
	_ =	swait.ge @!p0 [sflag:s8], $0x0  }
0x24: {  	s3 =	sadd.s32 $0x88, s3;
	s6 =	simm.s32 @!p1 $0x1082;
	[sflag:s4] =	ssyncset.s32 $0xFFFFF086  }
0x25: {  	[simem:s6], [sflag:s4] =	dma.local [hbm:s3], $0xF7A  }
0x26: {  	[smem:$0x3F97] =	sst s1;
	(tag) =	ssettag s2;
	_ =	strace s9  }
0x27: {  	s1 =	sld [smem:$0x3FA7]  }
0x28: {  	s2 =	sld [smem:$0x3FA8]  }
0x29: {  	s4 =	sld [smem:$0x3FAA]  }
0x2a: {  	p0 =	seq.s32 s5, $0x0;
	s5 =	sld [smem:$0x3FAB]  }
0x2b: {  	s6 =	sld [smem:$0x3FAC]  }
0x2c: {  	s7 =	sld [smem:$0x3FAD]  }
0x2d: {  	s3 =	simm.s32 $0x108;
	s8 =	sld [smem:$0x3FAE]  }
0x2e: {  	s3 =	simm.s32 @!p0 $0x1082;
	s9 =	sld [smem:$0x3FAF]  }
0x2f: {  	lr =	sadd.s32 s0, s3;
	s0 =	sld [smem:$0x3FA6]  }
0x30: {  	s3 =	sld [smem:$0x3FA9]  }
0x31: {  	[smem:$0x3FB2] =	sst s10  }
0x32: {  	s10 =	sld [smem:$0x3FB0];
	_ =	sdelay $0x3  }
0x33: {  	p0 =	seq.s32 s10, $0x1;
	s10 =	sld [smem:$0x3FB2];
	_ =	sdelay $0x3  }
0x34: {  	[smem:$0x3FB2] =	sst s10  }
0x35: {  	s10 =	sld [smem:$0x3FB1];
	_ =	sdelay $0x3  }
0x36: {  	p1 =	seq.s32 s10, $0x1;
	s10 =	sld [smem:$0x3FB2];
	_ =	sdelay $0x3  }
0x37: {  	[smem:$0x3FB2] =	sst s10  }
0x38: {  	s10 =	sld [smem:$0x3FB3]  }
0x39: {  	_ = 	snop;
	(pc) =	sbr.ind lr, $3  }
0x3a: {  	_ = 	snop  }
0x3b: {  	_ = 	snop  }
0x3c: {  	p2 =	seq.s32 s10, $0x1;
	s10 =	sld [smem:$0x3FB2]  }
0x3d: {  	_ =	shalt  }
0x3e: {  	_ =	shalt  }
0x3f: {  	_ =	shalt  }
0x40: {  	_ =	shalt  }
0x41: {  	_ =	shalt  }
0x42: {  	_ =	shalt  }
0x43: {  	_ =	shalt  }
0x44: {  	_ =	shalt  }
0x45: {  	_ =	shalt  }
0x46: {  	_ =	shalt  }
0x47: {  	_ =	shalt  }
0x48: {  	_ =	shalt  }
0x49: {  	_ =	shalt  }
0x4a: {  	_ =	shalt  }
0x4b: {  	_ =	shalt  }
0x4c: {  	_ =	shalt  }
0x4d: {  	_ =	shalt  }
0x4e: {  	_ =	shalt  }
0x4f: {  	_ =	shalt  }
0x50: {  	_ =	shalt  }
0x51: {  	_ =	shalt  }
0x52: {  	_ =	shalt  }
0x53: {  	_ =	shalt  }
0x54: {  	_ =	shalt  }
0x55: {  	_ =	shalt  }
0x56: {  	_ =	shalt  }
0x57: {  	_ =	shalt  }
0x58: {  	_ =	shalt  }
0x59: {  	_ =	shalt  }
0x5a: {  	_ =	shalt  }
0x5b: {  	_ =	shalt  }
0x5c: {  	_ =	shalt  }
0x5d: {  	_ =	shalt  }
0x5e: {  	_ =	shalt  }
0x5f: {  	_ =	shalt  }
0x60: {  	_ =	shalt  }
0x61: {  	_ =	shalt  }
0x62: {  	_ =	shalt  }
0x63: {  	_ =	shalt  }
0x64: {  	_ =	shalt  }
0x65: {  	_ =	shalt  }
0x66: {  	_ =	shalt  }
0x67: {  	_ =	shalt  }
0x68: {  	_ =	shalt  }
0x69: {  	_ =	shalt  }
0x6a: {  	_ =	shalt  }
0x6b: {  	_ =	shalt  }
0x6c: {  	_ =	shalt  }
0x6d: {  	_ =	shalt  }
0x6e: {  	_ =	shalt  }
0x6f: {  	_ =	shalt  }
0x70: {  	_ =	shalt  }
0x71: {  	_ =	shalt  }
0x72: {  	_ =	shalt  }
0x73: {  	_ =	shalt  }
0x74: {  	_ =	shalt  }
0x75: {  	_ =	shalt  }
0x76: {  	_ =	shalt  }
0x77: {  	_ =	shalt  }
0x78: {  	_ =	shalt  }
0x79: {  	_ =	shalt  }
0x7a: {  	_ =	shalt  }
0x7b: {  	_ =	shalt  }
0x7c: {  	_ =	shalt  }
0x7d: {  	_ =	shalt  }
0x7e: {  	_ =	shalt  }
0x7f: {  	_ =	shalt  }
0x80: {  	_ =	shalt  }
0x81: {  	_ =	shalt  }
0x82: {  	_ =	shalt  }
0x83: {  	_ =	shalt  }
0x84: {  	_ =	shalt  }
0x85: {  	_ =	shalt  }
0x86: {  	_ =	shalt  }
0x87: {  	_ =	shalt  }
.Lfunc_end0:
.L_simem_size_0:
called_computation_lowered:
.L_overlay_start_0:
0x88: {  	s2 =	sld [smem:$0x3FD9]  }
0x89: {  	s3 =	sld [smem:$0x3FFE];
	_ =	sdelay $0x1  }
0x8a: {  	s1 =	srdreg.scid  }
0x8b: {  	s0 =	sand.u32 $0x1, s1  }
0x8c: {  	s17 =	sshll.u32 s0, $0xA;
	s2 =	sadd.s32 s3, s2  }
0x8d: {  	s2 =	sadd.s32 s2, s17  }
0x8e: {  	[smem:$0x3FBE] =	sst s2  }
0x8f: {  	_ = 	snop  }
0x90: {  	s2 =	sld [smem:$0x3FD0];
	(tm) =	ssettm $0x1  }
0x91: {  	s18 =	sld [smem:$0x3FFB];
	_ =	sdelay $0x3  }
0x92: {  	_ =	strace s18  }
0x93: {  	s3 =	sld [smem:$0x3FFC];
	_ =	sdelay $0x3  }
0x94: {  	_ =	strace s3  }
0x95: {  	s3 =	sld [smem:$0x3FFD];
	_ =	sdelay $0x3  }
0x96: {  	_ =	strace s3  }
0x97: {  	_ =	strace $0x8FFFFFFF  }
0x98: {  	s19 =	sld [smem:$0x3FDB];
	_ =	sdelay $0x1  }
0x99: {  	s4 =	simm.s32 $_scs_section_size  }
0x9a: {  	s5 =	simm.s32 $_size__tile_overlayer_lowered;
	s6 =	simm.s32 $_tile_overlayer_lowered  }
0x9b: {  	s22 =	simm.s32 $0x1BFF;
	s21 =	sshll.u32 s6, $0x1;
	s3 =	sadd.s32 s4, s19  }
0x9c: {  	s7 =	simm.s32 $0x0;
	s20 =	sshll.u32 s5, $0x1;
	s5 =	sadd.s32 s21, s3  }
0x9d: {  	[timem:s7], [sflag:s22] =	dma.local [hbm:s5], s20  }
0x9e: {  	_ =	swait.ge [sflag:s22], s20  }
0x9f: {  	s4 =	ssub.s32 $0x0, s20;
	[sflag:s22] =	ssyncset.done $0x0  }
0xa0: {  	[sflag:s22] =	ssyncadd.s32 s4;
	_ =	sdelay $0x1  }
0xa1: {  	s23 =	simm.s32 $0x1B8B  }
0xa2: {  	_ =	swait.ge [sflag:s23], $0x1  }
0xa3: {  	[sflag:s23] =	ssyncset.done $0x0  }
0xa4: {  	s25 =	simm.s32 $0x1B8E;
	s24 =	sld [smem:$0x3FFE];
	[sflag:s23] =	ssyncadd.s32 $0xFFFFFFFF  }
0xa5: {  	s26 =	simm.s32 $execute0_lowered;
	[smem:$0x3FD2] =	sst s25  }
0xa6: {  	s5 =	sshll.u32 s26, $0x1;
	_ =	strace $0x80000046;
	[dreg:$0x1] =	wrdreg $0xFFFFFFFF  }
0xa7: {  	s28 =	simm.s32 $_size_execute0_lowered;
	s3 =	sadd.s32 s3, s5;
	[dreg:$0x0] =	wrdreg $0x0  }
0xa8: {  	s5 =	sshll.u32 s28, $0x1;
	[dreg:$0x2] =	wrdreg s3  }
0xa9: {  	[dreg:$0x3] =	wrdreg s5  }
0xaa: {  	[dreg:$0x4] =	wrdreg $0xC0  }
0xab: {  	_ =	task [dreg:s7], $0x5FFFF  }
0xac: {  	[dreg:$0x1] =	wrdreg $0xFFFFFFFF  }
0xad: {  	[dreg:$0x0] =	wrdreg $0x60  }
0xae: {  	[dreg:$0x2] =	wrdreg s24  }
0xaf: {  	[dreg:$0x3] =	wrdreg s2  }
0xb0: {  	[dreg:$0x4] =	wrdreg $0x0  }
0xb1: {  	[dreg:$0x5] =	wrdreg $0xAFF00  }
0xb2: {  	[dreg:$0x6] =	wrdreg $0x9  }
0xb3: {  	_ =	task.clear_ibuf [dreg:s7], $0x7FFFF;
	_ =	strace $0x90000046  }
0xb4: {  	s29 =	simm.s32 $0x9;
	_ =	strace $0x80000048  }
0xb5: {  	_ =	swait.ge [sflag:s29], $0x1  }
0xb6: {  	[sflag:s29] =	ssyncadd.s32 $0xFFFFFFFF  }
0xb7: {  	_ =	strace $0x90000048  }
0xb8: {  	_ =	sfence  }
0xb9: {  	s30 =	sld [smem:$0x0];
	_ =	sdelay $0x2  }
0xba: {  	s31 =	sshll.u32 s1, $0xD;
	s1 =	sshrl.u32 s1, $0x2  }
0xbb: {  	s3 =	sand.u32 $0x4000, s31;
	s1 =	sadd.s32 s1, s30  }
0xbc: {  	s0 =	sor.u32 s3, s0;
	s1 =	sshll.u32 s1, $0x11  }
0xbd: {  	s0 =	sor.u32 s1, s0  }
0xbe: {  	s0 =	sadd.s32 $0x8F2B, s0  }
0xbf: {  	[sflag:s0] =	ssyncadd.remote.s32 $0x1  }
0xc0: {  	_ =	sfence.sel $0xFFFF  }
0xc1: {  	[dreg:$0x0] =	wrdreg $0xFFFFFFFF;
	(pc) =	sbr.abs _section_cstart, $3  }
0xc2: {  	[dreg:$0x1] =	wrdreg $0xFFFFFFFF  }
0xc3: {  	_ =	task.clear_ibuf [dreg:s7], $0x2FFFF;
	_ =	strace $0x9FFFFFFF  }
0xc4: {  	(tm) =	ssettm $0x7FFFFFFF  }
0xc5: {  	_ =	shalt  }
tec
execute0_lowered:
.L_overlay_start_1:
0x0: {  	(tag) =	ssettag $0x1  }
0x1: {  	s0 =	rddreg [dreg:$0x0]  }
0x2: {  	s2 =	rddreg [dreg:$0x1]  }
0x3: {  	s1 =	rddreg [dreg:$0x2]  }
0x4: {  	s4 =	srdreg.scid;
	s3 =	rddreg [dreg:$0x3]  }
0x5: {  	s17 =	stileid.u32;
	s7 =	simm.s32 $0x0;
	s28 =	simm.s32 $0x116C8  }
0x6: {  	s29 =	simm.s32 $0x131C8;
	s30 =	simm.s32 $0x1;
	s6 =	smul.u32 $0x2780, s17  }
0x7: {  	s31 =	simm.s32 $0x3;
	s4 =	sand.u32 $0x1, s4;
	s11 =	smul.u32 $0x2C700, s17  }
0x8: {  	[smem:$0x7FF] =	sst s7;
	s18 =	sadd.s32 $0x55800, s0;
	s13 =	smul.u32 $0x9E00, s17  }
0x9: {  	s7 =	sadd.s32 $0x55A00, s0;
	s14 =	sadd.s32 $0x58200, s0;
	s20 =	smul.u32 $0x13C00, s17  }
0xa: {  	s16 =	sadd.s32 $0x25080, s3;
	p0 =	seq.s32 s17, $0xF;
	s5 =	sshll.u32 s4, $0x4  }
0xb: {  	_ =	strace $0x80000047;
	[dreg:$0x5] =	wrdreg s18;
	s10 =	ssub.s32 $0x2, s4  }
0xc: {  	s4 =	smul.u32 $0x138C00, s4;
	s5 =	sor.u32 s17, s5;
	s6 =	sadd.s32 s6, s0  }
0xd: {  	s12 =	sshrl.u32 s10, $0x1;
	s11 =	sshrl.u32 s11, $0x2;
	s19 =	sshrl.u32 s13, $0x2  }
0xe: {  	s13 =	sadd.s32 $0xA6A40, s1;
	s8 =	smul.u32 $0x276, s5;
	s5 =	sadd.s32 $0x7400, s0  }
0xf: {  	s10 =	ssub.s32 s10, s12;
	s11 =	sadd.s32 s11, s1;
	s12 =	sadd.s32 s19, s3  }
0x10: {  	s6 =	sadd.s32 $0x2E600, s6;
	s22 =	sadd.s32 s20, s4;
	s23 =	sshrl.u32 s4, $0x3  }
0x11: {  	s15 =	sshrl.u32 @p0 s13, $0x3;
	[dreg:$0x6] =	wrdreg s6;
	s26 =	smax.u32 s10, $0x1  }
0x12: {  	s18 =	sshrl.u32 @!p0 s11, $0x3;
	s6 =	simm.s32 $0x4;
	s10 =	simm.s32 $0x5  }
0x13: {  	s11 =	simm.s32 $0x0;
	s9 =	sadd.s32 s8, s0;
	s0 =	sadd.s32 $0x53680, s0  }
0x14: {  	s21 =	sadd.s32 s2, s8;
	s2 =	sadd.s32 s14, s23;
	[dreg:$0xc] =	wrdreg s26  }
0x15: {  	s26 =	simm.s32 $0x12EC8;
	s23 =	simm.s32 $0x2;
	[dreg:$0x7] =	wrdreg s0  }
0x16: {  	s8 =	simm.s32 $0xFE98;
	[dreg:$0x8] =	wrdreg s21;
	s24 =	sadd.s32 $0x2400, s9  }
0x17: {  	s0 =	sshrl.u32 s22, $0x3;
	s25 =	sadd.s32 $0x25080, s2;
	[dreg:$0x9] =	wrdreg s24  }
0x18: {  	s2 =	sshrl.u32 @p0 s16, $0x3;
	s21 =	simm.s32 $0x7;
	[dreg:$0xb] =	wrdreg s25  }
0x19: {  	s9 =	simm.s32 $0x14248;
	s0 =	sadd.s32 s14, s0;
	[dreg:$0xd] =	wrdreg s2  }
0x1a: {  	s24 =	simm.s32 $0x30;
	[dreg:$0xa] =	wrdreg s0;
	s0 =	sshll.u32 @!p0 s17, $0x6  }
0x1b: {  	s25 =	simm.s32 $0xFEC8;
	s17 =	sor.u32 @!p0 $0x1C07, s0;
	s0 =	sshrl.u32 @!p0 s12, $0x3  }
0x1c: {  	s2 =	simm.s32 $0x134C8;
	[dreg:$0xe] =	wrdreg s0;
	s0 =	simm.s32 $0xFE68  }
.LBB2_1:
0x1d: {  	s4 =	simm.s32 @p0 $0x1  }
0x1e: {  	s12 =	simm.s32 @p0 $0x9;
	s13 =	simm.s32 @p0 $0x10;
	s14 =	simm.s32 @p0 $0x1FC7  }
0x1f: {  	[spmem:s15@s12], [sflag:s14] =	dma.strided @p0 [hbm:s7@s13], $0x1248, s4, $0x9   }
0x20: {  	s12 =	simm.s32 @p0 $0x7  }
0x21: {  	_ =	swait.ge @p0 [sflag:s12], $0x1248  }
0x22: {  	[sflag:s12] =	ssyncset.done @p0 $0x0;
	s19 =	rddreg [dreg:$0x7]  }
0x23: {  	s16 =	simm.s32 @p0 $0x2;
	s20 =	rddreg [dreg:$0xd];
	[sflag:s12] =	ssyncadd.s32 @p0 $0xFFFFEDB8  }
0x24: {  	[spmem:s20@s16], [sflag:s14] =	dma.strided @p0 [hbm:s19@s13], $0x410, s4, $0x2   }
0x25: {  	_ =	swait.ge @p0 [sflag:s12], $0x410  }
0x26: {  	s4 =	simm.s32 @!p0 $0x1;
	[sflag:s12] =	ssyncset.done @p0 $0x0  }
0x27: {  	s13 =	simm.s32 @!p0 $0x10;
	[sflag:s12] =	ssyncadd.s32 @p0 $0xFFFFFBF0;
	s12 =	simm.s32 @!p0 $0x9  }
0x28: {  	[spmem:s18@s12], [sflag:s17] =	dma.strided @!p0 [hbm:s7@s13], $0x1638, s4, $0x9   }
0x29: {  	s12 =	simm.s32 @!p0 $0x7  }
0x2a: {  	_ =	swait.ge @!p0 [sflag:s12], $0x1638  }
0x2b: {  	[sflag:s12] =	ssyncset.done @!p0 $0x0;
	s16 =	rddreg [dreg:$0x6]  }
0x2c: {  	s14 =	simm.s32 @!p0 $0x2;
	s19 =	rddreg [dreg:$0xe];
	[sflag:s12] =	ssyncadd.s32 @!p0 $0xFFFFE9C8  }
0x2d: {  	[spmem:s19@s14], [sflag:s17] =	dma.strided @!p0 [hbm:s16@s13], $0x4F0, s4, $0x2   }
0x2e: {  	_ =	swait.ge @!p0 [sflag:s12], $0x4F0  }
0x2f: {  	s4 =	simm.s32 $0x0;
	[sflag:s12] =	ssyncset.done @!p0 $0x0  }
0x30: {  	s14 =	simm.s32 $0xD708;
	s13 =	rddreg [dreg:$0x8];
	[sflag:s12] =	ssyncadd.s32 @!p0 $0xFFFFFB10  }
0x31: {  	[tilespmem:s14], [sflag:$0x7] =	stream.linear.gather [hbm4b:s13+s4], $0x13B0, $0x38;
	[tilespmem:$0x14FD8] =	vst v63  }
0x32: {  	_ =	swait.ge [sflag:s21], $0x13B0  }
0x33: {  	[sflag:s21] =	ssyncset.done $0x0  }
0x34: {  	s19 =	simm.s32 $0xEAB8;
	s16 =	rddreg [dreg:$0x9];
	[sflag:s21] =	ssyncadd.s32 $0xFFFFEC50  }
0x35: {  	[tilespmem:s19], [sflag:$0x7] =	stream.linear.gather [hbm4b:s16+s4], $0x13B0, $0x38;
	[tilespmem:$0x14FD8] =	vst v63  }
0x36: {  	_ =	swait.ge [sflag:s21], $0x13B0  }
0x37: {  	[sflag:s21] =	ssyncset.done $0x0  }
0x38: {  	s22 =	simm.s32 $0x14FC8;
	s20 =	rddreg [dreg:$0x5];
	[sflag:s21] =	ssyncadd.s32 $0xFFFFEC50  }
0x39: {  	[tilespmem:s22], [sflag:$0x7] =	stream.linear.gather [hbm4b:s20+s4], $0x10, $0x38;
	[tilespmem:$0x14FD8] =	vst v63  }
0x3a: {  	_ =	swait.ge [sflag:s21], $0x10  }
0x3b: {  	[sflag:s21] =	ssyncset.done $0x0  }
0x3c: {  	[sflag:s21] =	ssyncadd.s32 $0xFFFFFFF0  }
0x3d: {  	[bflag:$0x0] =	sbarrier.arrive $0xFFFF  }
0x3e: {  	v0 =	vld [tilespmem:$0x14FC8];
	[tilespmem:s25], [sflag:$0x1] =	stream.indirect.gather [hbm4b:s5+s24], $0x80, s14, s24, $0xb8  }
0x3f: {  	s22 =	simm.s32 $0x0  }
0x40: {  	[tilespmem:s26], [sflag:$0x3] =	stream.indirect.gather [spmem:s3], $0x10, s19, s24, $0xb8;
	[tilespmem:$0x14FD8] =	vst v63  }
.LBB2_2:
0x41: {  	s12 =	smul.u32 $0x60, s22;
	_ =	sdelay $0x1  }
0x42: {  	s4 =	sadd.s32 $0xD738, s12  }
0x43: {  	[tilespmem:s28], [sflag:$0x2] =	stream.indirect.gather [hbm4b:s5+s24], $0x80, s4, s24, $0xb8;
	[tilespmem:$0x14FD8] =	vst v63  }
0x44: {  	s19 =	sadd.s32 $0xEAE8, s12  }
0x45: {  	[tilespmem:s29], [sflag:$0x4] =	stream.indirect.gather [spmem:s3], $0x10, s19, s24, $0xb8;
	[tilespmem:$0x14FD8] =	vst v63  }
0x46: {  	_ =	swait.ge [sflag:s30], $0x1800  }
0x47: {  	[sflag:s30] =	ssyncset.done $0x0  }
0x48: {  	[sflag:s30] =	ssyncadd.s32 $0xFFFFE800  }
0x49: {  	_ =	swait.ge [sflag:s31], $0x300  }
0x4a: {  	p1 =	seq.s32 s22, $0x0;
	[sflag:s31] =	ssyncset.done $0x0  }
0x4b: {  	s4 =	simm.s32 @!p1 $0x5;
	[sflag:s31] =	ssyncadd.s32 $0xFFFFFD00  }
0x4c: {  	_ =	swait.ge @!p1 [sflag:s4], $0xD80  }
0x4d: {  	[sflag:s4] =	ssyncset.done @!p1 $0x0  }
0x4e: {  	s14 =	simm.s32 $0xFF48;
	[sflag:s4] =	ssyncadd.s32 @!p1 $0xFFFFF280  }
0x4f: {  	s20 =	simm.s32 $0x10;
	v1 =	vld [tilespmem:s14+$0xFFFFFFC0]  }
0x50: {  	v2 =	vld [tilespmem:s20+$0x12EB8];
	_ =	sdelay $0x4  }
0x51: {  	v1 =	vadd.f32 v2, v1;
	v2 =	vadd.f32 v2, v0;
	_ =	sdelay $0x1  }
0x52: {  	v3 =	vmul.f32 $2.000000030e-01, v1;
	v4 =	vmul.f32 $2.000000030e-01, v2  }
0x53: {  	vm0 =	vge.f32 v1, $0.0e+00;
	vm1 =	vge.f32 v2, $0.0e+00  }
0x54: {  	v1 =	vsel vm0, v1, v3;
	v2 =	vsel vm1, v2, v4  }
0x55: {  	v1 =	vsub.f32 v1, v2;
	_ =	sdelay $0x1  }
0x56: {  	v1 =	vmul.f32 $1.442695020e+00, v1;
	_ =	sdelay $0x1  }
0x57: {  	(erf) = vpow2.f32 v1;
	_ =	sdelay $0x8  }
0x58: {  	s16 =	simm.s32 $0x13510;
	v1 =	vpop (erf)  }
0x59: {  	[tilespmem:s16+$0xFFFFFFF0] =	vst v1  }
0x5a: {  	v2 =	vld [tilespmem:s14+$0xFFFFFF80];
	_ =	sdelay $0x4  }
0x5b: {  	v2 =	vmul.f32 v1, v2;
	_ =	sdelay $0x1  }
0x5c: {  	[tilespmem:s16+$0xFFFFFFB8] =	vst v2  }
0x5d: {  	v2 =	vld [tilespmem:s14+$0xFFFFFF90];
	_ =	sdelay $0x4  }
0x5e: {  	v2 =	vmul.f32 v1, v2;
	_ =	sdelay $0x1  }
0x5f: {  	[tilespmem:s16+$0xFFFFFFC8] =	vst v2  }
0x60: {  	v2 =	vld [tilespmem:s14+$0xFFFFFFA0];
	_ =	sdelay $0x4  }
0x61: {  	v2 =	vmul.f32 v1, v2;
	_ =	sdelay $0x1  }
0x62: {  	[tilespmem:s16+$0xFFFFFFD8] =	vst v2  }
0x63: {  	v2 =	vld [tilespmem:s14+$0xFFFFFFB0];
	_ =	sdelay $0x4  }
0x64: {  	v1 =	vmul.f32 v2, v1;
	_ =	sdelay $0x1  }
0x65: {  	[tilespmem:s16+$0xFFFFFFE8] =	vst v1  }
0x66: {  	v1 =	vld [tilespmem:s14+$0x40]  }
0x67: {  	v2 =	vld [tilespmem:s20+$0x12EC8];
	_ =	sdelay $0x4  }
0x68: {  	v1 =	vadd.f32 v2, v1;
	v2 =	vadd.f32 v2, v0;
	_ =	sdelay $0x1  }
0x69: {  	v3 =	vmul.f32 $2.000000030e-01, v1;
	v63 =	vmul.f32 $2.000000030e-01, v2  }
0x6a: {  	vm14 =	vge.f32 v1, $0.0e+00;
	vm15 =	vge.f32 v2, $0.0e+00  }
0x6b: {  	v1 =	vsel vm14, v1, v3;
	v2 =	vsel vm15, v2, v63  }
0x6c: {  	v1 =	vsub.f32 v1, v2;
	_ =	sdelay $0x1  }
0x6d: {  	v1 =	vmul.f32 $1.442695020e+00, v1;
	_ =	sdelay $0x1  }
0x6e: {  	(erf) = vpow2.f32 v1;
	_ =	sdelay $0x8  }
0x6f: {  	v1 =	vpop (erf)  }
0x70: {  	[tilespmem:s16+$0x38] =	vst v1  }
0x71: {  	v2 =	vld [tilespmem:s14+$0x0];
	_ =	sdelay $0x4  }
0x72: {  	v2 =	vmul.f32 v1, v2;
	_ =	sdelay $0x1  }
0x73: {  	[tilespmem:s16+$0x0] =	vst v2  }
0x74: {  	v2 =	vld [tilespmem:s14+$0x10];
	_ =	sdelay $0x4  }
0x75: {  	v2 =	vmul.f32 v1, v2;
	_ =	sdelay $0x1  }
0x76: {  	[tilespmem:s16+$0x10] =	vst v2  }
0x77: {  	v2 =	vld [tilespmem:s14+$0x20];
	_ =	sdelay $0x4  }
0x78: {  	v2 =	vmul.f32 v1, v2;
	_ =	sdelay $0x1  }
0x79: {  	[tilespmem:s16+$0x20] =	vst v2  }
0x7a: {  	v2 =	vld [tilespmem:s14+$0x30];
	_ =	sdelay $0x4  }
0x7b: {  	s13 =	sadd.s32 $0x30, s12;
	s19 =	simm.s32 $0xC0;
	s4 =	simm.s32 $0x13510;
	v1 =	vmul.f32 v2, v1  }
.LBB2_3:
0x7c: {  	p2 =	sne.s32 s19, $0xBC0;
	s14 =	sadd.s32 $0x100, s14;
	s16 =	sadd.s32 $0x90, s16  }
0x7d: {  	s20 =	smov.u32 s19;
	s19 =	sadd.s32 $0x80, s19;
	[tilespmem:s4+$0x30] =	vst v1;
	s4 =	smov.u32 s16  }
0x7e: {  	s20 =	sshra.s32 s20, $0x2;
	v1 =	vld [tilespmem:s14+$0xFFFFFFC0]  }
0x7f: {  	v2 =	vld [tilespmem:s20+$0x12EB8];
	_ =	sdelay $0x4  }
0x80: {  	v1 =	vadd.f32 v2, v1;
	v2 =	vadd.f32 v2, v0;
	_ =	sdelay $0x1  }
0x81: {  	v3 =	vmul.f32 $2.000000030e-01, v1;
	v4 =	vmul.f32 $2.000000030e-01, v2  }
0x82: {  	vm0 =	vge.f32 v1, $0.0e+00;
	vm1 =	vge.f32 v2, $0.0e+00  }
0x83: {  	v1 =	vsel vm0, v1, v3;
	v2 =	vsel vm1, v2, v4  }
0x84: {  	v1 =	vsub.f32 v1, v2;
	_ =	sdelay $0x1  }
0x85: {  	v1 =	vmul.f32 $1.442695020e+00, v1;
	_ =	sdelay $0x1  }
0x86: {  	(erf) = vpow2.f32 v1;
	_ =	sdelay $0x8  }
0x87: {  	v1 =	vpop (erf)  }
0x88: {  	[tilespmem:s16+$0xFFFFFFF0] =	vst v1  }
0x89: {  	v2 =	vld [tilespmem:s14+$0xFFFFFF80];
	_ =	sdelay $0x4  }
0x8a: {  	v2 =	vmul.f32 v1, v2;
	_ =	sdelay $0x1  }
0x8b: {  	[tilespmem:s16+$0xFFFFFFB8] =	vst v2  }
0x8c: {  	v2 =	vld [tilespmem:s14+$0xFFFFFF90];
	_ =	sdelay $0x4  }
0x8d: {  	v2 =	vmul.f32 v1, v2;
	_ =	sdelay $0x1  }
0x8e: {  	[tilespmem:s16+$0xFFFFFFC8] =	vst v2  }
0x8f: {  	v2 =	vld [tilespmem:s14+$0xFFFFFFA0];
	_ =	sdelay $0x4  }
0x90: {  	v2 =	vmul.f32 v1, v2;
	_ =	sdelay $0x1  }
0x91: {  	[tilespmem:s16+$0xFFFFFFD8] =	vst v2  }
0x92: {  	v2 =	vld [tilespmem:s14+$0xFFFFFFB0];
	_ =	sdelay $0x4  }
0x93: {  	v1 =	vmul.f32 v2, v1;
	_ =	sdelay $0x1  }
0x94: {  	[tilespmem:s16+$0xFFFFFFE8] =	vst v1  }
0x95: {  	v1 =	vld [tilespmem:s14+$0x40]  }
0x96: {  	v2 =	vld [tilespmem:s20+$0x12EC8];
	_ =	sdelay $0x4  }
0x97: {  	v1 =	vadd.f32 v2, v1;
	v2 =	vadd.f32 v2, v0;
	_ =	sdelay $0x1  }
0x98: {  	vm0 =	vge.f32 v1, $0.0e+00;
	v3 =	vmul.f32 $2.000000030e-01, v1;
	v4 =	vmul.f32 $2.000000030e-01, v2  }
0x99: {  	vm1 =	vge.f32 v2, $0.0e+00  }
0x9a: {  	v1 =	vsel vm0, v1, v3;
	v2 =	vsel vm1, v2, v4  }
0x9b: {  	v1 =	vsub.f32 v1, v2;
	_ =	sdelay $0x1  }
0x9c: {  	v1 =	vmul.f32 $1.442695020e+00, v1;
	_ =	sdelay $0x1  }
0x9d: {  	(erf) = vpow2.f32 v1;
	_ =	sdelay $0x8  }
0x9e: {  	v1 =	vpop (erf)  }
0x9f: {  	[tilespmem:s16+$0x38] =	vst v1  }
0xa0: {  	v2 =	vld [tilespmem:s14+$0x0];
	_ =	sdelay $0x4  }
0xa1: {  	v2 =	vmul.f32 v1, v2;
	_ =	sdelay $0x1  }
0xa2: {  	[tilespmem:s16+$0x0] =	vst v2  }
0xa3: {  	v2 =	vld [tilespmem:s14+$0x10];
	_ =	sdelay $0x4  }
0xa4: {  	v2 =	vmul.f32 v1, v2;
	_ =	sdelay $0x1  }
0xa5: {  	[tilespmem:s16+$0x10] =	vst v2  }
0xa6: {  	v2 =	vld [tilespmem:s14+$0x20];
	_ =	sdelay $0x4  }
0xa7: {  	v2 =	vmul.f32 v1, v2;
	_ =	sdelay $0x1  }
0xa8: {  	[tilespmem:s16+$0x20] =	vst v2  }
0xa9: {  	v2 =	vld [tilespmem:s14+$0x30]  }
.Ltmp0:
0xaa: {  	(pc) =	sbr.rel @p2 .LBB2_3-.Ltmp0, $2  }
0xab: {  	_ =	sdelay $0x2  }
0xac: {  	v1 =	vmul.f32 v2, v1  }
0xad: {  	_ = 	snop  }
0xae: {  	[tilespmem:s4+$0x30] =	vst v1  }
0xaf: {  	v1 =	vld [tilespmem:s12+$0xEAB8];
	_ =	sdelay $0x4  }
0xb0: {  	[tilespmem:$0xFE68] =	vst v1  }
0xb1: {  	v1 =	vld [tilespmem:s12+$0xEAC8];
	_ =	sdelay $0x4  }
0xb2: {  	[tilespmem:$0xFE78] =	vst v1  }
0xb3: {  	v1 =	vld [tilespmem:s12+$0xEAD8];
	_ =	sdelay $0x4  }
0xb4: {  	[tilespmem:$0xFE88] =	vst v1  }
0xb5: {  	[spmem:s1] =	stream.indirect.scatter.add.f32 [tilespmem:s2], [sflag:$0x5], $0x48, s0, s24, $0xb8;
	[tilespmem:$0x14FD8] =	vst v63  }
0xb6: {  	s16 =	sadd.s32 $0xD768, s12  }
0xb7: {  	[tilespmem:s25], [sflag:$0x1] =	stream.indirect.gather [hbm4b:s5+s24], $0x80, s16, s24, $0xb8;
	[tilespmem:$0x14FD8] =	vst v63  }
0xb8: {  	s19 =	sadd.s32 $0xEB18, s12  }
0xb9: {  	[tilespmem:s26], [sflag:$0x3] =	stream.indirect.gather [spmem:s3], $0x10, s19, s24, $0xb8;
	[tilespmem:$0x14FD8] =	vst v63  }
0xba: {  	_ =	swait.ge [sflag:s23], $0x1800  }
0xbb: {  	[sflag:s23] =	ssyncset.done $0x0  }
0xbc: {  	[sflag:s23] =	ssyncadd.s32 $0xFFFFE800  }
0xbd: {  	_ =	swait.ge [sflag:s6], $0x300  }
0xbe: {  	[sflag:s6] =	ssyncset.done $0x0  }
0xbf: {  	s4 =	simm.s32 @!p1 $0x6;
	[sflag:s6] =	ssyncadd.s32 $0xFFFFFD00  }
0xc0: {  	_ =	swait.ge @!p1 [sflag:s4], $0xD80  }
0xc1: {  	[sflag:s4] =	ssyncset.done @!p1 $0x0  }
0xc2: {  	s14 =	simm.s32 $0x11748;
	[sflag:s4] =	ssyncadd.s32 @!p1 $0xFFFFF280  }
0xc3: {  	s20 =	simm.s32 $0x10;
	v1 =	vld [tilespmem:s14+$0xFFFFFFC0]  }
0xc4: {  	v2 =	vld [tilespmem:s20+$0x131B8];
	_ =	sdelay $0x4  }
0xc5: {  	v1 =	vadd.f32 v2, v1;
	v2 =	vadd.f32 v2, v0;
	_ =	sdelay $0x1  }
0xc6: {  	v3 =	vmul.f32 $2.000000030e-01, v1;
	v4 =	vmul.f32 $2.000000030e-01, v2  }
0xc7: {  	vm0 =	vge.f32 v1, $0.0e+00;
	vm1 =	vge.f32 v2, $0.0e+00  }
0xc8: {  	v1 =	vsel vm0, v1, v3;
	v2 =	vsel vm1, v2, v4  }
0xc9: {  	v1 =	vsub.f32 v1, v2;
	_ =	sdelay $0x1  }
0xca: {  	v1 =	vmul.f32 $1.442695020e+00, v1;
	_ =	sdelay $0x1  }
0xcb: {  	(erf) = vpow2.f32 v1;
	_ =	sdelay $0x8  }
0xcc: {  	s16 =	simm.s32 $0x14290;
	v1 =	vpop (erf)  }
0xcd: {  	[tilespmem:s16+$0xFFFFFFF0] =	vst v1  }
0xce: {  	v2 =	vld [tilespmem:s14+$0xFFFFFF80];
	_ =	sdelay $0x4  }
0xcf: {  	v2 =	vmul.f32 v1, v2;
	_ =	sdelay $0x1  }
0xd0: {  	[tilespmem:s16+$0xFFFFFFB8] =	vst v2  }
0xd1: {  	v2 =	vld [tilespmem:s14+$0xFFFFFF90];
	_ =	sdelay $0x4  }
0xd2: {  	v2 =	vmul.f32 v1, v2;
	_ =	sdelay $0x1  }
0xd3: {  	[tilespmem:s16+$0xFFFFFFC8] =	vst v2  }
0xd4: {  	v2 =	vld [tilespmem:s14+$0xFFFFFFA0];
	_ =	sdelay $0x4  }
0xd5: {  	v2 =	vmul.f32 v1, v2;
	_ =	sdelay $0x1  }
0xd6: {  	[tilespmem:s16+$0xFFFFFFD8] =	vst v2  }
0xd7: {  	v2 =	vld [tilespmem:s14+$0xFFFFFFB0];
	_ =	sdelay $0x4  }
0xd8: {  	v1 =	vmul.f32 v2, v1;
	_ =	sdelay $0x1  }
0xd9: {  	[tilespmem:s16+$0xFFFFFFE8] =	vst v1  }
0xda: {  	v1 =	vld [tilespmem:s14+$0x40]  }
0xdb: {  	v2 =	vld [tilespmem:s20+$0x131C8];
	_ =	sdelay $0x4  }
0xdc: {  	v1 =	vadd.f32 v2, v1;
	v2 =	vadd.f32 v2, v0;
	_ =	sdelay $0x1  }
0xdd: {  	v3 =	vmul.f32 $2.000000030e-01, v1;
	v63 =	vmul.f32 $2.000000030e-01, v2  }
0xde: {  	vm14 =	vge.f32 v1, $0.0e+00;
	vm15 =	vge.f32 v2, $0.0e+00  }
0xdf: {  	v1 =	vsel vm14, v1, v3;
	v2 =	vsel vm15, v2, v63  }
0xe0: {  	v1 =	vsub.f32 v1, v2;
	_ =	sdelay $0x1  }
0xe1: {  	v1 =	vmul.f32 $1.442695020e+00, v1;
	_ =	sdelay $0x1  }
0xe2: {  	(erf) = vpow2.f32 v1;
	_ =	sdelay $0x8  }
0xe3: {  	v1 =	vpop (erf)  }
0xe4: {  	[tilespmem:s16+$0x38] =	vst v1  }
0xe5: {  	v2 =	vld [tilespmem:s14+$0x0];
	_ =	sdelay $0x4  }
0xe6: {  	v2 =	vmul.f32 v1, v2;
	_ =	sdelay $0x1  }
0xe7: {  	[tilespmem:s16+$0x0] =	vst v2  }
0xe8: {  	v2 =	vld [tilespmem:s14+$0x10];
	_ =	sdelay $0x4  }
0xe9: {  	v2 =	vmul.f32 v1, v2;
	_ =	sdelay $0x1  }
0xea: {  	[tilespmem:s16+$0x10] =	vst v2  }
0xeb: {  	v2 =	vld [tilespmem:s14+$0x20];
	_ =	sdelay $0x4  }
0xec: {  	v2 =	vmul.f32 v1, v2;
	_ =	sdelay $0x1  }
0xed: {  	[tilespmem:s16+$0x20] =	vst v2  }
0xee: {  	v2 =	vld [tilespmem:s14+$0x30];
	_ =	sdelay $0x4  }
0xef: {  	s19 =	simm.s32 $0xC0;
	s4 =	simm.s32 $0x14290;
	v1 =	vmul.f32 v2, v1  }
.LBB2_5:
0xf0: {  	p1 =	sne.s32 s19, $0xBC0;
	s14 =	sadd.s32 $0x100, s14;
	s16 =	sadd.s32 $0x90, s16  }
0xf1: {  	s20 =	smov.u32 s19;
	s19 =	sadd.s32 $0x80, s19;
	[tilespmem:s4+$0x30] =	vst v1;
	s4 =	smov.u32 s16  }
0xf2: {  	s20 =	sshra.s32 s20, $0x2;
	v1 =	vld [tilespmem:s14+$0xFFFFFFC0]  }
0xf3: {  	v2 =	vld [tilespmem:s20+$0x131B8];
	_ =	sdelay $0x4  }
0xf4: {  	v1 =	vadd.f32 v2, v1;
	v2 =	vadd.f32 v2, v0;
	_ =	sdelay $0x1  }
0xf5: {  	v3 =	vmul.f32 $2.000000030e-01, v1;
	v4 =	vmul.f32 $2.000000030e-01, v2  }
0xf6: {  	vm0 =	vge.f32 v1, $0.0e+00;
	vm1 =	vge.f32 v2, $0.0e+00  }
0xf7: {  	v1 =	vsel vm0, v1, v3;
	v2 =	vsel vm1, v2, v4  }
0xf8: {  	v1 =	vsub.f32 v1, v2;
	_ =	sdelay $0x1  }
0xf9: {  	v1 =	vmul.f32 $1.442695020e+00, v1;
	_ =	sdelay $0x1  }
0xfa: {  	(erf) = vpow2.f32 v1;
	_ =	sdelay $0x8  }
0xfb: {  	v1 =	vpop (erf)  }
0xfc: {  	[tilespmem:s16+$0xFFFFFFF0] =	vst v1  }
0xfd: {  	v2 =	vld [tilespmem:s14+$0xFFFFFF80];
	_ =	sdelay $0x4  }
0xfe: {  	v2 =	vmul.f32 v1, v2;
	_ =	sdelay $0x1  }
0xff: {  	[tilespmem:s16+$0xFFFFFFB8] =	vst v2  }
0x100: {  	v2 =	vld [tilespmem:s14+$0xFFFFFF90];
	_ =	sdelay $0x4  }
0x101: {  	v2 =	vmul.f32 v1, v2;
	_ =	sdelay $0x1  }
0x102: {  	[tilespmem:s16+$0xFFFFFFC8] =	vst v2  }
0x103: {  	v2 =	vld [tilespmem:s14+$0xFFFFFFA0];
	_ =	sdelay $0x4  }
0x104: {  	v2 =	vmul.f32 v1, v2;
	_ =	sdelay $0x1  }
0x105: {  	[tilespmem:s16+$0xFFFFFFD8] =	vst v2  }
0x106: {  	v2 =	vld [tilespmem:s14+$0xFFFFFFB0];
	_ =	sdelay $0x4  }
0x107: {  	v1 =	vmul.f32 v2, v1;
	_ =	sdelay $0x1  }
0x108: {  	[tilespmem:s16+$0xFFFFFFE8] =	vst v1  }
0x109: {  	v1 =	vld [tilespmem:s14+$0x40]  }
0x10a: {  	v2 =	vld [tilespmem:s20+$0x131C8];
	_ =	sdelay $0x4  }
0x10b: {  	v1 =	vadd.f32 v2, v1;
	v2 =	vadd.f32 v2, v0;
	_ =	sdelay $0x1  }
0x10c: {  	vm0 =	vge.f32 v1, $0.0e+00;
	v3 =	vmul.f32 $2.000000030e-01, v1;
	v4 =	vmul.f32 $2.000000030e-01, v2  }
0x10d: {  	vm1 =	vge.f32 v2, $0.0e+00  }
0x10e: {  	v1 =	vsel vm0, v1, v3;
	v2 =	vsel vm1, v2, v4  }
0x10f: {  	v1 =	vsub.f32 v1, v2;
	_ =	sdelay $0x1  }
0x110: {  	v1 =	vmul.f32 $1.442695020e+00, v1;
	_ =	sdelay $0x1  }
0x111: {  	(erf) = vpow2.f32 v1;
	_ =	sdelay $0x8  }
0x112: {  	v1 =	vpop (erf)  }
0x113: {  	[tilespmem:s16+$0x38] =	vst v1  }
0x114: {  	v2 =	vld [tilespmem:s14+$0x0];
	_ =	sdelay $0x4  }
0x115: {  	v2 =	vmul.f32 v1, v2;
	_ =	sdelay $0x1  }
0x116: {  	[tilespmem:s16+$0x0] =	vst v2  }
0x117: {  	v2 =	vld [tilespmem:s14+$0x10];
	_ =	sdelay $0x4  }
0x118: {  	v2 =	vmul.f32 v1, v2;
	_ =	sdelay $0x1  }
0x119: {  	[tilespmem:s16+$0x10] =	vst v2  }
0x11a: {  	v2 =	vld [tilespmem:s14+$0x20];
	_ =	sdelay $0x4  }
0x11b: {  	v2 =	vmul.f32 v1, v2;
	_ =	sdelay $0x1  }
0x11c: {  	[tilespmem:s16+$0x20] =	vst v2  }
0x11d: {  	v2 =	vld [tilespmem:s14+$0x30]  }
.Ltmp1:
0x11e: {  	(pc) =	sbr.rel @p1 .LBB2_5-.Ltmp1, $2  }
0x11f: {  	_ =	sdelay $0x2  }
0x120: {  	v1 =	vmul.f32 v2, v1  }
0x121: {  	_ = 	snop  }
0x122: {  	[tilespmem:s4+$0x30] =	vst v1  }
0x123: {  	v1 =	vld [tilespmem:s13+$0xEAB8];
	_ =	sdelay $0x4  }
0x124: {  	[tilespmem:$0xFE98] =	vst v1  }
0x125: {  	v1 =	vld [tilespmem:s12+$0xEAF8];
	_ =	sdelay $0x4  }
0x126: {  	[tilespmem:$0xFEA8] =	vst v1  }
0x127: {  	s22 =	sadd.s32 $0x1, s22;
	v1 =	vld [tilespmem:s12+$0xEB08]  }
0x128: {  	p1 =	sne.s32 s22, $0x34  }
.Ltmp2:
0x129: {  	_ = 	snop;
	(pc) =	sbr.rel @p1 .LBB2_2-.Ltmp2, $3  }
0x12a: {  	_ =	sdelay $0x1  }
0x12b: {  	[tilespmem:$0xFEB8] =	vst v1  }
0x12c: {  	[spmem:s1] =	stream.indirect.scatter.add.f32 [tilespmem:s9], [sflag:$0x6], $0x48, s8, s24, $0xb8;
	[tilespmem:$0x14FD8] =	vst v63  }
0x12d: {  	_ =	swait.ge [sflag:s30], $0x1800  }
0x12e: {  	[sflag:s30] =	ssyncset.done $0x0  }
0x12f: {  	[sflag:s30] =	ssyncadd.s32 $0xFFFFE800  }
0x130: {  	_ =	swait.ge [sflag:s31], $0x300  }
0x131: {  	[sflag:s31] =	ssyncset.done $0x0  }
0x132: {  	[sflag:s31] =	ssyncadd.s32 $0xFFFFFD00  }
0x133: {  	_ =	swait.ge [sflag:s10], $0xD80  }
0x134: {  	[sflag:s10] =	ssyncset.done $0x0  }
0x135: {  	s12 =	simm.s32 $0xFF48;
	[sflag:s10] =	ssyncadd.s32 $0xFFFFF280  }
0x136: {  	s4 =	simm.s32 $0x10;
	v1 =	vld [tilespmem:s12+$0xFFFFFFC0]  }
0x137: {  	v2 =	vld [tilespmem:s4+$0x12EB8];
	_ =	sdelay $0x4  }
0x138: {  	v1 =	vadd.f32 v2, v1;
	v2 =	vadd.f32 v2, v0;
	_ =	sdelay $0x1  }
0x139: {  	v3 =	vmul.f32 $2.000000030e-01, v1;
	v4 =	vmul.f32 $2.000000030e-01, v2  }
0x13a: {  	vm0 =	vge.f32 v1, $0.0e+00;
	vm1 =	vge.f32 v2, $0.0e+00  }
0x13b: {  	v1 =	vsel vm0, v1, v3;
	v2 =	vsel vm1, v2, v4  }
0x13c: {  	v1 =	vsub.f32 v1, v2;
	_ =	sdelay $0x1  }
0x13d: {  	v1 =	vmul.f32 $1.442695020e+00, v1;
	_ =	sdelay $0x1  }
0x13e: {  	(erf) = vpow2.f32 v1;
	_ =	sdelay $0x8  }
0x13f: {  	s13 =	simm.s32 $0x13510;
	v1 =	vpop (erf)  }
0x140: {  	[tilespmem:s13+$0xFFFFFFF0] =	vst v1  }
0x141: {  	v2 =	vld [tilespmem:s12+$0xFFFFFF80];
	_ =	sdelay $0x4  }
0x142: {  	v2 =	vmul.f32 v1, v2;
	_ =	sdelay $0x1  }
0x143: {  	[tilespmem:s13+$0xFFFFFFB8] =	vst v2  }
0x144: {  	v2 =	vld [tilespmem:s12+$0xFFFFFF90];
	_ =	sdelay $0x4  }
0x145: {  	v2 =	vmul.f32 v1, v2;
	_ =	sdelay $0x1  }
0x146: {  	[tilespmem:s13+$0xFFFFFFC8] =	vst v2  }
0x147: {  	v2 =	vld [tilespmem:s12+$0xFFFFFFA0];
	_ =	sdelay $0x4  }
0x148: {  	v2 =	vmul.f32 v1, v2;
	_ =	sdelay $0x1  }
0x149: {  	[tilespmem:s13+$0xFFFFFFD8] =	vst v2  }
0x14a: {  	v2 =	vld [tilespmem:s12+$0xFFFFFFB0];
	_ =	sdelay $0x4  }
0x14b: {  	v1 =	vmul.f32 v2, v1;
	_ =	sdelay $0x1  }
0x14c: {  	[tilespmem:s13+$0xFFFFFFE8] =	vst v1  }
0x14d: {  	v1 =	vld [tilespmem:s12+$0x40]  }
0x14e: {  	v2 =	vld [tilespmem:s4+$0x12EC8];
	_ =	sdelay $0x4  }
0x14f: {  	v1 =	vadd.f32 v2, v1;
	v2 =	vadd.f32 v2, v0;
	_ =	sdelay $0x1  }
0x150: {  	v3 =	vmul.f32 $2.000000030e-01, v1;
	v63 =	vmul.f32 $2.000000030e-01, v2  }
0x151: {  	vm14 =	vge.f32 v1, $0.0e+00;
	vm15 =	vge.f32 v2, $0.0e+00  }
0x152: {  	v1 =	vsel vm14, v1, v3;
	v2 =	vsel vm15, v2, v63  }
0x153: {  	v1 =	vsub.f32 v1, v2;
	_ =	sdelay $0x1  }
0x154: {  	v1 =	vmul.f32 $1.442695020e+00, v1;
	_ =	sdelay $0x1  }
0x155: {  	(erf) = vpow2.f32 v1;
	_ =	sdelay $0x8  }
0x156: {  	v1 =	vpop (erf)  }
0x157: {  	[tilespmem:s13+$0x38] =	vst v1  }
0x158: {  	v2 =	vld [tilespmem:s12+$0x0];
	_ =	sdelay $0x4  }
0x159: {  	v2 =	vmul.f32 v1, v2;
	_ =	sdelay $0x1  }
0x15a: {  	[tilespmem:s13+$0x0] =	vst v2  }
0x15b: {  	v2 =	vld [tilespmem:s12+$0x10];
	_ =	sdelay $0x4  }
0x15c: {  	v2 =	vmul.f32 v1, v2;
	_ =	sdelay $0x1  }
0x15d: {  	[tilespmem:s13+$0x10] =	vst v2  }
0x15e: {  	v2 =	vld [tilespmem:s12+$0x20];
	_ =	sdelay $0x4  }
0x15f: {  	v2 =	vmul.f32 v1, v2;
	_ =	sdelay $0x1  }
0x160: {  	[tilespmem:s13+$0x20] =	vst v2  }
0x161: {  	v2 =	vld [tilespmem:s12+$0x30];
	_ =	sdelay $0x4  }
0x162: {  	s14 =	simm.s32 $0xC0;
	s4 =	simm.s32 $0x13510;
	v1 =	vmul.f32 v2, v1  }
.LBB2_8:
0x163: {  	p1 =	sne.s32 s14, $0xBC0;
	s12 =	sadd.s32 $0x100, s12;
	s13 =	sadd.s32 $0x90, s13  }
0x164: {  	s16 =	smov.u32 s14;
	s14 =	sadd.s32 $0x80, s14;
	[tilespmem:s4+$0x30] =	vst v1;
	s4 =	smov.u32 s13  }
0x165: {  	s16 =	sshra.s32 s16, $0x2;
	v1 =	vld [tilespmem:s12+$0xFFFFFFC0]  }
0x166: {  	v2 =	vld [tilespmem:s16+$0x12EB8];
	_ =	sdelay $0x4  }
0x167: {  	v1 =	vadd.f32 v2, v1;
	v2 =	vadd.f32 v2, v0;
	_ =	sdelay $0x1  }
0x168: {  	v3 =	vmul.f32 $2.000000030e-01, v1;
	v4 =	vmul.f32 $2.000000030e-01, v2  }
0x169: {  	vm0 =	vge.f32 v1, $0.0e+00;
	vm1 =	vge.f32 v2, $0.0e+00  }
0x16a: {  	v1 =	vsel vm0, v1, v3;
	v2 =	vsel vm1, v2, v4  }
0x16b: {  	v1 =	vsub.f32 v1, v2;
	_ =	sdelay $0x1  }
0x16c: {  	v1 =	vmul.f32 $1.442695020e+00, v1;
	_ =	sdelay $0x1  }
0x16d: {  	(erf) = vpow2.f32 v1;
	_ =	sdelay $0x8  }
0x16e: {  	v1 =	vpop (erf)  }
0x16f: {  	[tilespmem:s13+$0xFFFFFFF0] =	vst v1  }
0x170: {  	v2 =	vld [tilespmem:s12+$0xFFFFFF80];
	_ =	sdelay $0x4  }
0x171: {  	v2 =	vmul.f32 v1, v2;
	_ =	sdelay $0x1  }
0x172: {  	[tilespmem:s13+$0xFFFFFFB8] =	vst v2  }
0x173: {  	v2 =	vld [tilespmem:s12+$0xFFFFFF90];
	_ =	sdelay $0x4  }
0x174: {  	v2 =	vmul.f32 v1, v2;
	_ =	sdelay $0x1  }
0x175: {  	[tilespmem:s13+$0xFFFFFFC8] =	vst v2  }
0x176: {  	v2 =	vld [tilespmem:s12+$0xFFFFFFA0];
	_ =	sdelay $0x4  }
0x177: {  	v2 =	vmul.f32 v1, v2;
	_ =	sdelay $0x1  }
0x178: {  	[tilespmem:s13+$0xFFFFFFD8] =	vst v2  }
0x179: {  	v2 =	vld [tilespmem:s12+$0xFFFFFFB0];
	_ =	sdelay $0x4  }
0x17a: {  	v1 =	vmul.f32 v2, v1;
	_ =	sdelay $0x1  }
0x17b: {  	[tilespmem:s13+$0xFFFFFFE8] =	vst v1  }
0x17c: {  	v1 =	vld [tilespmem:s12+$0x40]  }
0x17d: {  	v2 =	vld [tilespmem:s16+$0x12EC8];
	_ =	sdelay $0x4  }
0x17e: {  	v1 =	vadd.f32 v2, v1;
	v2 =	vadd.f32 v2, v0;
	_ =	sdelay $0x1  }
0x17f: {  	vm0 =	vge.f32 v1, $0.0e+00;
	v3 =	vmul.f32 $2.000000030e-01, v1;
	v4 =	vmul.f32 $2.000000030e-01, v2  }
0x180: {  	vm1 =	vge.f32 v2, $0.0e+00  }
0x181: {  	v1 =	vsel vm0, v1, v3;
	v2 =	vsel vm1, v2, v4  }
0x182: {  	v1 =	vsub.f32 v1, v2;
	_ =	sdelay $0x1  }
0x183: {  	v1 =	vmul.f32 $1.442695020e+00, v1;
	_ =	sdelay $0x1  }
0x184: {  	(erf) = vpow2.f32 v1;
	_ =	sdelay $0x8  }
0x185: {  	v1 =	vpop (erf)  }
0x186: {  	[tilespmem:s13+$0x38] =	vst v1  }
0x187: {  	v2 =	vld [tilespmem:s12+$0x0];
	_ =	sdelay $0x4  }
0x188: {  	v2 =	vmul.f32 v1, v2;
	_ =	sdelay $0x1  }
0x189: {  	[tilespmem:s13+$0x0] =	vst v2  }
0x18a: {  	v2 =	vld [tilespmem:s12+$0x10];
	_ =	sdelay $0x4  }
0x18b: {  	v2 =	vmul.f32 v1, v2;
	_ =	sdelay $0x1  }
0x18c: {  	[tilespmem:s13+$0x10] =	vst v2  }
0x18d: {  	v2 =	vld [tilespmem:s12+$0x20];
	_ =	sdelay $0x4  }
0x18e: {  	v2 =	vmul.f32 v1, v2;
	_ =	sdelay $0x1  }
0x18f: {  	[tilespmem:s13+$0x20] =	vst v2  }
0x190: {  	v2 =	vld [tilespmem:s12+$0x30]  }
.Ltmp3:
0x191: {  	(pc) =	sbr.rel @p1 .LBB2_8-.Ltmp3, $2  }
0x192: {  	_ =	sdelay $0x2  }
0x193: {  	v1 =	vmul.f32 v2, v1  }
0x194: {  	_ = 	snop  }
0x195: {  	[tilespmem:s4+$0x30] =	vst v1  }
0x196: {  	v0 =	vld [tilespmem:$0xFE38]  }
0x197: {  	v1 =	vld [tilespmem:$0xFE48]  }
0x198: {  	v2 =	vld [tilespmem:$0xFE58];
	_ =	sdelay $0x2  }
0x199: {  	[tilespmem:$0xFE68] =	vst v0  }
0x19a: {  	[tilespmem:$0xFE78] =	vst v1  }
0x19b: {  	s20 =	simm.s32 $0x6;
	[tilespmem:$0xFE88] =	vst v2  }
0x19c: {  	[spmem:s1] =	stream.indirect.scatter.add.f32 [tilespmem:s2], [sflag:$0x5], $0x48, s0, s24, $0xb8;
	[tilespmem:$0x14FD8] =	vst v63  }
0x19d: {  	_ =	swait.ge [sflag:s20], $0xD80  }
0x19e: {  	[sflag:s20] =	ssyncset.done $0x0  }
0x19f: {  	[sflag:s20] =	ssyncadd.s32 $0xFFFFF280  }
0x1a0: {  	_ =	swait.ge [sflag:s10], $0xD80  }
0x1a1: {  	[sflag:s10] =	ssyncset.done $0x0  }
0x1a2: {  	[sflag:s10] =	ssyncadd.s32 $0xFFFFF280  }
0x1a3: {  	s12 =	simm.s32 @p0 $0x10;
	s13 =	simm.s32 @p0 $0x9;
	[bflag:$0x0] =	sbarrier.arrive $0xFFFF  }
0x1a4: {  	s14 =	simm.s32 @p0 $0x1FC7;
	s4 =	simm.s32 @p0 $0x1;
	s16 =	rddreg [dreg:$0xb]  }
0x1a5: {  	[hbm:s16@s12], [sflag:s14] =	dma.strided @p0 [spmem:s15@s13], $0x1248, s4, $0x9   }
0x1a6: {  	s4 =	simm.s32 @p0 $0x7  }
0x1a7: {  	_ =	swait.ge @p0 [sflag:s4], $0x1248  }
0x1a8: {  	s12 =	simm.s32 @!p0 $0x10;
	s13 =	simm.s32 @!p0 $0x9;
	[sflag:s4] =	ssyncset.done @p0 $0x0  }
0x1a9: {  	s14 =	rddreg [dreg:$0xa];
	[sflag:s4] =	ssyncadd.s32 @p0 $0xFFFFEDB8;
	s4 =	simm.s32 @!p0 $0x1  }
0x1aa: {  	[hbm:s14@s12], [sflag:s17] =	dma.strided @!p0 [spmem:s18@s13], $0x1638, s4, $0x9   }
0x1ab: {  	s4 =	simm.s32 @!p0 $0x7  }
0x1ac: {  	_ =	swait.ge @!p0 [sflag:s4], $0x1638  }
0x1ad: {  	s11 =	sadd.s32 $0x1, s11;
	s22 =	rddreg [dreg:$0xc]  }
0x1ae: {  	p1 =	sne.s32 s11, s22  }
.Ltmp4:
0x1af: {  	_ = 	snop;
	(pc) =	sbr.rel @p1 .LBB2_1-.Ltmp4, $3  }
0x1b0: {  	_ =	sdelay $0x1  }
0x1b1: {  	[sflag:s4] =	ssyncset.done @!p0 $0x0  }
0x1b2: {  	[sflag:s4] =	ssyncadd.s32 @!p0 $0xFFFFE9C8  }
0x1b3: {  	_ =	sfence.sel $0x180000  }
0x1b4: {  	[bflag:$0x0] =	sbarrier.arrive $0xFFFF  }
0x1b5: {  	_ =	strace $0x90000047  }
0x1b6: {  	s0 =	stileid.u32;
	[bflag:$0x2] =	sbarrier.arrive $0xFFFF  }
0x1b7: {  	p0 =	sne.s32 s0, $0x0;
	s0 =	rddreg [dreg:$0x4]  }
0x1b8: {  	s0 =	sadd.s32 @!p0 $0x100000, s0  }
0x1b9: {  	[sflag:s0] =	ssyncadd.tile.s32 @!p0 $0x1;
	_ =	shalt  }
.Lfunc_end2:
_tile_overlayer_lowered:
.L_overlay_start_2:
0x1ba: {  	(tag) =	ssettag $0x2  }
0x1bb: {  	s0 =	rddreg [dreg:$0x0];
	s2 =	stileid.u32  }
0x1bc: {  	s1 =	rddreg [dreg:$0x1];
	p0 =	sne.s32 s2, $0x0  }
0x1bd: {  	s3 =	rddreg [dreg:$0x2];
	[bflag:$0x3] =	sbarrier.arrive $0xFFFF;
	s2 =	simm.s32 @!p0 $0x1C07  }
0x1be: {  	[timem:s3], [sflag:s2] =	dma.local @!p0 [hbm:s0], s1  }
0x1bf: {  	s0 =	simm.s32 @!p0 $0x7  }
0x1c0: {  	_ =	swait.ge @!p0 [sflag:s0], s1  }
0x1c1: {  	s1 =	ssub.s32 @!p0 $0x0, s1;
	[sflag:s0] =	ssyncset.done @!p0 $0x0  }
0x1c2: {  	[sflag:s0] =	ssyncadd.s32 @!p0 s1  }
0x1c3: {  	[bflag:$0x3] =	sbarrier.arrive $0xFFFF  }
0x1c4: {  	_ =	shalt  }

</sc_bundles>
